<compile_context>
chip_gen: v7x
topology: tpu7x:2x2x1
jax: 0.10.2.dev20260603
libtpu: 0.0.44.dev20260713+nightly
codegen_flags: <defaults>
</compile_context>

<pallas_src>
import functools

import jax
import jax.numpy as jnp
from jax import lax
from jax.experimental import pallas as pl
from jax.experimental.pallas import tpu as pltpu
from jax.experimental.pallas import tpu_sc as plsc

N = 10000
D = 128
E = 320000

NC = 2
NS = 16
NW = NC * NS
L = 16
NP = 10112
RPT = NP // NS
EW = E // NW
PKW = EW // 2
PKP = 5120
PADE = (PKP - PKW) * 2
B = 64
ROWS = PKP // 128
CPR = 4

DRT = 640

RB = 1000
GRID = N // RB

_f32 = jnp.float32


def _make_sc_agg(with_deg: bool):
  mesh = plsc.VectorSubcoreMesh(
      core_axis_name="c", subcore_axis_name="s",
      num_cores=NC, num_subcores=NS)
  out_type = [jax.ShapeDtypeStruct((NC, NP, D), _f32)]
  scratch = [
      pltpu.VMEM((ROWS, 128), jnp.int32),
      pltpu.VMEM((ROWS, 128), jnp.int32),
      pltpu.VMEM((4, B), jnp.int32),
      pltpu.VMEM((4, B), jnp.int32),
      pltpu.VMEM((4, B, D), _f32),
      pltpu.VMEM((8, D), _f32),
      pltpu.VMEM_SHARED((NP, D), _f32),
      pltpu.SemaphoreType.DMA((4,)),
      pltpu.SemaphoreType.DMA((4,)),
      pltpu.SemaphoreType.DMA,
  ]
  if with_deg:
    out_type.append(jax.ShapeDtypeStruct((NC * NS * DRT,), _f32))
    scratch += [
        pltpu.VMEM((B,), _f32),
        pltpu.VMEM((DRT,), _f32),
        pltpu.VMEM_SHARED((NS * DRT,), _f32),
    ]

  def body(z_hbm, src_hbm, dst_hbm, *rest):
    if with_deg:
      (agg_out, deg_out, srcp_v, dstp_v, sidx, didx, rows_v, wb8,
       agg_sh, semg, sems, semd, ones_v, degb, deg_sh) = rest
    else:
      (agg_out, srcp_v, dstp_v, sidx, didx, rows_v, wb8, agg_sh,
       semg, sems, semd) = rest

    cid = lax.axis_index("c")
    sid = lax.axis_index("s")
    w = cid * NS + sid
    base = sid * RPT
    zero16 = jnp.zeros((L,), _f32)

    def zb(i, c):
      for k in range(D // L):
        wb8[i, pl.ds(k * L, L)] = zero16
      return c
    lax.fori_loop(0, 8, zb, 0)

    def zs(t, c):
      pltpu.sync_copy(wb8, agg_sh.at[pl.ds(base + t * 8, 8)])
      return c
    lax.fori_loop(0, RPT // 8, zs, 0)
    pltpu.sync_copy(src_hbm.at[w], srcp_v)
    pltpu.sync_copy(dst_hbm.at[w], dstp_v)

    if with_deg:
      def zdg(i, c):
        degb[pl.ds(i * L, L)] = zero16
        return c
      lax.fori_loop(0, DRT // L, zdg, 0)
      pltpu.sync_copy(degb, deg_sh.at[pl.ds(sid * DRT, DRT)])
      for k in range(B // L):
        ones_v[pl.ds(k * L, L)] = jnp.ones((L,), _f32)

    plsc.subcore_barrier()

    def row(rr, c):
      copies = []
      for q in range(4):
        @pl.when(rr > 0)
        def _drain(q=q):
          pltpu.make_async_copy(rows_v.at[q], agg_sh.at[didx.at[q]],
                                sems.at[q]).wait()
          if with_deg:
            pltpu.make_async_copy(ones_v, deg_sh.at[didx.at[q]],
                                  semd).wait()
        for g in range(2):
          spk = srcp_v[rr, pl.ds((q * 2 + g) * L, L)]
          dpk = dstp_v[rr, pl.ds((q * 2 + g) * L, L)]
          sidx[q, pl.ds(g * 2 * L, L)] = spk & 0xFFFF
          sidx[q, pl.ds((g * 2 + 1) * L, L)] = lax.shift_right_logical(spk, 16)
          didx[q, pl.ds(g * 2 * L, L)] = dpk & 0xFFFF
          didx[q, pl.ds((g * 2 + 1) * L, L)] = lax.shift_right_logical(dpk, 16)
        copies.append(pltpu.async_copy(z_hbm.at[sidx.at[q]], rows_v.at[q],
                                       semg.at[q]))
      for q in range(4):
        copies[q].wait()
        pltpu.async_copy(rows_v.at[q], agg_sh.at[didx.at[q]],
                         sems.at[q], add=True)
        if with_deg:
          pltpu.async_copy(ones_v, deg_sh.at[didx.at[q]], semd, add=True)
      return c
    lax.fori_loop(0, ROWS, row, 0)
    for q in range(4):
      pltpu.make_async_copy(rows_v.at[q], agg_sh.at[didx.at[q]],
                            sems.at[q]).wait()
      if with_deg:
        pltpu.make_async_copy(ones_v, deg_sh.at[didx.at[q]], semd).wait()

    plsc.subcore_barrier()

    def wb(t, c):
      pltpu.sync_copy(agg_sh.at[pl.ds(base + t * 8, 8)], wb8)
      pltpu.sync_copy(wb8, agg_out.at[cid, pl.ds(base + t * 8, 8)])
      return c
    lax.fori_loop(0, RPT // 8, wb, 0)
    if with_deg:
      pltpu.sync_copy(deg_sh.at[pl.ds(sid * DRT, DRT)], degb)
      pltpu.sync_copy(degb, deg_out.at[pl.ds((cid * NS + sid) * DRT, DRT)])

  return pl.kernel(body, out_type=out_type, mesh=mesh,
                   scratch_types=scratch)


_sc_agg_deg = _make_sc_agg(True)
_sc_agg = _make_sc_agg(False)


def _z_body(x_ref, wn_ref, z_ref):
  z_ref[...] = jnp.dot(x_ref[...], wn_ref[...], preferred_element_type=_f32)


def _s_body(x_ref, ws_ref, b_ref, s_ref):
  s_ref[...] = jnp.dot(x_ref[...], ws_ref[...],
                       preferred_element_type=_f32) + b_ref[...]


def _mid_body(add_bias, s0_ref, agg_ref, deg_ref, w_ref, b_ref, o_ref):
  a = agg_ref[...]
  d = deg_ref[...]
  inv = 1.0 / jnp.maximum(d[0] + d[1], 1.0)
  h = jnp.maximum(s0_ref[...] + (a[0] + a[1]) * inv, 0.0)
  o = jnp.dot(h, w_ref[...], preferred_element_type=_f32)
  o_ref[...] = o + b_ref[...] if add_bias else o


def _fin_body(s1_ref, agg_ref, deg_ref, o_ref):
  a = agg_ref[...]
  d = deg_ref[...]
  inv = 1.0 / jnp.maximum(d[0] + d[1], 1.0)
  o_ref[...] = s1_ref[...] + (a[0] + a[1]) * inv


_row_spec = pl.BlockSpec((RB, D), lambda i: (i, 0))
_agg_spec = pl.BlockSpec((NC, RB, D), lambda i: (0, i, 0))
_deg_spec = pl.BlockSpec((NC, RB, 1), lambda i: (0, i, 0))
_w_spec = pl.BlockSpec((D, D), lambda i: (0, 0))
_b_spec = pl.BlockSpec((1, D), lambda i: (0, 0))
_nd_shape = jax.ShapeDtypeStruct((N, D), _f32)

_mm_z = pl.pallas_call(
    _z_body, grid=(GRID,),
    in_specs=[_row_spec, _w_spec],
    out_specs=_row_spec, out_shape=_nd_shape)

_mm_s = pl.pallas_call(
    _s_body, grid=(GRID,),
    in_specs=[_row_spec, _w_spec, _b_spec],
    out_specs=_row_spec, out_shape=_nd_shape)

_mm_mid_z = pl.pallas_call(
    functools.partial(_mid_body, False), grid=(GRID,),
    in_specs=[_row_spec, _agg_spec, _deg_spec, _w_spec, _b_spec],
    out_specs=_row_spec, out_shape=_nd_shape)

_mm_mid_s = pl.pallas_call(
    functools.partial(_mid_body, True), grid=(GRID,),
    in_specs=[_row_spec, _agg_spec, _deg_spec, _w_spec, _b_spec],
    out_specs=_row_spec, out_shape=_nd_shape)

_mm_fin = pl.pallas_call(
    _fin_body, grid=(GRID,),
    in_specs=[_row_spec, _agg_spec, _deg_spec],
    out_specs=_row_spec,
    out_shape=_nd_shape)


def _pack(idx, pad_vals):
  pk = idx[0::2] | (idx[1::2] << 16)
  pk = pk.reshape(NW, PKW)
  pad = jnp.broadcast_to(pad_vals[None, :], (NW, PKP - PKW))
  return jnp.concatenate([pk, pad], axis=1).reshape(NW, ROWS, 128)


def kernel(x, edge_index, W_self_0, W_neigh_0, b_0, W_self_1, W_neigh_1, b_1):
  spad = (jnp.arange(PKP - PKW, dtype=jnp.int32) * 79) % N
  spad = spad | (((spad * 3 + 11) % N) << 16)
  dpad = N + (jnp.arange(PKP - PKW, dtype=jnp.int32) & 63)
  dpad = dpad | (dpad << 16)
  src = _pack(edge_index[0], spad)
  dst = _pack(edge_index[1], dpad)
  b0 = b_0.reshape(1, D)
  b1 = b_1.reshape(1, D)

  z0 = _mm_z(x, W_neigh_0)
  aggp, degf = _sc_agg_deg(z0, src, dst)
  s0 = _mm_s(x, W_self_0, b0)
  degp = degf.reshape(NC, NS * DRT)[:, :N].reshape(NC, N, 1)
  z1 = _mm_mid_z(s0, aggp, degp, W_neigh_1, b1)
  (aggp1,) = _sc_agg(z1, src, dst)
  s1 = _mm_mid_s(s0, aggp, degp, W_self_1, b1)
  return _mm_fin(s1, aggp1, degp)

# --- scband reference (transcript-rebuilt; emitter-appended) ---
"""Pipeline reference for scband-sage-77506979824092 (READ-ONLY COPY).

The authoritative reference and input builder live on the scoring server;
editing this copy changes nothing except your own understanding.
"""

import jax, jax.numpy as jnp
import numpy as np

N = 10000
E = 320000
D = 128
H = 128


def setup_inputs(seed: int = 0) -> dict:
    key = jax.random.key(seed)
    ks = jax.random.split(key, 10)
    x = jax.random.normal(ks[0], (N, D), dtype=jnp.float32)
    edge_index = jax.random.randint(ks[1], (2, E), 0, N, dtype=jnp.int32)
    s0 = 1.0 / np.sqrt(D)
    s1 = 1.0 / np.sqrt(H)
    W_self_0 = jax.random.normal(ks[2], (D, H), dtype=jnp.float32) * s0
    W_neigh_0 = jax.random.normal(ks[3], (D, H), dtype=jnp.float32) * s0
    b_0 = jnp.zeros((H,), dtype=jnp.float32)
    W_self_1 = jax.random.normal(ks[4], (H, H), dtype=jnp.float32) * s1
    W_neigh_1 = jax.random.normal(ks[5], (H, H), dtype=jnp.float32) * s1
    b_1 = jnp.zeros((H,), dtype=jnp.float32)
    return {
        "x": x,
        "edge_index": edge_index,
        "W_self_0": W_self_0,
        "W_neigh_0": W_neigh_0,
        "b_0": b_0,
        "W_self_1": W_self_1,
        "W_neigh_1": W_neigh_1,
        "b_1": b_1,
    }


def _sage_layer(h, src, dst, Ws, Wn, b):
    # DGL SAGEConv with 'mean' aggregator: fc_self(h) + fc_neigh(mean_{u->v} h_u) + bias
    msg = jnp.take(h, src, axis=0)                       # gather (SparseCore-friendly)
    agg = jax.ops.segment_sum(msg, dst, num_segments=N)  # scatter-add
    deg = jax.ops.segment_sum(jnp.ones((src.shape[0],), h.dtype), dst, num_segments=N)
    agg = agg / jnp.clip(deg, 1.0)[:, None]
    return h @ Ws + agg @ Wn + b


def reference(x, edge_index, W_self_0, W_neigh_0, b_0, W_self_1, W_neigh_1, b_1):
    src = edge_index[0]
    dst = edge_index[1]
    h = _sage_layer(x, src, dst, W_self_0, W_neigh_0, b_0)
    h = jax.nn.relu(h)  # activation + dropout(p=0.0) between layers; not applied after last layer
    h = _sage_layer(h, src, dst, W_self_1, W_neigh_1, b_1)
    return h

if __name__ == "__main__":
    import jax
    _d = setup_inputs()
    print(jax.jit(kernel)(*tuple(_d.values())))

</pallas_src>

<mosaic_0001>
#map = affine_map<(d0, d1) -> (0, 0)>
#map1 = affine_map<(d0, d1) -> (0, 0, 0)>
#map2 = affine_map<(d0, d1) -> (0)>
module attributes {stable_mosaic.version = 14 : i64} {
  func.func @body(%arg0: i32, %arg1: i32, %arg2: memref<10000x128xf32, #tpu.memory_space<hbm>>, %arg3: memref<32x40x128xi32, #tpu.memory_space<hbm>>, %arg4: memref<32x40x128xi32, #tpu.memory_space<hbm>>, %arg5: memref<2x10112x128xf32, #tpu.memory_space<hbm>>, %arg6: memref<20480xf32, #tpu.memory_space<hbm>>, %arg7: memref<40x128xi32, #tpu.memory_space<vmem>>, %arg8: memref<40x128xi32, #tpu.memory_space<vmem>>, %arg9: memref<4x64xi32, #tpu.memory_space<vmem>>, %arg10: memref<4x64xi32, #tpu.memory_space<vmem>>, %arg11: memref<4x64x128xf32, #tpu.memory_space<vmem>>, %arg12: memref<8x128xf32, #tpu.memory_space<vmem>>, %arg13: memref<10112x128xf32, #tpu.memory_space<vmem_shared>>, %arg14: memref<4x!tpu.dma_semaphore, #tpu.memory_space<semaphore_mem>>, %arg15: memref<4x!tpu.dma_semaphore, #tpu.memory_space<semaphore_mem>>, %arg16: memref<!tpu.dma_semaphore, #tpu.memory_space<semaphore_mem>>, %arg17: memref<64xf32, #tpu.memory_space<vmem>>, %arg18: memref<640xf32, #tpu.memory_space<vmem>>, %arg19: memref<10240xf32, #tpu.memory_space<vmem_shared>>) attributes {dimension_semantics = [#tpu.dimension_semantics<core_parallel>, #tpu.dimension_semantics<subcore_parallel>], iteration_bounds = array<i64: 2, 16>, scalar_prefetch = 0 : i64, scratch_operands = 13 : i64, tpu.core_type = #tpu.core_type<sc_vector_subcore>, window_params = [{transform_indices = #map}, {transform_indices = #map1}, {transform_indices = #map1}, {transform_indices = #map1}, {transform_indices = #map2}]} {
    %mul3A = arith.constant 16 : i32
    %mul3A_0 = arith.muli %arg0, %mul3A : i32
    %add3A = arith.addi %mul3A_0, %arg1 : i32
    %mul3A_1 = arith.constant 632 : i32
    %mul3A_2 = arith.muli %arg1, %mul3A_1 : i32
    %broadcast_in_dim3A = arith.constant 0.000000e+00 : f32
    %broadcast_in_dim3A_3 = vector.broadcast %broadcast_in_dim3A : f32 to vector<16xf32>
    %scan3A = arith.constant 0 : i32
    %scan3A_4 = arith.constant 0 : i32
    %scan3A_5 = arith.constant 8 : i32
    %scan3A_6 = arith.addi %scan3A_4, %scan3A_5 : i32
    %scan3A_7 = arith.constant 1 : i32
    scf.for %scan3A_149 = %scan3A_4 to %scan3A_6 step %scan3A_7  : i32 {
      %swap3A_150 = arith.index_cast %scan3A_149 : i32 to index
      %swap3A_151 = arith.constant 0 : index
      %swap3A_152 = tpu.vector_load %arg12[%swap3A_150, %swap3A_151] {strides = array<i32>} : memref<8x128xf32, #tpu.memory_space<vmem>>, vector<1x16xf32>,
      %swap3A_153 = vector.shape_cast %swap3A_152 : vector<1x16xf32> to vector<16xf32>
      %swap3A_154 = vector.shape_cast %broadcast_in_dim3A_3 : vector<16xf32> to vector<1x16xf32>
      tpu.vector_store %arg12[%swap3A_150, %swap3A_151], %swap3A_154 {strides = array<i32>} : memref<8x128xf32, #tpu.memory_space<vmem>>, vector<1x16xf32>,
      %swap3A_155 = arith.index_cast %scan3A_149 : i32 to index
      %swap3A_156 = arith.constant 16 : index
      %swap3A_157 = tpu.vector_load %arg12[%swap3A_155, %swap3A_156] {strides = array<i32>} : memref<8x128xf32, #tpu.memory_space<vmem>>, vector<1x16xf32>,
      %swap3A_158 = vector.shape_cast %swap3A_157 : vector<1x16xf32> to vector<16xf32>
      %swap3A_159 = vector.shape_cast %broadcast_in_dim3A_3 : vector<16xf32> to vector<1x16xf32>
      tpu.vector_store %arg12[%swap3A_155, %swap3A_156], %swap3A_159 {strides = array<i32>} : memref<8x128xf32, #tpu.memory_space<vmem>>, vector<1x16xf32>,
      %swap3A_160 = arith.index_cast %scan3A_149 : i32 to index
      %swap3A_161 = arith.constant 32 : index
      %swap3A_162 = tpu.vector_load %arg12[%swap3A_160, %swap3A_161] {strides = array<i32>} : memref<8x128xf32, #tpu.memory_space<vmem>>, vector<1x16xf32>,
      %swap3A_163 = vector.shape_cast %swap3A_162 : vector<1x16xf32> to vector<16xf32>
      %swap3A_164 = vector.shape_cast %broadcast_in_dim3A_3 : vector<16xf32> to vector<1x16xf32>
      tpu.vector_store %arg12[%swap3A_160, %swap3A_161], %swap3A_164 {strides = array<i32>} : memref<8x128xf32, #tpu.memory_space<vmem>>, vector<1x16xf32>,
      %swap3A_165 = arith.index_cast %scan3A_149 : i32 to index
      %swap3A_166 = arith.constant 48 : index
      %swap3A_167 = tpu.vector_load %arg12[%swap3A_165, %swap3A_166] {strides = array<i32>} : memref<8x128xf32, #tpu.memory_space<vmem>>, vector<1x16xf32>,
      %swap3A_168 = vector.shape_cast %swap3A_167 : vector<1x16xf32> to vector<16xf32>
      %swap3A_169 = vector.shape_cast %broadcast_in_dim3A_3 : vector<16xf32> to vector<1x16xf32>
      tpu.vector_store %arg12[%swap3A_165, %swap3A_166], %swap3A_169 {strides = array<i32>} : memref<8x128xf32, #tpu.memory_space<vmem>>, vector<1x16xf32>,
      %swap3A_170 = arith.index_cast %scan3A_149 : i32 to index
      %swap3A_171 = arith.constant 64 : index
      %swap3A_172 = tpu.vector_load %arg12[%swap3A_170, %swap3A_171] {strides = array<i32>} : memref<8x128xf32, #tpu.memory_space<vmem>>, vector<1x16xf32>,
      %swap3A_173 = vector.shape_cast %swap3A_172 : vector<1x16xf32> to vector<16xf32>
      %swap3A_174 = vector.shape_cast %broadcast_in_dim3A_3 : vector<16xf32> to vector<1x16xf32>
      tpu.vector_store %arg12[%swap3A_170, %swap3A_171], %swap3A_174 {strides = array<i32>} : memref<8x128xf32, #tpu.memory_space<vmem>>, vector<1x16xf32>,
      %swap3A_175 = arith.index_cast %scan3A_149 : i32 to index
      %swap3A_176 = arith.constant 80 : index
      %swap3A_177 = tpu.vector_load %arg12[%swap3A_175, %swap3A_176] {strides = array<i32>} : memref<8x128xf32, #tpu.memory_space<vmem>>, vector<1x16xf32>,
      %swap3A_178 = vector.shape_cast %swap3A_177 : vector<1x16xf32> to vector<16xf32>
      %swap3A_179 = vector.shape_cast %broadcast_in_dim3A_3 : vector<16xf32> to vector<1x16xf32>
      tpu.vector_store %arg12[%swap3A_175, %swap3A_176], %swap3A_179 {strides = array<i32>} : memref<8x128xf32, #tpu.memory_space<vmem>>, vector<1x16xf32>,
      %swap3A_180 = arith.index_cast %scan3A_149 : i32 to index
      %swap3A_181 = arith.constant 96 : index
      %swap3A_182 = tpu.vector_load %arg12[%swap3A_180, %swap3A_181] {strides = array<i32>} : memref<8x128xf32, #tpu.memory_space<vmem>>, vector<1x16xf32>,
      %swap3A_183 = vector.shape_cast %swap3A_182 : vector<1x16xf32> to vector<16xf32>
      %swap3A_184 = vector.shape_cast %broadcast_in_dim3A_3 : vector<16xf32> to vector<1x16xf32>
      tpu.vector_store %arg12[%swap3A_180, %swap3A_181], %swap3A_184 {strides = array<i32>} : memref<8x128xf32, #tpu.memory_space<vmem>>, vector<1x16xf32>,
      %swap3A_185 = arith.index_cast %scan3A_149 : i32 to index
      %swap3A_186 = arith.constant 112 : index
      %swap3A_187 = tpu.vector_load %arg12[%swap3A_185, %swap3A_186] {strides = array<i32>} : memref<8x128xf32, #tpu.memory_space<vmem>>, vector<1x16xf32>,
      %swap3A_188 = vector.shape_cast %swap3A_187 : vector<1x16xf32> to vector<16xf32>
      %swap3A_189 = vector.shape_cast %broadcast_in_dim3A_3 : vector<16xf32> to vector<1x16xf32>
      tpu.vector_store %arg12[%swap3A_185, %swap3A_186], %swap3A_189 {strides = array<i32>} : memref<8x128xf32, #tpu.memory_space<vmem>>, vector<1x16xf32>,
    }
    %scan3A_8 = arith.constant 8 : i32
    %scan3A_9 = arith.constant 0 : i32
    %scan3A_10 = arith.constant 0 : i32
    %scan3A_11 = arith.constant 79 : i32
    %scan3A_12 = arith.addi %scan3A_10, %scan3A_11 : i32
    %scan3A_13 = arith.constant 1 : i32
    scf.for %scan3A_149 = %scan3A_10 to %scan3A_12 step %scan3A_13  : i32 {
      %mul3A_150 = arith.constant 8 : i32
      %mul3A_151 = arith.muli %scan3A_149, %mul3A_150 : i32
      %add3A_152 = arith.addi %mul3A_2, %mul3A_151 : i32
      "tpu.region"() ({
        %run_scoped3A = tpu.sem_alloc : memref<!tpu.dma_semaphore, #tpu.memory_space<semaphore_mem>>
        %dma_start3A = arith.constant 0 : i32
        %dma_start3A_153 = tpu.memref_slice %arg13[%add3A_152, %dma_start3A] : memref<10112x128xf32, #tpu.memory_space<vmem_shared>> -> memref<8x128xf32, #tpu.memory_space<vmem_shared>>
        %dma_start3A_154 = arith.constant 0 : i32
        %dma_start3A_155 = tpu.memref_slice %arg13[%add3A_152, %dma_start3A_154] : memref<10112x128xf32, #tpu.memory_space<vmem_shared>> -> memref<8x128xf32, #tpu.memory_space<vmem_shared>>
        tpu.enqueue_dma source(%arg12 : memref<8x128xf32, #tpu.memory_space<vmem>>) target(%dma_start3A_155 : memref<8x128xf32, #tpu.memory_space<vmem_shared>>) target_semaphore(%run_scoped3A : memref<!tpu.dma_semaphore, #tpu.memory_space<semaphore_mem>>)
        %dma_wait3A_156 = arith.constant 0 : i32
        %dma_wait3A_157 = tpu.memref_slice %arg13[%add3A_152, %dma_wait3A_156] : memref<10112x128xf32, #tpu.memory_space<vmem_shared>> -> memref<8x128xf32, #tpu.memory_space<vmem_shared>>
        %dma_wait3A_158 = arith.constant 0 : i32
        %dma_wait3A_159 = tpu.memref_slice %arg13[%add3A_152, %dma_wait3A_158] : memref<10112x128xf32, #tpu.memory_space<vmem_shared>> -> memref<8x128xf32, #tpu.memory_space<vmem_shared>>
        tpu.wait_dma2 semaphore(%run_scoped3A : memref<!tpu.dma_semaphore, #tpu.memory_space<semaphore_mem>>) src(%arg12 : memref<8x128xf32, #tpu.memory_space<vmem>>) dst(%dma_wait3A_159 : memref<8x128xf32, #tpu.memory_space<vmem_shared>>)
        tpu.yield
      }) : () -> ()
    }
    %scan3A_14 = arith.constant 79 : i32
    "tpu.region"() ({
      %run_scoped3A = tpu.sem_alloc : memref<!tpu.dma_semaphore, #tpu.memory_space<semaphore_mem>>
      %dma_start3A = arith.constant 0 : i32
      %dma_start3A_149 = arith.constant 0 : i32
      %dma_start3A_150 = tpu.memref_slice %arg3[%add3A, %dma_start3A, %dma_start3A_149] : memref<32x40x128xi32, #tpu.memory_space<hbm>> -> memref<1x40x128xi32, #tpu.memory_space<hbm>>
      %dma_start3A_151 = tpu.memref_squeeze %dma_start3A_150 : memref<1x40x128xi32, #tpu.memory_space<hbm>> -> memref<40x128xi32, #tpu.memory_space<hbm>>
      %dma_start3A_152 = arith.constant 0 : i32
      %dma_start3A_153 = arith.constant 0 : i32
      %dma_start3A_154 = tpu.memref_slice %arg3[%add3A, %dma_start3A_152, %dma_start3A_153] : memref<32x40x128xi32, #tpu.memory_space<hbm>> -> memref<1x40x128xi32, #tpu.memory_space<hbm>>
      %dma_start3A_155 = tpu.memref_squeeze %dma_start3A_154 : memref<1x40x128xi32, #tpu.memory_space<hbm>> -> memref<40x128xi32, #tpu.memory_space<hbm>>
      tpu.enqueue_dma source(%dma_start3A_155 : memref<40x128xi32, #tpu.memory_space<hbm>>) target(%arg7 : memref<40x128xi32, #tpu.memory_space<vmem>>) target_semaphore(%run_scoped3A : memref<!tpu.dma_semaphore, #tpu.memory_space<semaphore_mem>>)
      %dma_wait3A_156 = arith.constant 0 : i32
      %dma_wait3A_157 = arith.constant 0 : i32
      %dma_wait3A_158 = tpu.memref_slice %arg3[%add3A, %dma_wait3A_156, %dma_wait3A_157] : memref<32x40x128xi32, #tpu.memory_space<hbm>> -> memref<1x40x128xi32, #tpu.memory_space<hbm>>
      %dma_wait3A_159 = tpu.memref_squeeze %dma_wait3A_158 : memref<1x40x128xi32, #tpu.memory_space<hbm>> -> memref<40x128xi32, #tpu.memory_space<hbm>>
      %dma_wait3A_160 = arith.constant 0 : i32
      %dma_wait3A_161 = arith.constant 0 : i32
      %dma_wait3A_162 = tpu.memref_slice %arg3[%add3A, %dma_wait3A_160, %dma_wait3A_161] : memref<32x40x128xi32, #tpu.memory_space<hbm>> -> memref<1x40x128xi32, #tpu.memory_space<hbm>>
      %dma_wait3A_163 = tpu.memref_squeeze %dma_wait3A_162 : memref<1x40x128xi32, #tpu.memory_space<hbm>> -> memref<40x128xi32, #tpu.memory_space<hbm>>
      tpu.wait_dma2 semaphore(%run_scoped3A : memref<!tpu.dma_semaphore, #tpu.memory_space<semaphore_mem>>) src(%dma_wait3A_163 : memref<40x128xi32, #tpu.memory_space<hbm>>) dst(%arg7 : memref<40x128xi32, #tpu.memory_space<vmem>>)
      tpu.yield
    }) : () -> ()
    "tpu.region"() ({
      %run_scoped3A = tpu.sem_alloc : memref<!tpu.dma_semaphore, #tpu.memory_space<semaphore_mem>>
      %dma_start3A = arith.constant 0 : i32
      %dma_start3A_149 = arith.constant 0 : i32
      %dma_start3A_150 = tpu.memref_slice %arg4[%add3A, %dma_start3A, %dma_start3A_149] : memref<32x40x128xi32, #tpu.memory_space<hbm>> -> memref<1x40x128xi32, #tpu.memory_space<hbm>>
      %dma_start3A_151 = tpu.memref_squeeze %dma_start3A_150 : memref<1x40x128xi32, #tpu.memory_space<hbm>> -> memref<40x128xi32, #tpu.memory_space<hbm>>
      %dma_start3A_152 = arith.constant 0 : i32
      %dma_start3A_153 = arith.constant 0 : i32
      %dma_start3A_154 = tpu.memref_slice %arg4[%add3A, %dma_start3A_152, %dma_start3A_153] : memref<32x40x128xi32, #tpu.memory_space<hbm>> -> memref<1x40x128xi32, #tpu.memory_space<hbm>>
      %dma_start3A_155 = tpu.memref_squeeze %dma_start3A_154 : memref<1x40x128xi32, #tpu.memory_space<hbm>> -> memref<40x128xi32, #tpu.memory_space<hbm>>
      tpu.enqueue_dma source(%dma_start3A_155 : memref<40x128xi32, #tpu.memory_space<hbm>>) target(%arg8 : memref<40x128xi32, #tpu.memory_space<vmem>>) target_semaphore(%run_scoped3A : memref<!tpu.dma_semaphore, #tpu.memory_space<semaphore_mem>>)
      %dma_wait3A_156 = arith.constant 0 : i32
      %dma_wait3A_157 = arith.constant 0 : i32
      %dma_wait3A_158 = tpu.memref_slice %arg4[%add3A, %dma_wait3A_156, %dma_wait3A_157] : memref<32x40x128xi32, #tpu.memory_space<hbm>> -> memref<1x40x128xi32, #tpu.memory_space<hbm>>
      %dma_wait3A_159 = tpu.memref_squeeze %dma_wait3A_158 : memref<1x40x128xi32, #tpu.memory_space<hbm>> -> memref<40x128xi32, #tpu.memory_space<hbm>>
      %dma_wait3A_160 = arith.constant 0 : i32
      %dma_wait3A_161 = arith.constant 0 : i32
      %dma_wait3A_162 = tpu.memref_slice %arg4[%add3A, %dma_wait3A_160, %dma_wait3A_161] : memref<32x40x128xi32, #tpu.memory_space<hbm>> -> memref<1x40x128xi32, #tpu.memory_space<hbm>>
      %dma_wait3A_163 = tpu.memref_squeeze %dma_wait3A_162 : memref<1x40x128xi32, #tpu.memory_space<hbm>> -> memref<40x128xi32, #tpu.memory_space<hbm>>
      tpu.wait_dma2 semaphore(%run_scoped3A : memref<!tpu.dma_semaphore, #tpu.memory_space<semaphore_mem>>) src(%dma_wait3A_163 : memref<40x128xi32, #tpu.memory_space<hbm>>) dst(%arg8 : memref<40x128xi32, #tpu.memory_space<vmem>>)
      tpu.yield
    }) : () -> ()
    %scan3A_15 = arith.constant 0 : i32
    %scan3A_16 = arith.constant 0 : i32
    %scan3A_17 = arith.constant 40 : i32
    %scan3A_18 = arith.addi %scan3A_16, %scan3A_17 : i32
    %scan3A_19 = arith.constant 1 : i32
    scf.for %scan3A_149 = %scan3A_16 to %scan3A_18 step %scan3A_19  : i32 {
      %mul3A_150 = arith.constant 16 : i32
      %mul3A_151 = arith.muli %scan3A_149, %mul3A_150 : i32
      %swap3A_152 = arith.index_cast %mul3A_151 : i32 to index
      %swap3A_153 = tpu.vector_load %arg18[%swap3A_152] {strides = array<i32>} : memref<640xf32, #tpu.memory_space<vmem>>, vector<16xf32>,
      %swap3A_154 = vector.shape_cast %swap3A_153 : vector<16xf32> to vector<16xf32>
      %swap3A_155 = vector.shape_cast %broadcast_in_dim3A_3 : vector<16xf32> to vector<16xf32>
      tpu.vector_store %arg18[%swap3A_152], %swap3A_155 {strides = array<i32>} : memref<640xf32, #tpu.memory_space<vmem>>, vector<16xf32>,
    }
    %scan3A_20 = arith.constant 40 : i32
    %mul3A_21 = arith.constant 640 : i32
    %mul3A_22 = arith.muli %arg1, %mul3A_21 : i32
    "tpu.region"() ({
      %run_scoped3A = tpu.sem_alloc : memref<!tpu.dma_semaphore, #tpu.memory_space<semaphore_mem>>
      %dma_start3A = tpu.memref_slice %arg19[%mul3A_22] : memref<10240xf32, #tpu.memory_space<vmem_shared>> -> memref<640xf32, #tpu.memory_space<vmem_shared>>
      %dma_start3A_149 = tpu.memref_slice %arg19[%mul3A_22] : memref<10240xf32, #tpu.memory_space<vmem_shared>> -> memref<640xf32, #tpu.memory_space<vmem_shared>>
      tpu.enqueue_dma source(%arg18 : memref<640xf32, #tpu.memory_space<vmem>>) target(%dma_start3A_149 : memref<640xf32, #tpu.memory_space<vmem_shared>>) target_semaphore(%run_scoped3A : memref<!tpu.dma_semaphore, #tpu.memory_space<semaphore_mem>>)
      %dma_wait3A_150 = tpu.memref_slice %arg19[%mul3A_22] : memref<10240xf32, #tpu.memory_space<vmem_shared>> -> memref<640xf32, #tpu.memory_space<vmem_shared>>
      %dma_wait3A_151 = tpu.memref_slice %arg19[%mul3A_22] : memref<10240xf32, #tpu.memory_space<vmem_shared>> -> memref<640xf32, #tpu.memory_space<vmem_shared>>
      tpu.wait_dma2 semaphore(%run_scoped3A : memref<!tpu.dma_semaphore, #tpu.memory_space<semaphore_mem>>) src(%arg18 : memref<640xf32, #tpu.memory_space<vmem>>) dst(%dma_wait3A_151 : memref<640xf32, #tpu.memory_space<vmem_shared>>)
      tpu.yield
    }) : () -> ()
    %broadcast_in_dim3A_23 = arith.constant 1.000000e+00 : f32
    %broadcast_in_dim3A_24 = vector.broadcast %broadcast_in_dim3A_23 : f32 to vector<16xf32>
    %swap3A = arith.constant 0 : index
    %swap3A_25 = tpu.vector_load %arg17[%swap3A] {strides = array<i32>} : memref<64xf32, #tpu.memory_space<vmem>>, vector<16xf32>,
    %swap3A_26 = vector.shape_cast %swap3A_25 : vector<16xf32> to vector<16xf32>
    %swap3A_27 = vector.shape_cast %broadcast_in_dim3A_24 : vector<16xf32> to vector<16xf32>
    tpu.vector_store %arg17[%swap3A], %swap3A_27 {strides = array<i32>} : memref<64xf32, #tpu.memory_space<vmem>>, vector<16xf32>,
    %broadcast_in_dim3A_28 = arith.constant 1.000000e+00 : f32
    %broadcast_in_dim3A_29 = vector.broadcast %broadcast_in_dim3A_28 : f32 to vector<16xf32>
    %swap3A_30 = arith.constant 16 : index
    %swap3A_31 = tpu.vector_load %arg17[%swap3A_30] {strides = array<i32>} : memref<64xf32, #tpu.memory_space<vmem>>, vector<16xf32>,
    %swap3A_32 = vector.shape_cast %swap3A_31 : vector<16xf32> to vector<16xf32>
    %swap3A_33 = vector.shape_cast %broadcast_in_dim3A_29 : vector<16xf32> to vector<16xf32>
    tpu.vector_store %arg17[%swap3A_30], %swap3A_33 {strides = array<i32>} : memref<64xf32, #tpu.memory_space<vmem>>, vector<16xf32>,
    %broadcast_in_dim3A_34 = arith.constant 1.000000e+00 : f32
    %broadcast_in_dim3A_35 = vector.broadcast %broadcast_in_dim3A_34 : f32 to vector<16xf32>
    %swap3A_36 = arith.constant 32 : index
    %swap3A_37 = tpu.vector_load %arg17[%swap3A_36] {strides = array<i32>} : memref<64xf32, #tpu.memory_space<vmem>>, vector<16xf32>,
    %swap3A_38 = vector.shape_cast %swap3A_37 : vector<16xf32> to vector<16xf32>
    %swap3A_39 = vector.shape_cast %broadcast_in_dim3A_35 : vector<16xf32> to vector<16xf32>
    tpu.vector_store %arg17[%swap3A_36], %swap3A_39 {strides = array<i32>} : memref<64xf32, #tpu.memory_space<vmem>>, vector<16xf32>,
    %broadcast_in_dim3A_40 = arith.constant 1.000000e+00 : f32
    %broadcast_in_dim3A_41 = vector.broadcast %broadcast_in_dim3A_40 : f32 to vector<16xf32>
    %swap3A_42 = arith.constant 48 : index
    %swap3A_43 = tpu.vector_load %arg17[%swap3A_42] {strides = array<i32>} : memref<64xf32, #tpu.memory_space<vmem>>, vector<16xf32>,
    %swap3A_44 = vector.shape_cast %swap3A_43 : vector<16xf32> to vector<16xf32>
    %swap3A_45 = vector.shape_cast %broadcast_in_dim3A_41 : vector<16xf32> to vector<16xf32>
    tpu.vector_store %arg17[%swap3A_42], %swap3A_45 {strides = array<i32>} : memref<64xf32, #tpu.memory_space<vmem>>, vector<16xf32>,
    %barrier3A = arith.constant 0 : index
    tpu.barrier barrier_id(%barrier3A)
    %scan3A_46 = arith.constant 0 : i32
    %scan3A_47 = arith.constant 0 : i32
    %scan3A_48 = arith.constant 40 : i32
    %scan3A_49 = arith.addi %scan3A_47, %scan3A_48 : i32
    %scan3A_50 = arith.constant 1 : i32
    scf.for %scan3A_149 = %scan3A_47 to %scan3A_49 step %scan3A_50  : i32 {
      %gt3A = arith.constant 0 : i32
      %gt3A_150 = arith.cmpi sgt, %scan3A_149, %gt3A : i32
      %convert_element_type3A = arith.extui %gt3A_150 : i1 to i32
      %cond3A = arith.constant 0 : i32
      %cond3A_151 = arith.cmpi ne, %convert_element_type3A, %cond3A : i32
      scf.if %cond3A_151 {
        %dma_wait3A_719 = arith.constant 0 : i32
        %dma_wait3A_720 = arith.constant 0 : i32
        %dma_wait3A_721 = arith.constant 0 : i32
        %dma_wait3A_722 = arith.constant 0 : i32
        %dma_wait3A_723 = arith.constant 0 : i32
        %dma_wait3A_724 = tpu.memref_slice %arg11[%dma_wait3A_719, %dma_wait3A_722, %dma_wait3A_723] : memref<4x64x128xf32, #tpu.memory_space<vmem>> -> memref<1x64x128xf32, #tpu.memory_space<vmem>>
        %dma_wait3A_725 = tpu.memref_squeeze %dma_wait3A_724 : memref<1x64x128xf32, #tpu.memory_space<vmem>> -> memref<64x128xf32, #tpu.memory_space<vmem>>
        %dma_wait3A_726 = arith.constant 0 : i32
        %dma_wait3A_727 = tpu.memref_slice %arg10[%dma_wait3A_720, %dma_wait3A_726] : memref<4x64xi32, #tpu.memory_space<vmem>> -> memref<1x64xi32, #tpu.memory_space<vmem>>
        %dma_wait3A_728 = tpu.memref_squeeze %dma_wait3A_727 : memref<1x64xi32, #tpu.memory_space<vmem>> -> memref<64xi32, #tpu.memory_space<vmem>>
        %dma_wait3A_729 = arith.constant 0 : i32
        %dma_wait3A_730 = arith.constant 0 : i32
        %dma_wait3A_731 = tpu.memref_slice %arg13[%dma_wait3A_729, %dma_wait3A_730] : memref<10112x128xf32, #tpu.memory_space<vmem_shared>> -> memref<10112x128xf32, #tpu.memory_space<vmem_shared>>
        %dma_wait3A_732 = tpu.memref_slice %arg15[%dma_wait3A_721] : memref<4x!tpu.dma_semaphore, #tpu.memory_space<semaphore_mem>> -> memref<1x!tpu.dma_semaphore, #tpu.memory_space<semaphore_mem>>
        %dma_wait3A_733 = tpu.memref_squeeze %dma_wait3A_732 : memref<1x!tpu.dma_semaphore, #tpu.memory_space<semaphore_mem>> -> memref<!tpu.dma_semaphore, #tpu.memory_space<semaphore_mem>>
        tpu.wait_indirect_dma semaphore(%dma_wait3A_733 : memref<!tpu.dma_semaphore, #tpu.memory_space<semaphore_mem>>) src(%dma_wait3A_725 : memref<64x128xf32, #tpu.memory_space<vmem>>) dst(%dma_wait3A_731 : memref<10112x128xf32, #tpu.memory_space<vmem_shared>>)
        %dma_wait3A_734 = arith.constant 0 : i32
        %dma_wait3A_735 = arith.constant 0 : i32
        %dma_wait3A_736 = tpu.memref_slice %arg10[%dma_wait3A_734, %dma_wait3A_735] : memref<4x64xi32, #tpu.memory_space<vmem>> -> memref<1x64xi32, #tpu.memory_space<vmem>>
        %dma_wait3A_737 = tpu.memref_squeeze %dma_wait3A_736 : memref<1x64xi32, #tpu.memory_space<vmem>> -> memref<64xi32, #tpu.memory_space<vmem>>
        %dma_wait3A_738 = arith.constant 0 : i32
        %dma_wait3A_739 = tpu.memref_slice %arg19[%dma_wait3A_738] : memref<10240xf32, #tpu.memory_space<vmem_shared>> -> memref<10240xf32, #tpu.memory_space<vmem_shared>>
        tpu.wait_indirect_dma semaphore(%arg16 : memref<!tpu.dma_semaphore, #tpu.memory_space<semaphore_mem>>) src(%arg17 : memref<64xf32, #tpu.memory_space<vmem>>) dst(%dma_wait3A_739 : memref<10240xf32, #tpu.memory_space<vmem_shared>>)
      } else {
      }
      %get3A = arith.index_cast %scan3A_149 : i32 to index
      %get3A_152 = arith.constant 0 : index
      %get3A_153 = tpu.vector_load %arg7[%get3A, %get3A_152] {strides = array<i32>} : memref<40x128xi32, #tpu.memory_space<vmem>>, vector<1x16xi32>,
      %get3A_154 = vector.shape_cast %get3A_153 : vector<1x16xi32> to vector<16xi32>
      %get3A_155 = arith.index_cast %scan3A_149 : i32 to index
      %get3A_156 = arith.constant 0 : index
      %get3A_157 = tpu.vector_load %arg8[%get3A_155, %get3A_156] {strides = array<i32>} : memref<40x128xi32, #tpu.memory_space<vmem>>, vector<1x16xi32>,
      %get3A_158 = vector.shape_cast %get3A_157 : vector<1x16xi32> to vector<16xi32>
      %and3A = arith.constant 65535 : i32
      %and3A_159 = vector.broadcast %and3A : i32 to vector<16xi32>
      %and3A_160 = arith.andi %get3A_154, %and3A_159 : vector<16xi32>
      %swap3A_161 = arith.constant 0 : i32
      %swap3A_162 = arith.index_cast %swap3A_161 : i32 to index
      %swap3A_163 = arith.constant 0 : index
      %swap3A_164 = tpu.vector_load %arg9[%swap3A_162, %swap3A_163] {strides = array<i32>} : memref<4x64xi32, #tpu.memory_space<vmem>>, vector<1x16xi32>,
      %swap3A_165 = vector.shape_cast %swap3A_164 : vector<1x16xi32> to vector<16xi32>
      %swap3A_166 = vector.shape_cast %and3A_160 : vector<16xi32> to vector<1x16xi32>
      tpu.vector_store %arg9[%swap3A_162, %swap3A_163], %swap3A_166 {strides = array<i32>} : memref<4x64xi32, #tpu.memory_space<vmem>>, vector<1x16xi32>,
      %shift_right_logical3A = arith.constant 16 : i32
      %shift_right_logical3A_167 = vector.broadcast %shift_right_logical3A : i32 to vector<16xi32>
      %shift_right_logical3A_168 = arith.shrui %get3A_154, %shift_right_logical3A_167 : vector<16xi32>
      %swap3A_169 = arith.constant 0 : i32
      %swap3A_170 = arith.index_cast %swap3A_169 : i32 to index
      %swap3A_171 = arith.constant 16 : index
      %swap3A_172 = tpu.vector_load %arg9[%swap3A_170, %swap3A_171] {strides = array<i32>} : memref<4x64xi32, #tpu.memory_space<vmem>>, vector<1x16xi32>,
      %swap3A_173 = vector.shape_cast %swap3A_172 : vector<1x16xi32> to vector<16xi32>
      %swap3A_174 = vector.shape_cast %shift_right_logical3A_168 : vector<16xi32> to vector<1x16xi32>
      tpu.vector_store %arg9[%swap3A_170, %swap3A_171], %swap3A_174 {strides = array<i32>} : memref<4x64xi32, #tpu.memory_space<vmem>>, vector<1x16xi32>,
      %and3A_175 = arith.constant 65535 : i32
      %and3A_176 = vector.broadcast %and3A_175 : i32 to vector<16xi32>
      %and3A_177 = arith.andi %get3A_158, %and3A_176 : vector<16xi32>
      %swap3A_178 = arith.constant 0 : i32
      %swap3A_179 = arith.index_cast %swap3A_178 : i32 to index
      %swap3A_180 = arith.constant 0 : index
      %swap3A_181 = tpu.vector_load %arg10[%swap3A_179, %swap3A_180] {strides = array<i32>} : memref<4x64xi32, #tpu.memory_space<vmem>>, vector<1x16xi32>,
      %swap3A_182 = vector.shape_cast %swap3A_181 : vector<1x16xi32> to vector<16xi32>
      %swap3A_183 = vector.shape_cast %and3A_177 : vector<16xi32> to vector<1x16xi32>
      tpu.vector_store %arg10[%swap3A_179, %swap3A_180], %swap3A_183 {strides = array<i32>} : memref<4x64xi32, #tpu.memory_space<vmem>>, vector<1x16xi32>,
      %shift_right_logical3A_184 = arith.constant 16 : i32
      %shift_right_logical3A_185 = vector.broadcast %shift_right_logical3A_184 : i32 to vector<16xi32>
      %shift_right_logical3A_186 = arith.shrui %get3A_158, %shift_right_logical3A_185 : vector<16xi32>
      %swap3A_187 = arith.constant 0 : i32
      %swap3A_188 = arith.index_cast %swap3A_187 : i32 to index
      %swap3A_189 = arith.constant 16 : index
      %swap3A_190 = tpu.vector_load %arg10[%swap3A_188, %swap3A_189] {strides = array<i32>} : memref<4x64xi32, #tpu.memory_space<vmem>>, vector<1x16xi32>,
      %swap3A_191 = vector.shape_cast %swap3A_190 : vector<1x16xi32> to vector<16xi32>
      %swap3A_192 = vector.shape_cast %shift_right_logical3A_186 : vector<16xi32> to vector<1x16xi32>
      tpu.vector_store %arg10[%swap3A_188, %swap3A_189], %swap3A_192 {strides = array<i32>} : memref<4x64xi32, #tpu.memory_space<vmem>>, vector<1x16xi32>,
      %get3A_193 = arith.index_cast %scan3A_149 : i32 to index
      %get3A_194 = arith.constant 16 : index
      %get3A_195 = tpu.vector_load %arg7[%get3A_193, %get3A_194] {strides = array<i32>} : memref<40x128xi32, #tpu.memory_space<vmem>>, vector<1x16xi32>,
      %get3A_196 = vector.shape_cast %get3A_195 : vector<1x16xi32> to vector<16xi32>
      %get3A_197 = arith.index_cast %scan3A_149 : i32 to index
      %get3A_198 = arith.constant 16 : index
      %get3A_199 = tpu.vector_load %arg8[%get3A_197, %get3A_198] {strides = array<i32>} : memref<40x128xi32, #tpu.memory_space<vmem>>, vector<1x16xi32>,
      %get3A_200 = vector.shape_cast %get3A_199 : vector<1x16xi32> to vector<16xi32>
      %and3A_201 = arith.constant 65535 : i32
      %and3A_202 = vector.broadcast %and3A_201 : i32 to vector<16xi32>
      %and3A_203 = arith.andi %get3A_196, %and3A_202 : vector<16xi32>
      %swap3A_204 = arith.constant 0 : i32
      %swap3A_205 = arith.index_cast %swap3A_204 : i32 to index
      %swap3A_206 = arith.constant 32 : index
      %swap3A_207 = tpu.vector_load %arg9[%swap3A_205, %swap3A_206] {strides = array<i32>} : memref<4x64xi32, #tpu.memory_space<vmem>>, vector<1x16xi32>,
      %swap3A_208 = vector.shape_cast %swap3A_207 : vector<1x16xi32> to vector<16xi32>
      %swap3A_209 = vector.shape_cast %and3A_203 : vector<16xi32> to vector<1x16xi32>
      tpu.vector_store %arg9[%swap3A_205, %swap3A_206], %swap3A_209 {strides = array<i32>} : memref<4x64xi32, #tpu.memory_space<vmem>>, vector<1x16xi32>,
      %shift_right_logical3A_210 = arith.constant 16 : i32
      %shift_right_logical3A_211 = vector.broadcast %shift_right_logical3A_210 : i32 to vector<16xi32>
      %shift_right_logical3A_212 = arith.shrui %get3A_196, %shift_right_logical3A_211 : vector<16xi32>
      %swap3A_213 = arith.constant 0 : i32
      %swap3A_214 = arith.index_cast %swap3A_213 : i32 to index
      %swap3A_215 = arith.constant 48 : index
      %swap3A_216 = tpu.vector_load %arg9[%swap3A_214, %swap3A_215] {strides = array<i32>} : memref<4x64xi32, #tpu.memory_space<vmem>>, vector<1x16xi32>,
      %swap3A_217 = vector.shape_cast %swap3A_216 : vector<1x16xi32> to vector<16xi32>
      %swap3A_218 = vector.shape_cast %shift_right_logical3A_212 : vector<16xi32> to vector<1x16xi32>
      tpu.vector_store %arg9[%swap3A_214, %swap3A_215], %swap3A_218 {strides = array<i32>} : memref<4x64xi32, #tpu.memory_space<vmem>>, vector<1x16xi32>,
      %and3A_219 = arith.constant 65535 : i32
      %and3A_220 = vector.broadcast %and3A_219 : i32 to vector<16xi32>
      %and3A_221 = arith.andi %get3A_200, %and3A_220 : vector<16xi32>
      %swap3A_222 = arith.constant 0 : i32
      %swap3A_223 = arith.index_cast %swap3A_222 : i32 to index
      %swap3A_224 = arith.constant 32 : index
      %swap3A_225 = tpu.vector_load %arg10[%swap3A_223, %swap3A_224] {strides = array<i32>} : memref<4x64xi32, #tpu.memory_space<vmem>>, vector<1x16xi32>,
      %swap3A_226 = vector.shape_cast %swap3A_225 : vector<1x16xi32> to vector<16xi32>
      %swap3A_227 = vector.shape_cast %and3A_221 : vector<16xi32> to vector<1x16xi32>
      tpu.vector_store %arg10[%swap3A_223, %swap3A_224], %swap3A_227 {strides = array<i32>} : memref<4x64xi32, #tpu.memory_space<vmem>>, vector<1x16xi32>,
      %shift_right_logical3A_228 = arith.constant 16 : i32
      %shift_right_logical3A_229 = vector.broadcast %shift_right_logical3A_228 : i32 to vector<16xi32>
      %shift_right_logical3A_230 = arith.shrui %get3A_200, %shift_right_logical3A_229 : vector<16xi32>
      %swap3A_231 = arith.constant 0 : i32
      %swap3A_232 = arith.index_cast %swap3A_231 : i32 to index
      %swap3A_233 = arith.constant 48 : index
      %swap3A_234 = tpu.vector_load %arg10[%swap3A_232, %swap3A_233] {strides = array<i32>} : memref<4x64xi32, #tpu.memory_space<vmem>>, vector<1x16xi32>,
      %swap3A_235 = vector.shape_cast %swap3A_234 : vector<1x16xi32> to vector<16xi32>
      %swap3A_236 = vector.shape_cast %shift_right_logical3A_230 : vector<16xi32> to vector<1x16xi32>
      tpu.vector_store %arg10[%swap3A_232, %swap3A_233], %swap3A_236 {strides = array<i32>} : memref<4x64xi32, #tpu.memory_space<vmem>>, vector<1x16xi32>,
      %dma_start3A = arith.constant 0 : i32
      %dma_start3A_237 = arith.constant 0 : i32
      %dma_start3A_238 = arith.constant 0 : i32
      %dma_start3A_239 = arith.constant 0 : i32
      %dma_start3A_240 = arith.constant 0 : i32
      %dma_start3A_241 = tpu.memref_slice %arg11[%dma_start3A_237, %dma_start3A_239, %dma_start3A_240] : memref<4x64x128xf32, #tpu.memory_space<vmem>> -> memref<1x64x128xf32, #tpu.memory_space<vmem>>
      %dma_start3A_242 = tpu.memref_squeeze %dma_start3A_241 : memref<1x64x128xf32, #tpu.memory_space<vmem>> -> memref<64x128xf32, #tpu.memory_space<vmem>>
      %dma_start3A_243 = arith.constant 0 : i32
      %dma_start3A_244 = tpu.memref_slice %arg9[%dma_start3A, %dma_start3A_243] : memref<4x64xi32, #tpu.memory_space<vmem>> -> memref<1x64xi32, #tpu.memory_space<vmem>>
      %dma_start3A_245 = tpu.memref_squeeze %dma_start3A_244 : memref<1x64xi32, #tpu.memory_space<vmem>> -> memref<64xi32, #tpu.memory_space<vmem>>
      %dma_start3A_246 = arith.constant 0 : i32
      %dma_start3A_247 = arith.constant 0 : i32
      %dma_start3A_248 = tpu.memref_slice %arg2[%dma_start3A_246, %dma_start3A_247] : memref<10000x128xf32, #tpu.memory_space<hbm>> -> memref<10000x128xf32, #tpu.memory_space<hbm>>
      %dma_start3A_249 = tpu.memref_slice %arg14[%dma_start3A_238] : memref<4x!tpu.dma_semaphore, #tpu.memory_space<semaphore_mem>> -> memref<1x!tpu.dma_semaphore, #tpu.memory_space<semaphore_mem>>
      %dma_start3A_250 = tpu.memref_squeeze %dma_start3A_249 : memref<1x!tpu.dma_semaphore, #tpu.memory_space<semaphore_mem>> -> memref<!tpu.dma_semaphore, #tpu.memory_space<semaphore_mem>>
      tpu.enqueue_indirect_dma source(%dma_start3A_248 : memref<10000x128xf32, #tpu.memory_space<hbm>>) target(%dma_start3A_242 : memref<64x128xf32, #tpu.memory_space<vmem>>) offsets(%dma_start3A_245 : memref<64xi32, #tpu.memory_space<vmem>>) semaphore(%dma_start3A_250 : memref<!tpu.dma_semaphore, #tpu.memory_space<semaphore_mem>>)
      %gt3A_251 = arith.constant 0 : i32
      %gt3A_252 = arith.cmpi sgt, %scan3A_149, %gt3A_251 : i32
      %convert_element_type3A_253 = arith.extui %gt3A_252 : i1 to i32
      %cond3A_254 = arith.constant 0 : i32
      %cond3A_255 = arith.cmpi ne, %convert_element_type3A_253, %cond3A_254 : i32
      scf.if %cond3A_255 {
        %dma_wait3A_719 = arith.constant 1 : i32
        %dma_wait3A_720 = arith.constant 1 : i32
        %dma_wait3A_721 = arith.constant 1 : i32
        %dma_wait3A_722 = arith.constant 0 : i32
        %dma_wait3A_723 = arith.constant 0 : i32
        %dma_wait3A_724 = tpu.memref_slice %arg11[%dma_wait3A_719, %dma_wait3A_722, %dma_wait3A_723] : memref<4x64x128xf32, #tpu.memory_space<vmem>> -> memref<1x64x128xf32, #tpu.memory_space<vmem>>
        %dma_wait3A_725 = tpu.memref_squeeze %dma_wait3A_724 : memref<1x64x128xf32, #tpu.memory_space<vmem>> -> memref<64x128xf32, #tpu.memory_space<vmem>>
        %dma_wait3A_726 = arith.constant 0 : i32
        %dma_wait3A_727 = tpu.memref_slice %arg10[%dma_wait3A_720, %dma_wait3A_726] : memref<4x64xi32, #tpu.memory_space<vmem>> -> memref<1x64xi32, #tpu.memory_space<vmem>>
        %dma_wait3A_728 = tpu.memref_squeeze %dma_wait3A_727 : memref<1x64xi32, #tpu.memory_space<vmem>> -> memref<64xi32, #tpu.memory_space<vmem>>
        %dma_wait3A_729 = arith.constant 0 : i32
        %dma_wait3A_730 = arith.constant 0 : i32
        %dma_wait3A_731 = tpu.memref_slice %arg13[%dma_wait3A_729, %dma_wait3A_730] : memref<10112x128xf32, #tpu.memory_space<vmem_shared>> -> memref<10112x128xf32, #tpu.memory_space<vmem_shared>>
        %dma_wait3A_732 = tpu.memref_slice %arg15[%dma_wait3A_721] : memref<4x!tpu.dma_semaphore, #tpu.memory_space<semaphore_mem>> -> memref<1x!tpu.dma_semaphore, #tpu.memory_space<semaphore_mem>>
        %dma_wait3A_733 = tpu.memref_squeeze %dma_wait3A_732 : memref<1x!tpu.dma_semaphore, #tpu.memory_space<semaphore_mem>> -> memref<!tpu.dma_semaphore, #tpu.memory_space<semaphore_mem>>
        tpu.wait_indirect_dma semaphore(%dma_wait3A_733 : memref<!tpu.dma_semaphore, #tpu.memory_space<semaphore_mem>>) src(%dma_wait3A_725 : memref<64x128xf32, #tpu.memory_space<vmem>>) dst(%dma_wait3A_731 : memref<10112x128xf32, #tpu.memory_space<vmem_shared>>)
        %dma_wait3A_734 = arith.constant 1 : i32
        %dma_wait3A_735 = arith.constant 0 : i32
        %dma_wait3A_736 = tpu.memref_slice %arg10[%dma_wait3A_734, %dma_wait3A_735] : memref<4x64xi32, #tpu.memory_space<vmem>> -> memref<1x64xi32, #tpu.memory_space<vmem>>
        %dma_wait3A_737 = tpu.memref_squeeze %dma_wait3A_736 : memref<1x64xi32, #tpu.memory_space<vmem>> -> memref<64xi32, #tpu.memory_space<vmem>>
        %dma_wait3A_738 = arith.constant 0 : i32
        %dma_wait3A_739 = tpu.memref_slice %arg19[%dma_wait3A_738] : memref<10240xf32, #tpu.memory_space<vmem_shared>> -> memref<10240xf32, #tpu.memory_space<vmem_shared>>
        tpu.wait_indirect_dma semaphore(%arg16 : memref<!tpu.dma_semaphore, #tpu.memory_space<semaphore_mem>>) src(%arg17 : memref<64xf32, #tpu.memory_space<vmem>>) dst(%dma_wait3A_739 : memref<10240xf32, #tpu.memory_space<vmem_shared>>)
      } else {
      }
      %get3A_256 = arith.index_cast %scan3A_149 : i32 to index
      %get3A_257 = arith.constant 32 : index
      %get3A_258 = tpu.vector_load %arg7[%get3A_256, %get3A_257] {strides = array<i32>} : memref<40x128xi32, #tpu.memory_space<vmem>>, vector<1x16xi32>,
      %get3A_259 = vector.shape_cast %get3A_258 : vector<1x16xi32> to vector<16xi32>
      %get3A_260 = arith.index_cast %scan3A_149 : i32 to index
      %get3A_261 = arith.constant 32 : index
      %get3A_262 = tpu.vector_load %arg8[%get3A_260, %get3A_261] {strides = array<i32>} : memref<40x128xi32, #tpu.memory_space<vmem>>, vector<1x16xi32>,
      %get3A_263 = vector.shape_cast %get3A_262 : vector<1x16xi32> to vector<16xi32>
      %and3A_264 = arith.constant 65535 : i32
      %and3A_265 = vector.broadcast %and3A_264 : i32 to vector<16xi32>
      %and3A_266 = arith.andi %get3A_259, %and3A_265 : vector<16xi32>
      %swap3A_267 = arith.constant 1 : i32
      %swap3A_268 = arith.index_cast %swap3A_267 : i32 to index
      %swap3A_269 = arith.constant 0 : index
      %swap3A_270 = tpu.vector_load %arg9[%swap3A_268, %swap3A_269] {strides = array<i32>} : memref<4x64xi32, #tpu.memory_space<vmem>>, vector<1x16xi32>,
      %swap3A_271 = vector.shape_cast %swap3A_270 : vector<1x16xi32> to vector<16xi32>
      %swap3A_272 = vector.shape_cast %and3A_266 : vector<16xi32> to vector<1x16xi32>
      tpu.vector_store %arg9[%swap3A_268, %swap3A_269], %swap3A_272 {strides = array<i32>} : memref<4x64xi32, #tpu.memory_space<vmem>>, vector<1x16xi32>,
      %shift_right_logical3A_273 = arith.constant 16 : i32
      %shift_right_logical3A_274 = vector.broadcast %shift_right_logical3A_273 : i32 to vector<16xi32>
      %shift_right_logical3A_275 = arith.shrui %get3A_259, %shift_right_logical3A_274 : vector<16xi32>
      %swap3A_276 = arith.constant 1 : i32
      %swap3A_277 = arith.index_cast %swap3A_276 : i32 to index
      %swap3A_278 = arith.constant 16 : index
      %swap3A_279 = tpu.vector_load %arg9[%swap3A_277, %swap3A_278] {strides = array<i32>} : memref<4x64xi32, #tpu.memory_space<vmem>>, vector<1x16xi32>,
      %swap3A_280 = vector.shape_cast %swap3A_279 : vector<1x16xi32> to vector<16xi32>
      %swap3A_281 = vector.shape_cast %shift_right_logical3A_275 : vector<16xi32> to vector<1x16xi32>
      tpu.vector_store %arg9[%swap3A_277, %swap3A_278], %swap3A_281 {strides = array<i32>} : memref<4x64xi32, #tpu.memory_space<vmem>>, vector<1x16xi32>,
      %and3A_282 = arith.constant 65535 : i32
      %and3A_283 = vector.broadcast %and3A_282 : i32 to vector<16xi32>
      %and3A_284 = arith.andi %get3A_263, %and3A_283 : vector<16xi32>
      %swap3A_285 = arith.constant 1 : i32
      %swap3A_286 = arith.index_cast %swap3A_285 : i32 to index
      %swap3A_287 = arith.constant 0 : index
      %swap3A_288 = tpu.vector_load %arg10[%swap3A_286, %swap3A_287] {strides = array<i32>} : memref<4x64xi32, #tpu.memory_space<vmem>>, vector<1x16xi32>,
      %swap3A_289 = vector.shape_cast %swap3A_288 : vector<1x16xi32> to vector<16xi32>
      %swap3A_290 = vector.shape_cast %and3A_284 : vector<16xi32> to vector<1x16xi32>
      tpu.vector_store %arg10[%swap3A_286, %swap3A_287], %swap3A_290 {strides = array<i32>} : memref<4x64xi32, #tpu.memory_space<vmem>>, vector<1x16xi32>,
      %shift_right_logical3A_291 = arith.constant 16 : i32
      %shift_right_logical3A_292 = vector.broadcast %shift_right_logical3A_291 : i32 to vector<16xi32>
      %shift_right_logical3A_293 = arith.shrui %get3A_263, %shift_right_logical3A_292 : vector<16xi32>
      %swap3A_294 = arith.constant 1 : i32
      %swap3A_295 = arith.index_cast %swap3A_294 : i32 to index
      %swap3A_296 = arith.constant 16 : index
      %swap3A_297 = tpu.vector_load %arg10[%swap3A_295, %swap3A_296] {strides = array<i32>} : memref<4x64xi32, #tpu.memory_space<vmem>>, vector<1x16xi32>,
      %swap3A_298 = vector.shape_cast %swap3A_297 : vector<1x16xi32> to vector<16xi32>
      %swap3A_299 = vector.shape_cast %shift_right_logical3A_293 : vector<16xi32> to vector<1x16xi32>
      tpu.vector_store %arg10[%swap3A_295, %swap3A_296], %swap3A_299 {strides = array<i32>} : memref<4x64xi32, #tpu.memory_space<vmem>>, vector<1x16xi32>,
      %get3A_300 = arith.index_cast %scan3A_149 : i32 to index
      %get3A_301 = arith.constant 48 : index
      %get3A_302 = tpu.vector_load %arg7[%get3A_300, %get3A_301] {strides = array<i32>} : memref<40x128xi32, #tpu.memory_space<vmem>>, vector<1x16xi32>,
      %get3A_303 = vector.shape_cast %get3A_302 : vector<1x16xi32> to vector<16xi32>
      %get3A_304 = arith.index_cast %scan3A_149 : i32 to index
      %get3A_305 = arith.constant 48 : index
      %get3A_306 = tpu.vector_load %arg8[%get3A_304, %get3A_305] {strides = array<i32>} : memref<40x128xi32, #tpu.memory_space<vmem>>, vector<1x16xi32>,
      %get3A_307 = vector.shape_cast %get3A_306 : vector<1x16xi32> to vector<16xi32>
      %and3A_308 = arith.constant 65535 : i32
      %and3A_309 = vector.broadcast %and3A_308 : i32 to vector<16xi32>
      %and3A_310 = arith.andi %get3A_303, %and3A_309 : vector<16xi32>
      %swap3A_311 = arith.constant 1 : i32
      %swap3A_312 = arith.index_cast %swap3A_311 : i32 to index
      %swap3A_313 = arith.constant 32 : index
      %swap3A_314 = tpu.vector_load %arg9[%swap3A_312, %swap3A_313] {strides = array<i32>} : memref<4x64xi32, #tpu.memory_space<vmem>>, vector<1x16xi32>,
      %swap3A_315 = vector.shape_cast %swap3A_314 : vector<1x16xi32> to vector<16xi32>
      %swap3A_316 = vector.shape_cast %and3A_310 : vector<16xi32> to vector<1x16xi32>
      tpu.vector_store %arg9[%swap3A_312, %swap3A_313], %swap3A_316 {strides = array<i32>} : memref<4x64xi32, #tpu.memory_space<vmem>>, vector<1x16xi32>,
      %shift_right_logical3A_317 = arith.constant 16 : i32
      %shift_right_logical3A_318 = vector.broadcast %shift_right_logical3A_317 : i32 to vector<16xi32>
      %shift_right_logical3A_319 = arith.shrui %get3A_303, %shift_right_logical3A_318 : vector<16xi32>
      %swap3A_320 = arith.constant 1 : i32
      %swap3A_321 = arith.index_cast %swap3A_320 : i32 to index
      %swap3A_322 = arith.constant 48 : index
      %swap3A_323 = tpu.vector_load %arg9[%swap3A_321, %swap3A_322] {strides = array<i32>} : memref<4x64xi32, #tpu.memory_space<vmem>>, vector<1x16xi32>,
      %swap3A_324 = vector.shape_cast %swap3A_323 : vector<1x16xi32> to vector<16xi32>
      %swap3A_325 = vector.shape_cast %shift_right_logical3A_319 : vector<16xi32> to vector<1x16xi32>
      tpu.vector_store %arg9[%swap3A_321, %swap3A_322], %swap3A_325 {strides = array<i32>} : memref<4x64xi32, #tpu.memory_space<vmem>>, vector<1x16xi32>,
      %and3A_326 = arith.constant 65535 : i32
      %and3A_327 = vector.broadcast %and3A_326 : i32 to vector<16xi32>
      %and3A_328 = arith.andi %get3A_307, %and3A_327 : vector<16xi32>
      %swap3A_329 = arith.constant 1 : i32
      %swap3A_330 = arith.index_cast %swap3A_329 : i32 to index
      %swap3A_331 = arith.constant 32 : index
      %swap3A_332 = tpu.vector_load %arg10[%swap3A_330, %swap3A_331] {strides = array<i32>} : memref<4x64xi32, #tpu.memory_space<vmem>>, vector<1x16xi32>,
      %swap3A_333 = vector.shape_cast %swap3A_332 : vector<1x16xi32> to vector<16xi32>
      %swap3A_334 = vector.shape_cast %and3A_328 : vector<16xi32> to vector<1x16xi32>
      tpu.vector_store %arg10[%swap3A_330, %swap3A_331], %swap3A_334 {strides = array<i32>} : memref<4x64xi32, #tpu.memory_space<vmem>>, vector<1x16xi32>,
      %shift_right_logical3A_335 = arith.constant 16 : i32
      %shift_right_logical3A_336 = vector.broadcast %shift_right_logical3A_335 : i32 to vector<16xi32>
      %shift_right_logical3A_337 = arith.shrui %get3A_307, %shift_right_logical3A_336 : vector<16xi32>
      %swap3A_338 = arith.constant 1 : i32
      %swap3A_339 = arith.index_cast %swap3A_338 : i32 to index
      %swap3A_340 = arith.constant 48 : index
      %swap3A_341 = tpu.vector_load %arg10[%swap3A_339, %swap3A_340] {strides = array<i32>} : memref<4x64xi32, #tpu.memory_space<vmem>>, vector<1x16xi32>,
      %swap3A_342 = vector.shape_cast %swap3A_341 : vector<1x16xi32> to vector<16xi32>
      %swap3A_343 = vector.shape_cast %shift_right_logical3A_337 : vector<16xi32> to vector<1x16xi32>
      tpu.vector_store %arg10[%swap3A_339, %swap3A_340], %swap3A_343 {strides = array<i32>} : memref<4x64xi32, #tpu.memory_space<vmem>>, vector<1x16xi32>,
      %dma_start3A_344 = arith.constant 1 : i32
      %dma_start3A_345 = arith.constant 1 : i32
      %dma_start3A_346 = arith.constant 1 : i32
      %dma_start3A_347 = arith.constant 0 : i32
      %dma_start3A_348 = arith.constant 0 : i32
      %dma_start3A_349 = tpu.memref_slice %arg11[%dma_start3A_345, %dma_start3A_347, %dma_start3A_348] : memref<4x64x128xf32, #tpu.memory_space<vmem>> -> memref<1x64x128xf32, #tpu.memory_space<vmem>>
      %dma_start3A_350 = tpu.memref_squeeze %dma_start3A_349 : memref<1x64x128xf32, #tpu.memory_space<vmem>> -> memref<64x128xf32, #tpu.memory_space<vmem>>
      %dma_start3A_351 = arith.constant 0 : i32
      %dma_start3A_352 = tpu.memref_slice %arg9[%dma_start3A_344, %dma_start3A_351] : memref<4x64xi32, #tpu.memory_space<vmem>> -> memref<1x64xi32, #tpu.memory_space<vmem>>
      %dma_start3A_353 = tpu.memref_squeeze %dma_start3A_352 : memref<1x64xi32, #tpu.memory_space<vmem>> -> memref<64xi32, #tpu.memory_space<vmem>>
      %dma_start3A_354 = arith.constant 0 : i32
      %dma_start3A_355 = arith.constant 0 : i32
      %dma_start3A_356 = tpu.memref_slice %arg2[%dma_start3A_354, %dma_start3A_355] : memref<10000x128xf32, #tpu.memory_space<hbm>> -> memref<10000x128xf32, #tpu.memory_space<hbm>>
      %dma_start3A_357 = tpu.memref_slice %arg14[%dma_start3A_346] : memref<4x!tpu.dma_semaphore, #tpu.memory_space<semaphore_mem>> -> memref<1x!tpu.dma_semaphore, #tpu.memory_space<semaphore_mem>>
      %dma_start3A_358 = tpu.memref_squeeze %dma_start3A_357 : memref<1x!tpu.dma_semaphore, #tpu.memory_space<semaphore_mem>> -> memref<!tpu.dma_semaphore, #tpu.memory_space<semaphore_mem>>
      tpu.enqueue_indirect_dma source(%dma_start3A_356 : memref<10000x128xf32, #tpu.memory_space<hbm>>) target(%dma_start3A_350 : memref<64x128xf32, #tpu.memory_space<vmem>>) offsets(%dma_start3A_353 : memref<64xi32, #tpu.memory_space<vmem>>) semaphore(%dma_start3A_358 : memref<!tpu.dma_semaphore, #tpu.memory_space<semaphore_mem>>)
      %gt3A_359 = arith.constant 0 : i32
      %gt3A_360 = arith.cmpi sgt, %scan3A_149, %gt3A_359 : i32
      %convert_element_type3A_361 = arith.extui %gt3A_360 : i1 to i32
      %cond3A_362 = arith.constant 0 : i32
      %cond3A_363 = arith.cmpi ne, %convert_element_type3A_361, %cond3A_362 : i32
      scf.if %cond3A_363 {
        %dma_wait3A_719 = arith.constant 2 : i32
        %dma_wait3A_720 = arith.constant 2 : i32
        %dma_wait3A_721 = arith.constant 2 : i32
        %dma_wait3A_722 = arith.constant 0 : i32
        %dma_wait3A_723 = arith.constant 0 : i32
        %dma_wait3A_724 = tpu.memref_slice %arg11[%dma_wait3A_719, %dma_wait3A_722, %dma_wait3A_723] : memref<4x64x128xf32, #tpu.memory_space<vmem>> -> memref<1x64x128xf32, #tpu.memory_space<vmem>>
        %dma_wait3A_725 = tpu.memref_squeeze %dma_wait3A_724 : memref<1x64x128xf32, #tpu.memory_space<vmem>> -> memref<64x128xf32, #tpu.memory_space<vmem>>
        %dma_wait3A_726 = arith.constant 0 : i32
        %dma_wait3A_727 = tpu.memref_slice %arg10[%dma_wait3A_720, %dma_wait3A_726] : memref<4x64xi32, #tpu.memory_space<vmem>> -> memref<1x64xi32, #tpu.memory_space<vmem>>
        %dma_wait3A_728 = tpu.memref_squeeze %dma_wait3A_727 : memref<1x64xi32, #tpu.memory_space<vmem>> -> memref<64xi32, #tpu.memory_space<vmem>>
        %dma_wait3A_729 = arith.constant 0 : i32
        %dma_wait3A_730 = arith.constant 0 : i32
        %dma_wait3A_731 = tpu.memref_slice %arg13[%dma_wait3A_729, %dma_wait3A_730] : memref<10112x128xf32, #tpu.memory_space<vmem_shared>> -> memref<10112x128xf32, #tpu.memory_space<vmem_shared>>
        %dma_wait3A_732 = tpu.memref_slice %arg15[%dma_wait3A_721] : memref<4x!tpu.dma_semaphore, #tpu.memory_space<semaphore_mem>> -> memref<1x!tpu.dma_semaphore, #tpu.memory_space<semaphore_mem>>
        %dma_wait3A_733 = tpu.memref_squeeze %dma_wait3A_732 : memref<1x!tpu.dma_semaphore, #tpu.memory_space<semaphore_mem>> -> memref<!tpu.dma_semaphore, #tpu.memory_space<semaphore_mem>>
        tpu.wait_indirect_dma semaphore(%dma_wait3A_733 : memref<!tpu.dma_semaphore, #tpu.memory_space<semaphore_mem>>) src(%dma_wait3A_725 : memref<64x128xf32, #tpu.memory_space<vmem>>) dst(%dma_wait3A_731 : memref<10112x128xf32, #tpu.memory_space<vmem_shared>>)
        %dma_wait3A_734 = arith.constant 2 : i32
        %dma_wait3A_735 = arith.constant 0 : i32
        %dma_wait3A_736 = tpu.memref_slice %arg10[%dma_wait3A_734, %dma_wait3A_735] : memref<4x64xi32, #tpu.memory_space<vmem>> -> memref<1x64xi32, #tpu.memory_space<vmem>>
        %dma_wait3A_737 = tpu.memref_squeeze %dma_wait3A_736 : memref<1x64xi32, #tpu.memory_space<vmem>> -> memref<64xi32, #tpu.memory_space<vmem>>
        %dma_wait3A_738 = arith.constant 0 : i32
        %dma_wait3A_739 = tpu.memref_slice %arg19[%dma_wait3A_738] : memref<10240xf32, #tpu.memory_space<vmem_shared>> -> memref<10240xf32, #tpu.memory_space<vmem_shared>>
        tpu.wait_indirect_dma semaphore(%arg16 : memref<!tpu.dma_semaphore, #tpu.memory_space<semaphore_mem>>) src(%arg17 : memref<64xf32, #tpu.memory_space<vmem>>) dst(%dma_wait3A_739 : memref<10240xf32, #tpu.memory_space<vmem_shared>>)
      } else {
      }
      %get3A_364 = arith.index_cast %scan3A_149 : i32 to index
      %get3A_365 = arith.constant 64 : index
      %get3A_366 = tpu.vector_load %arg7[%get3A_364, %get3A_365] {strides = array<i32>} : memref<40x128xi32, #tpu.memory_space<vmem>>, vector<1x16xi32>,
      %get3A_367 = vector.shape_cast %get3A_366 : vector<1x16xi32> to vector<16xi32>
      %get3A_368 = arith.index_cast %scan3A_149 : i32 to index
      %get3A_369 = arith.constant 64 : index
      %get3A_370 = tpu.vector_load %arg8[%get3A_368, %get3A_369] {strides = array<i32>} : memref<40x128xi32, #tpu.memory_space<vmem>>, vector<1x16xi32>,
      %get3A_371 = vector.shape_cast %get3A_370 : vector<1x16xi32> to vector<16xi32>
      %and3A_372 = arith.constant 65535 : i32
      %and3A_373 = vector.broadcast %and3A_372 : i32 to vector<16xi32>
      %and3A_374 = arith.andi %get3A_367, %and3A_373 : vector<16xi32>
      %swap3A_375 = arith.constant 2 : i32
      %swap3A_376 = arith.index_cast %swap3A_375 : i32 to index
      %swap3A_377 = arith.constant 0 : index
      %swap3A_378 = tpu.vector_load %arg9[%swap3A_376, %swap3A_377] {strides = array<i32>} : memref<4x64xi32, #tpu.memory_space<vmem>>, vector<1x16xi32>,
      %swap3A_379 = vector.shape_cast %swap3A_378 : vector<1x16xi32> to vector<16xi32>
      %swap3A_380 = vector.shape_cast %and3A_374 : vector<16xi32> to vector<1x16xi32>
      tpu.vector_store %arg9[%swap3A_376, %swap3A_377], %swap3A_380 {strides = array<i32>} : memref<4x64xi32, #tpu.memory_space<vmem>>, vector<1x16xi32>,
      %shift_right_logical3A_381 = arith.constant 16 : i32
      %shift_right_logical3A_382 = vector.broadcast %shift_right_logical3A_381 : i32 to vector<16xi32>
      %shift_right_logical3A_383 = arith.shrui %get3A_367, %shift_right_logical3A_382 : vector<16xi32>
      %swap3A_384 = arith.constant 2 : i32
      %swap3A_385 = arith.index_cast %swap3A_384 : i32 to index
      %swap3A_386 = arith.constant 16 : index
      %swap3A_387 = tpu.vector_load %arg9[%swap3A_385, %swap3A_386] {strides = array<i32>} : memref<4x64xi32, #tpu.memory_space<vmem>>, vector<1x16xi32>,
      %swap3A_388 = vector.shape_cast %swap3A_387 : vector<1x16xi32> to vector<16xi32>
      %swap3A_389 = vector.shape_cast %shift_right_logical3A_383 : vector<16xi32> to vector<1x16xi32>
      tpu.vector_store %arg9[%swap3A_385, %swap3A_386], %swap3A_389 {strides = array<i32>} : memref<4x64xi32, #tpu.memory_space<vmem>>, vector<1x16xi32>,
      %and3A_390 = arith.constant 65535 : i32
      %and3A_391 = vector.broadcast %and3A_390 : i32 to vector<16xi32>
      %and3A_392 = arith.andi %get3A_371, %and3A_391 : vector<16xi32>
      %swap3A_393 = arith.constant 2 : i32
      %swap3A_394 = arith.index_cast %swap3A_393 : i32 to index
      %swap3A_395 = arith.constant 0 : index
      %swap3A_396 = tpu.vector_load %arg10[%swap3A_394, %swap3A_395] {strides = array<i32>} : memref<4x64xi32, #tpu.memory_space<vmem>>, vector<1x16xi32>,
      %swap3A_397 = vector.shape_cast %swap3A_396 : vector<1x16xi32> to vector<16xi32>
      %swap3A_398 = vector.shape_cast %and3A_392 : vector<16xi32> to vector<1x16xi32>
      tpu.vector_store %arg10[%swap3A_394, %swap3A_395], %swap3A_398 {strides = array<i32>} : memref<4x64xi32, #tpu.memory_space<vmem>>, vector<1x16xi32>,
      %shift_right_logical3A_399 = arith.constant 16 : i32
      %shift_right_logical3A_400 = vector.broadcast %shift_right_logical3A_399 : i32 to vector<16xi32>
      %shift_right_logical3A_401 = arith.shrui %get3A_371, %shift_right_logical3A_400 : vector<16xi32>
      %swap3A_402 = arith.constant 2 : i32
      %swap3A_403 = arith.index_cast %swap3A_402 : i32 to index
      %swap3A_404 = arith.constant 16 : index
      %swap3A_405 = tpu.vector_load %arg10[%swap3A_403, %swap3A_404] {strides = array<i32>} : memref<4x64xi32, #tpu.memory_space<vmem>>, vector<1x16xi32>,
      %swap3A_406 = vector.shape_cast %swap3A_405 : vector<1x16xi32> to vector<16xi32>
      %swap3A_407 = vector.shape_cast %shift_right_logical3A_401 : vector<16xi32> to vector<1x16xi32>
      tpu.vector_store %arg10[%swap3A_403, %swap3A_404], %swap3A_407 {strides = array<i32>} : memref<4x64xi32, #tpu.memory_space<vmem>>, vector<1x16xi32>,
      %get3A_408 = arith.index_cast %scan3A_149 : i32 to index
      %get3A_409 = arith.constant 80 : index
      %get3A_410 = tpu.vector_load %arg7[%get3A_408, %get3A_409] {strides = array<i32>} : memref<40x128xi32, #tpu.memory_space<vmem>>, vector<1x16xi32>,
      %get3A_411 = vector.shape_cast %get3A_410 : vector<1x16xi32> to vector<16xi32>
      %get3A_412 = arith.index_cast %scan3A_149 : i32 to index
      %get3A_413 = arith.constant 80 : index
      %get3A_414 = tpu.vector_load %arg8[%get3A_412, %get3A_413] {strides = array<i32>} : memref<40x128xi32, #tpu.memory_space<vmem>>, vector<1x16xi32>,
      %get3A_415 = vector.shape_cast %get3A_414 : vector<1x16xi32> to vector<16xi32>
      %and3A_416 = arith.constant 65535 : i32
      %and3A_417 = vector.broadcast %and3A_416 : i32 to vector<16xi32>
      %and3A_418 = arith.andi %get3A_411, %and3A_417 : vector<16xi32>
      %swap3A_419 = arith.constant 2 : i32
      %swap3A_420 = arith.index_cast %swap3A_419 : i32 to index
      %swap3A_421 = arith.constant 32 : index
      %swap3A_422 = tpu.vector_load %arg9[%swap3A_420, %swap3A_421] {strides = array<i32>} : memref<4x64xi32, #tpu.memory_space<vmem>>, vector<1x16xi32>,
      %swap3A_423 = vector.shape_cast %swap3A_422 : vector<1x16xi32> to vector<16xi32>
      %swap3A_424 = vector.shape_cast %and3A_418 : vector<16xi32> to vector<1x16xi32>
      tpu.vector_store %arg9[%swap3A_420, %swap3A_421], %swap3A_424 {strides = array<i32>} : memref<4x64xi32, #tpu.memory_space<vmem>>, vector<1x16xi32>,
      %shift_right_logical3A_425 = arith.constant 16 : i32
      %shift_right_logical3A_426 = vector.broadcast %shift_right_logical3A_425 : i32 to vector<16xi32>
      %shift_right_logical3A_427 = arith.shrui %get3A_411, %shift_right_logical3A_426 : vector<16xi32>
      %swap3A_428 = arith.constant 2 : i32
      %swap3A_429 = arith.index_cast %swap3A_428 : i32 to index
      %swap3A_430 = arith.constant 48 : index
      %swap3A_431 = tpu.vector_load %arg9[%swap3A_429, %swap3A_430] {strides = array<i32>} : memref<4x64xi32, #tpu.memory_space<vmem>>, vector<1x16xi32>,
      %swap3A_432 = vector.shape_cast %swap3A_431 : vector<1x16xi32> to vector<16xi32>
      %swap3A_433 = vector.shape_cast %shift_right_logical3A_427 : vector<16xi32> to vector<1x16xi32>
      tpu.vector_store %arg9[%swap3A_429, %swap3A_430], %swap3A_433 {strides = array<i32>} : memref<4x64xi32, #tpu.memory_space<vmem>>, vector<1x16xi32>,
      %and3A_434 = arith.constant 65535 : i32
      %and3A_435 = vector.broadcast %and3A_434 : i32 to vector<16xi32>
      %and3A_436 = arith.andi %get3A_415, %and3A_435 : vector<16xi32>
      %swap3A_437 = arith.constant 2 : i32
      %swap3A_438 = arith.index_cast %swap3A_437 : i32 to index
      %swap3A_439 = arith.constant 32 : index
      %swap3A_440 = tpu.vector_load %arg10[%swap3A_438, %swap3A_439] {strides = array<i32>} : memref<4x64xi32, #tpu.memory_space<vmem>>, vector<1x16xi32>,
      %swap3A_441 = vector.shape_cast %swap3A_440 : vector<1x16xi32> to vector<16xi32>
      %swap3A_442 = vector.shape_cast %and3A_436 : vector<16xi32> to vector<1x16xi32>
      tpu.vector_store %arg10[%swap3A_438, %swap3A_439], %swap3A_442 {strides = array<i32>} : memref<4x64xi32, #tpu.memory_space<vmem>>, vector<1x16xi32>,
      %shift_right_logical3A_443 = arith.constant 16 : i32
      %shift_right_logical3A_444 = vector.broadcast %shift_right_logical3A_443 : i32 to vector<16xi32>
      %shift_right_logical3A_445 = arith.shrui %get3A_415, %shift_right_logical3A_444 : vector<16xi32>
      %swap3A_446 = arith.constant 2 : i32
      %swap3A_447 = arith.index_cast %swap3A_446 : i32 to index
      %swap3A_448 = arith.constant 48 : index
      %swap3A_449 = tpu.vector_load %arg10[%swap3A_447, %swap3A_448] {strides = array<i32>} : memref<4x64xi32, #tpu.memory_space<vmem>>, vector<1x16xi32>,
      %swap3A_450 = vector.shape_cast %swap3A_449 : vector<1x16xi32> to vector<16xi32>
      %swap3A_451 = vector.shape_cast %shift_right_logical3A_445 : vector<16xi32> to vector<1x16xi32>
      tpu.vector_store %arg10[%swap3A_447, %swap3A_448], %swap3A_451 {strides = array<i32>} : memref<4x64xi32, #tpu.memory_space<vmem>>, vector<1x16xi32>,
      %dma_start3A_452 = arith.constant 2 : i32
      %dma_start3A_453 = arith.constant 2 : i32
      %dma_start3A_454 = arith.constant 2 : i32
      %dma_start3A_455 = arith.constant 0 : i32
      %dma_start3A_456 = arith.constant 0 : i32
      %dma_start3A_457 = tpu.memref_slice %arg11[%dma_start3A_453, %dma_start3A_455, %dma_start3A_456] : memref<4x64x128xf32, #tpu.memory_space<vmem>> -> memref<1x64x128xf32, #tpu.memory_space<vmem>>
      %dma_start3A_458 = tpu.memref_squeeze %dma_start3A_457 : memref<1x64x128xf32, #tpu.memory_space<vmem>> -> memref<64x128xf32, #tpu.memory_space<vmem>>
      %dma_start3A_459 = arith.constant 0 : i32
      %dma_start3A_460 = tpu.memref_slice %arg9[%dma_start3A_452, %dma_start3A_459] : memref<4x64xi32, #tpu.memory_space<vmem>> -> memref<1x64xi32, #tpu.memory_space<vmem>>
      %dma_start3A_461 = tpu.memref_squeeze %dma_start3A_460 : memref<1x64xi32, #tpu.memory_space<vmem>> -> memref<64xi32, #tpu.memory_space<vmem>>
      %dma_start3A_462 = arith.constant 0 : i32
      %dma_start3A_463 = arith.constant 0 : i32
      %dma_start3A_464 = tpu.memref_slice %arg2[%dma_start3A_462, %dma_start3A_463] : memref<10000x128xf32, #tpu.memory_space<hbm>> -> memref<10000x128xf32, #tpu.memory_space<hbm>>
      %dma_start3A_465 = tpu.memref_slice %arg14[%dma_start3A_454] : memref<4x!tpu.dma_semaphore, #tpu.memory_space<semaphore_mem>> -> memref<1x!tpu.dma_semaphore, #tpu.memory_space<semaphore_mem>>
      %dma_start3A_466 = tpu.memref_squeeze %dma_start3A_465 : memref<1x!tpu.dma_semaphore, #tpu.memory_space<semaphore_mem>> -> memref<!tpu.dma_semaphore, #tpu.memory_space<semaphore_mem>>
      tpu.enqueue_indirect_dma source(%dma_start3A_464 : memref<10000x128xf32, #tpu.memory_space<hbm>>) target(%dma_start3A_458 : memref<64x128xf32, #tpu.memory_space<vmem>>) offsets(%dma_start3A_461 : memref<64xi32, #tpu.memory_space<vmem>>) semaphore(%dma_start3A_466 : memref<!tpu.dma_semaphore, #tpu.memory_space<semaphore_mem>>)
      %gt3A_467 = arith.constant 0 : i32
      %gt3A_468 = arith.cmpi sgt, %scan3A_149, %gt3A_467 : i32
      %convert_element_type3A_469 = arith.extui %gt3A_468 : i1 to i32
      %cond3A_470 = arith.constant 0 : i32
      %cond3A_471 = arith.cmpi ne, %convert_element_type3A_469, %cond3A_470 : i32
      scf.if %cond3A_471 {
        %dma_wait3A_719 = arith.constant 3 : i32
        %dma_wait3A_720 = arith.constant 3 : i32
        %dma_wait3A_721 = arith.constant 3 : i32
        %dma_wait3A_722 = arith.constant 0 : i32
        %dma_wait3A_723 = arith.constant 0 : i32
        %dma_wait3A_724 = tpu.memref_slice %arg11[%dma_wait3A_719, %dma_wait3A_722, %dma_wait3A_723] : memref<4x64x128xf32, #tpu.memory_space<vmem>> -> memref<1x64x128xf32, #tpu.memory_space<vmem>>
        %dma_wait3A_725 = tpu.memref_squeeze %dma_wait3A_724 : memref<1x64x128xf32, #tpu.memory_space<vmem>> -> memref<64x128xf32, #tpu.memory_space<vmem>>
        %dma_wait3A_726 = arith.constant 0 : i32
        %dma_wait3A_727 = tpu.memref_slice %arg10[%dma_wait3A_720, %dma_wait3A_726] : memref<4x64xi32, #tpu.memory_space<vmem>> -> memref<1x64xi32, #tpu.memory_space<vmem>>
        %dma_wait3A_728 = tpu.memref_squeeze %dma_wait3A_727 : memref<1x64xi32, #tpu.memory_space<vmem>> -> memref<64xi32, #tpu.memory_space<vmem>>
        %dma_wait3A_729 = arith.constant 0 : i32
        %dma_wait3A_730 = arith.constant 0 : i32
        %dma_wait3A_731 = tpu.memref_slice %arg13[%dma_wait3A_729, %dma_wait3A_730] : memref<10112x128xf32, #tpu.memory_space<vmem_shared>> -> memref<10112x128xf32, #tpu.memory_space<vmem_shared>>
        %dma_wait3A_732 = tpu.memref_slice %arg15[%dma_wait3A_721] : memref<4x!tpu.dma_semaphore, #tpu.memory_space<semaphore_mem>> -> memref<1x!tpu.dma_semaphore, #tpu.memory_space<semaphore_mem>>
        %dma_wait3A_733 = tpu.memref_squeeze %dma_wait3A_732 : memref<1x!tpu.dma_semaphore, #tpu.memory_space<semaphore_mem>> -> memref<!tpu.dma_semaphore, #tpu.memory_space<semaphore_mem>>
        tpu.wait_indirect_dma semaphore(%dma_wait3A_733 : memref<!tpu.dma_semaphore, #tpu.memory_space<semaphore_mem>>) src(%dma_wait3A_725 : memref<64x128xf32, #tpu.memory_space<vmem>>) dst(%dma_wait3A_731 : memref<10112x128xf32, #tpu.memory_space<vmem_shared>>)
        %dma_wait3A_734 = arith.constant 3 : i32
        %dma_wait3A_735 = arith.constant 0 : i32
        %dma_wait3A_736 = tpu.memref_slice %arg10[%dma_wait3A_734, %dma_wait3A_735] : memref<4x64xi32, #tpu.memory_space<vmem>> -> memref<1x64xi32, #tpu.memory_space<vmem>>
        %dma_wait3A_737 = tpu.memref_squeeze %dma_wait3A_736 : memref<1x64xi32, #tpu.memory_space<vmem>> -> memref<64xi32, #tpu.memory_space<vmem>>
        %dma_wait3A_738 = arith.constant 0 : i32
        %dma_wait3A_739 = tpu.memref_slice %arg19[%dma_wait3A_738] : memref<10240xf32, #tpu.memory_space<vmem_shared>> -> memref<10240xf32, #tpu.memory_space<vmem_shared>>
        tpu.wait_indirect_dma semaphore(%arg16 : memref<!tpu.dma_semaphore, #tpu.memory_space<semaphore_mem>>) src(%arg17 : memref<64xf32, #tpu.memory_space<vmem>>) dst(%dma_wait3A_739 : memref<10240xf32, #tpu.memory_space<vmem_shared>>)
      } else {
      }
      %get3A_472 = arith.index_cast %scan3A_149 : i32 to index
      %get3A_473 = arith.constant 96 : index
      %get3A_474 = tpu.vector_load %arg7[%get3A_472, %get3A_473] {strides = array<i32>} : memref<40x128xi32, #tpu.memory_space<vmem>>, vector<1x16xi32>,
      %get3A_475 = vector.shape_cast %get3A_474 : vector<1x16xi32> to vector<16xi32>
      %get3A_476 = arith.index_cast %scan3A_149 : i32 to index
      %get3A_477 = arith.constant 96 : index
      %get3A_478 = tpu.vector_load %arg8[%get3A_476, %get3A_477] {strides = array<i32>} : memref<40x128xi32, #tpu.memory_space<vmem>>, vector<1x16xi32>,
      %get3A_479 = vector.shape_cast %get3A_478 : vector<1x16xi32> to vector<16xi32>
      %and3A_480 = arith.constant 65535 : i32
      %and3A_481 = vector.broadcast %and3A_480 : i32 to vector<16xi32>
      %and3A_482 = arith.andi %get3A_475, %and3A_481 : vector<16xi32>
      %swap3A_483 = arith.constant 3 : i32
      %swap3A_484 = arith.index_cast %swap3A_483 : i32 to index
      %swap3A_485 = arith.constant 0 : index
      %swap3A_486 = tpu.vector_load %arg9[%swap3A_484, %swap3A_485] {strides = array<i32>} : memref<4x64xi32, #tpu.memory_space<vmem>>, vector<1x16xi32>,
      %swap3A_487 = vector.shape_cast %swap3A_486 : vector<1x16xi32> to vector<16xi32>
      %swap3A_488 = vector.shape_cast %and3A_482 : vector<16xi32> to vector<1x16xi32>
      tpu.vector_store %arg9[%swap3A_484, %swap3A_485], %swap3A_488 {strides = array<i32>} : memref<4x64xi32, #tpu.memory_space<vmem>>, vector<1x16xi32>,
      %shift_right_logical3A_489 = arith.constant 16 : i32
      %shift_right_logical3A_490 = vector.broadcast %shift_right_logical3A_489 : i32 to vector<16xi32>
      %shift_right_logical3A_491 = arith.shrui %get3A_475, %shift_right_logical3A_490 : vector<16xi32>
      %swap3A_492 = arith.constant 3 : i32
      %swap3A_493 = arith.index_cast %swap3A_492 : i32 to index
      %swap3A_494 = arith.constant 16 : index
      %swap3A_495 = tpu.vector_load %arg9[%swap3A_493, %swap3A_494] {strides = array<i32>} : memref<4x64xi32, #tpu.memory_space<vmem>>, vector<1x16xi32>,
      %swap3A_496 = vector.shape_cast %swap3A_495 : vector<1x16xi32> to vector<16xi32>
      %swap3A_497 = vector.shape_cast %shift_right_logical3A_491 : vector<16xi32> to vector<1x16xi32>
      tpu.vector_store %arg9[%swap3A_493, %swap3A_494], %swap3A_497 {strides = array<i32>} : memref<4x64xi32, #tpu.memory_space<vmem>>, vector<1x16xi32>,
      %and3A_498 = arith.constant 65535 : i32
      %and3A_499 = vector.broadcast %and3A_498 : i32 to vector<16xi32>
      %and3A_500 = arith.andi %get3A_479, %and3A_499 : vector<16xi32>
      %swap3A_501 = arith.constant 3 : i32
      %swap3A_502 = arith.index_cast %swap3A_501 : i32 to index
      %swap3A_503 = arith.constant 0 : index
      %swap3A_504 = tpu.vector_load %arg10[%swap3A_502, %swap3A_503] {strides = array<i32>} : memref<4x64xi32, #tpu.memory_space<vmem>>, vector<1x16xi32>,
      %swap3A_505 = vector.shape_cast %swap3A_504 : vector<1x16xi32> to vector<16xi32>
      %swap3A_506 = vector.shape_cast %and3A_500 : vector<16xi32> to vector<1x16xi32>
      tpu.vector_store %arg10[%swap3A_502, %swap3A_503], %swap3A_506 {strides = array<i32>} : memref<4x64xi32, #tpu.memory_space<vmem>>, vector<1x16xi32>,
      %shift_right_logical3A_507 = arith.constant 16 : i32
      %shift_right_logical3A_508 = vector.broadcast %shift_right_logical3A_507 : i32 to vector<16xi32>
      %shift_right_logical3A_509 = arith.shrui %get3A_479, %shift_right_logical3A_508 : vector<16xi32>
      %swap3A_510 = arith.constant 3 : i32
      %swap3A_511 = arith.index_cast %swap3A_510 : i32 to index
      %swap3A_512 = arith.constant 16 : index
      %swap3A_513 = tpu.vector_load %arg10[%swap3A_511, %swap3A_512] {strides = array<i32>} : memref<4x64xi32, #tpu.memory_space<vmem>>, vector<1x16xi32>,
      %swap3A_514 = vector.shape_cast %swap3A_513 : vector<1x16xi32> to vector<16xi32>
      %swap3A_515 = vector.shape_cast %shift_right_logical3A_509 : vector<16xi32> to vector<1x16xi32>
      tpu.vector_store %arg10[%swap3A_511, %swap3A_512], %swap3A_515 {strides = array<i32>} : memref<4x64xi32, #tpu.memory_space<vmem>>, vector<1x16xi32>,
      %get3A_516 = arith.index_cast %scan3A_149 : i32 to index
      %get3A_517 = arith.constant 112 : index
      %get3A_518 = tpu.vector_load %arg7[%get3A_516, %get3A_517] {strides = array<i32>} : memref<40x128xi32, #tpu.memory_space<vmem>>, vector<1x16xi32>,
      %get3A_519 = vector.shape_cast %get3A_518 : vector<1x16xi32> to vector<16xi32>
      %get3A_520 = arith.index_cast %scan3A_149 : i32 to index
      %get3A_521 = arith.constant 112 : index
      %get3A_522 = tpu.vector_load %arg8[%get3A_520, %get3A_521] {strides = array<i32>} : memref<40x128xi32, #tpu.memory_space<vmem>>, vector<1x16xi32>,
      %get3A_523 = vector.shape_cast %get3A_522 : vector<1x16xi32> to vector<16xi32>
      %and3A_524 = arith.constant 65535 : i32
      %and3A_525 = vector.broadcast %and3A_524 : i32 to vector<16xi32>
      %and3A_526 = arith.andi %get3A_519, %and3A_525 : vector<16xi32>
      %swap3A_527 = arith.constant 3 : i32
      %swap3A_528 = arith.index_cast %swap3A_527 : i32 to index
      %swap3A_529 = arith.constant 32 : index
      %swap3A_530 = tpu.vector_load %arg9[%swap3A_528, %swap3A_529] {strides = array<i32>} : memref<4x64xi32, #tpu.memory_space<vmem>>, vector<1x16xi32>,
      %swap3A_531 = vector.shape_cast %swap3A_530 : vector<1x16xi32> to vector<16xi32>
      %swap3A_532 = vector.shape_cast %and3A_526 : vector<16xi32> to vector<1x16xi32>
      tpu.vector_store %arg9[%swap3A_528, %swap3A_529], %swap3A_532 {strides = array<i32>} : memref<4x64xi32, #tpu.memory_space<vmem>>, vector<1x16xi32>,
      %shift_right_logical3A_533 = arith.constant 16 : i32
      %shift_right_logical3A_534 = vector.broadcast %shift_right_logical3A_533 : i32 to vector<16xi32>
      %shift_right_logical3A_535 = arith.shrui %get3A_519, %shift_right_logical3A_534 : vector<16xi32>
      %swap3A_536 = arith.constant 3 : i32
      %swap3A_537 = arith.index_cast %swap3A_536 : i32 to index
      %swap3A_538 = arith.constant 48 : index
      %swap3A_539 = tpu.vector_load %arg9[%swap3A_537, %swap3A_538] {strides = array<i32>} : memref<4x64xi32, #tpu.memory_space<vmem>>, vector<1x16xi32>,
      %swap3A_540 = vector.shape_cast %swap3A_539 : vector<1x16xi32> to vector<16xi32>
      %swap3A_541 = vector.shape_cast %shift_right_logical3A_535 : vector<16xi32> to vector<1x16xi32>
      tpu.vector_store %arg9[%swap3A_537, %swap3A_538], %swap3A_541 {strides = array<i32>} : memref<4x64xi32, #tpu.memory_space<vmem>>, vector<1x16xi32>,
      %and3A_542 = arith.constant 65535 : i32
      %and3A_543 = vector.broadcast %and3A_542 : i32 to vector<16xi32>
      %and3A_544 = arith.andi %get3A_523, %and3A_543 : vector<16xi32>
      %swap3A_545 = arith.constant 3 : i32
      %swap3A_546 = arith.index_cast %swap3A_545 : i32 to index
      %swap3A_547 = arith.constant 32 : index
      %swap3A_548 = tpu.vector_load %arg10[%swap3A_546, %swap3A_547] {strides = array<i32>} : memref<4x64xi32, #tpu.memory_space<vmem>>, vector<1x16xi32>,
      %swap3A_549 = vector.shape_cast %swap3A_548 : vector<1x16xi32> to vector<16xi32>
      %swap3A_550 = vector.shape_cast %and3A_544 : vector<16xi32> to vector<1x16xi32>
      tpu.vector_store %arg10[%swap3A_546, %swap3A_547], %swap3A_550 {strides = array<i32>} : memref<4x64xi32, #tpu.memory_space<vmem>>, vector<1x16xi32>,
      %shift_right_logical3A_551 = arith.constant 16 : i32
      %shift_right_logical3A_552 = vector.broadcast %shift_right_logical3A_551 : i32 to vector<16xi32>
      %shift_right_logical3A_553 = arith.shrui %get3A_523, %shift_right_logical3A_552 : vector<16xi32>
      %swap3A_554 = arith.constant 3 : i32
      %swap3A_555 = arith.index_cast %swap3A_554 : i32 to index
      %swap3A_556 = arith.constant 48 : index
      %swap3A_557 = tpu.vector_load %arg10[%swap3A_555, %swap3A_556] {strides = array<i32>} : memref<4x64xi32, #tpu.memory_space<vmem>>, vector<1x16xi32>,
      %swap3A_558 = vector.shape_cast %swap3A_557 : vector<1x16xi32> to vector<16xi32>
      %swap3A_559 = vector.shape_cast %shift_right_logical3A_553 : vector<16xi32> to vector<1x16xi32>
      tpu.vector_store %arg10[%swap3A_555, %swap3A_556], %swap3A_559 {strides = array<i32>} : memref<4x64xi32, #tpu.memory_space<vmem>>, vector<1x16xi32>,
      %dma_start3A_560 = arith.constant 3 : i32
      %dma_start3A_561 = arith.constant 3 : i32
      %dma_start3A_562 = arith.constant 3 : i32
      %dma_start3A_563 = arith.constant 0 : i32
      %dma_start3A_564 = arith.constant 0 : i32
      %dma_start3A_565 = tpu.memref_slice %arg11[%dma_start3A_561, %dma_start3A_563, %dma_start3A_564] : memref<4x64x128xf32, #tpu.memory_space<vmem>> -> memref<1x64x128xf32, #tpu.memory_space<vmem>>
      %dma_start3A_566 = tpu.memref_squeeze %dma_start3A_565 : memref<1x64x128xf32, #tpu.memory_space<vmem>> -> memref<64x128xf32, #tpu.memory_space<vmem>>
      %dma_start3A_567 = arith.constant 0 : i32
      %dma_start3A_568 = tpu.memref_slice %arg9[%dma_start3A_560, %dma_start3A_567] : memref<4x64xi32, #tpu.memory_space<vmem>> -> memref<1x64xi32, #tpu.memory_space<vmem>>
      %dma_start3A_569 = tpu.memref_squeeze %dma_start3A_568 : memref<1x64xi32, #tpu.memory_space<vmem>> -> memref<64xi32, #tpu.memory_space<vmem>>
      %dma_start3A_570 = arith.constant 0 : i32
      %dma_start3A_571 = arith.constant 0 : i32
      %dma_start3A_572 = tpu.memref_slice %arg2[%dma_start3A_570, %dma_start3A_571] : memref<10000x128xf32, #tpu.memory_space<hbm>> -> memref<10000x128xf32, #tpu.memory_space<hbm>>
      %dma_start3A_573 = tpu.memref_slice %arg14[%dma_start3A_562] : memref<4x!tpu.dma_semaphore, #tpu.memory_space<semaphore_mem>> -> memref<1x!tpu.dma_semaphore, #tpu.memory_space<semaphore_mem>>
      %dma_start3A_574 = tpu.memref_squeeze %dma_start3A_573 : memref<1x!tpu.dma_semaphore, #tpu.memory_space<semaphore_mem>> -> memref<!tpu.dma_semaphore, #tpu.memory_space<semaphore_mem>>
      tpu.enqueue_indirect_dma source(%dma_start3A_572 : memref<10000x128xf32, #tpu.memory_space<hbm>>) target(%dma_start3A_566 : memref<64x128xf32, #tpu.memory_space<vmem>>) offsets(%dma_start3A_569 : memref<64xi32, #tpu.memory_space<vmem>>) semaphore(%dma_start3A_574 : memref<!tpu.dma_semaphore, #tpu.memory_space<semaphore_mem>>)
      %dma_wait3A_575 = arith.constant 0 : i32
      %dma_wait3A_576 = arith.constant 0 : i32
      %dma_wait3A_577 = arith.constant 0 : i32
      %dma_wait3A_578 = arith.constant 0 : i32
      %dma_wait3A_579 = arith.constant 0 : i32
      %dma_wait3A_580 = tpu.memref_slice %arg11[%dma_wait3A_576, %dma_wait3A_578, %dma_wait3A_579] : memref<4x64x128xf32, #tpu.memory_space<vmem>> -> memref<1x64x128xf32, #tpu.memory_space<vmem>>
      %dma_wait3A_581 = tpu.memref_squeeze %dma_wait3A_580 : memref<1x64x128xf32, #tpu.memory_space<vmem>> -> memref<64x128xf32, #tpu.memory_space<vmem>>
      %dma_wait3A_582 = arith.constant 0 : i32
      %dma_wait3A_583 = tpu.memref_slice %arg9[%dma_wait3A_575, %dma_wait3A_582] : memref<4x64xi32, #tpu.memory_space<vmem>> -> memref<1x64xi32, #tpu.memory_space<vmem>>
      %dma_wait3A_584 = tpu.memref_squeeze %dma_wait3A_583 : memref<1x64xi32, #tpu.memory_space<vmem>> -> memref<64xi32, #tpu.memory_space<vmem>>
      %dma_wait3A_585 = arith.constant 0 : i32
      %dma_wait3A_586 = arith.constant 0 : i32
      %dma_wait3A_587 = tpu.memref_slice %arg2[%dma_wait3A_585, %dma_wait3A_586] : memref<10000x128xf32, #tpu.memory_space<hbm>> -> memref<10000x128xf32, #tpu.memory_space<hbm>>
      %dma_wait3A_588 = tpu.memref_slice %arg14[%dma_wait3A_577] : memref<4x!tpu.dma_semaphore, #tpu.memory_space<semaphore_mem>> -> memref<1x!tpu.dma_semaphore, #tpu.memory_space<semaphore_mem>>
      %dma_wait3A_589 = tpu.memref_squeeze %dma_wait3A_588 : memref<1x!tpu.dma_semaphore, #tpu.memory_space<semaphore_mem>> -> memref<!tpu.dma_semaphore, #tpu.memory_space<semaphore_mem>>
      tpu.wait_indirect_dma semaphore(%dma_wait3A_589 : memref<!tpu.dma_semaphore, #tpu.memory_space<semaphore_mem>>) src(%dma_wait3A_587 : memref<10000x128xf32, #tpu.memory_space<hbm>>) dst(%dma_wait3A_581 : memref<64x128xf32, #tpu.memory_space<vmem>>)
      %dma_start3A_590 = arith.constant 0 : i32
      %dma_start3A_591 = arith.constant 0 : i32
      %dma_start3A_592 = arith.constant 0 : i32
      %dma_start3A_593 = arith.constant 0 : i32
      %dma_start3A_594 = arith.constant 0 : i32
      %dma_start3A_595 = tpu.memref_slice %arg11[%dma_start3A_590, %dma_start3A_593, %dma_start3A_594] : memref<4x64x128xf32, #tpu.memory_space<vmem>> -> memref<1x64x128xf32, #tpu.memory_space<vmem>>
      %dma_start3A_596 = tpu.memref_squeeze %dma_start3A_595 : memref<1x64x128xf32, #tpu.memory_space<vmem>> -> memref<64x128xf32, #tpu.memory_space<vmem>>
      %dma_start3A_597 = arith.constant 0 : i32
      %dma_start3A_598 = tpu.memref_slice %arg10[%dma_start3A_591, %dma_start3A_597] : memref<4x64xi32, #tpu.memory_space<vmem>> -> memref<1x64xi32, #tpu.memory_space<vmem>>
      %dma_start3A_599 = tpu.memref_squeeze %dma_start3A_598 : memref<1x64xi32, #tpu.memory_space<vmem>> -> memref<64xi32, #tpu.memory_space<vmem>>
      %dma_start3A_600 = arith.constant 0 : i32
      %dma_start3A_601 = arith.constant 0 : i32
      %dma_start3A_602 = tpu.memref_slice %arg13[%dma_start3A_600, %dma_start3A_601] : memref<10112x128xf32, #tpu.memory_space<vmem_shared>> -> memref<10112x128xf32, #tpu.memory_space<vmem_shared>>
      %dma_start3A_603 = tpu.memref_slice %arg15[%dma_start3A_592] : memref<4x!tpu.dma_semaphore, #tpu.memory_space<semaphore_mem>> -> memref<1x!tpu.dma_semaphore, #tpu.memory_space<semaphore_mem>>
      %dma_start3A_604 = tpu.memref_squeeze %dma_start3A_603 : memref<1x!tpu.dma_semaphore, #tpu.memory_space<semaphore_mem>> -> memref<!tpu.dma_semaphore, #tpu.memory_space<semaphore_mem>>
      tpu.enqueue_indirect_dma source(%dma_start3A_596 : memref<64x128xf32, #tpu.memory_space<vmem>>) target(%dma_start3A_602 : memref<10112x128xf32, #tpu.memory_space<vmem_shared>>) offsets(%dma_start3A_599 : memref<64xi32, #tpu.memory_space<vmem>>) semaphore(%dma_start3A_604 : memref<!tpu.dma_semaphore, #tpu.memory_space<semaphore_mem>>) {add = true}
      %dma_start3A_605 = arith.constant 0 : i32
      %dma_start3A_606 = arith.constant 0 : i32
      %dma_start3A_607 = tpu.memref_slice %arg10[%dma_start3A_605, %dma_start3A_606] : memref<4x64xi32, #tpu.memory_space<vmem>> -> memref<1x64xi32, #tpu.memory_space<vmem>>
      %dma_start3A_608 = tpu.memref_squeeze %dma_start3A_607 : memref<1x64xi32, #tpu.memory_space<vmem>> -> memref<64xi32, #tpu.memory_space<vmem>>
      %dma_start3A_609 = arith.constant 0 : i32
      %dma_start3A_610 = tpu.memref_slice %arg19[%dma_start3A_609] : memref<10240xf32, #tpu.memory_space<vmem_shared>> -> memref<10240xf32, #tpu.memory_space<vmem_shared>>
      tpu.enqueue_indirect_dma source(%arg17 : memref<64xf32, #tpu.memory_space<vmem>>) target(%dma_start3A_610 : memref<10240xf32, #tpu.memory_space<vmem_shared>>) offsets(%dma_start3A_608 : memref<64xi32, #tpu.memory_space<vmem>>) semaphore(%arg16 : memref<!tpu.dma_semaphore, #tpu.memory_space<semaphore_mem>>) {add = true}
      %dma_wait3A_611 = arith.constant 1 : i32
      %dma_wait3A_612 = arith.constant 1 : i32
      %dma_wait3A_613 = arith.constant 1 : i32
      %dma_wait3A_614 = arith.constant 0 : i32
      %dma_wait3A_615 = arith.constant 0 : i32
      %dma_wait3A_616 = tpu.memref_slice %arg11[%dma_wait3A_612, %dma_wait3A_614, %dma_wait3A_615] : memref<4x64x128xf32, #tpu.memory_space<vmem>> -> memref<1x64x128xf32, #tpu.memory_space<vmem>>
      %dma_wait3A_617 = tpu.memref_squeeze %dma_wait3A_616 : memref<1x64x128xf32, #tpu.memory_space<vmem>> -> memref<64x128xf32, #tpu.memory_space<vmem>>
      %dma_wait3A_618 = arith.constant 0 : i32
      %dma_wait3A_619 = tpu.memref_slice %arg9[%dma_wait3A_611, %dma_wait3A_618] : memref<4x64xi32, #tpu.memory_space<vmem>> -> memref<1x64xi32, #tpu.memory_space<vmem>>
      %dma_wait3A_620 = tpu.memref_squeeze %dma_wait3A_619 : memref<1x64xi32, #tpu.memory_space<vmem>> -> memref<64xi32, #tpu.memory_space<vmem>>
      %dma_wait3A_621 = arith.constant 0 : i32
      %dma_wait3A_622 = arith.constant 0 : i32
      %dma_wait3A_623 = tpu.memref_slice %arg2[%dma_wait3A_621, %dma_wait3A_622] : memref<10000x128xf32, #tpu.memory_space<hbm>> -> memref<10000x128xf32, #tpu.memory_space<hbm>>
      %dma_wait3A_624 = tpu.memref_slice %arg14[%dma_wait3A_613] : memref<4x!tpu.dma_semaphore, #tpu.memory_space<semaphore_mem>> -> memref<1x!tpu.dma_semaphore, #tpu.memory_space<semaphore_mem>>
      %dma_wait3A_625 = tpu.memref_squeeze %dma_wait3A_624 : memref<1x!tpu.dma_semaphore, #tpu.memory_space<semaphore_mem>> -> memref<!tpu.dma_semaphore, #tpu.memory_space<semaphore_mem>>
      tpu.wait_indirect_dma semaphore(%dma_wait3A_625 : memref<!tpu.dma_semaphore, #tpu.memory_space<semaphore_mem>>) src(%dma_wait3A_623 : memref<10000x128xf32, #tpu.memory_space<hbm>>) dst(%dma_wait3A_617 : memref<64x128xf32, #tpu.memory_space<vmem>>)
      %dma_start3A_626 = arith.constant 1 : i32
      %dma_start3A_627 = arith.constant 1 : i32
      %dma_start3A_628 = arith.constant 1 : i32
      %dma_start3A_629 = arith.constant 0 : i32
      %dma_start3A_630 = arith.constant 0 : i32
      %dma_start3A_631 = tpu.memref_slice %arg11[%dma_start3A_626, %dma_start3A_629, %dma_start3A_630] : memref<4x64x128xf32, #tpu.memory_space<vmem>> -> memref<1x64x128xf32, #tpu.memory_space<vmem>>
      %dma_start3A_632 = tpu.memref_squeeze %dma_start3A_631 : memref<1x64x128xf32, #tpu.memory_space<vmem>> -> memref<64x128xf32, #tpu.memory_space<vmem>>
      %dma_start3A_633 = arith.constant 0 : i32
      %dma_start3A_634 = tpu.memref_slice %arg10[%dma_start3A_627, %dma_start3A_633] : memref<4x64xi32, #tpu.memory_space<vmem>> -> memref<1x64xi32, #tpu.memory_space<vmem>>
      %dma_start3A_635 = tpu.memref_squeeze %dma_start3A_634 : memref<1x64xi32, #tpu.memory_space<vmem>> -> memref<64xi32, #tpu.memory_space<vmem>>
      %dma_start3A_636 = arith.constant 0 : i32
      %dma_start3A_637 = arith.constant 0 : i32
      %dma_start3A_638 = tpu.memref_slice %arg13[%dma_start3A_636, %dma_start3A_637] : memref<10112x128xf32, #tpu.memory_space<vmem_shared>> -> memref<10112x128xf32, #tpu.memory_space<vmem_shared>>
      %dma_start3A_639 = tpu.memref_slice %arg15[%dma_start3A_628] : memref<4x!tpu.dma_semaphore, #tpu.memory_space<semaphore_mem>> -> memref<1x!tpu.dma_semaphore, #tpu.memory_space<semaphore_mem>>
      %dma_start3A_640 = tpu.memref_squeeze %dma_start3A_639 : memref<1x!tpu.dma_semaphore, #tpu.memory_space<semaphore_mem>> -> memref<!tpu.dma_semaphore, #tpu.memory_space<semaphore_mem>>
      tpu.enqueue_indirect_dma source(%dma_start3A_632 : memref<64x128xf32, #tpu.memory_space<vmem>>) target(%dma_start3A_638 : memref<10112x128xf32, #tpu.memory_space<vmem_shared>>) offsets(%dma_start3A_635 : memref<64xi32, #tpu.memory_space<vmem>>) semaphore(%dma_start3A_640 : memref<!tpu.dma_semaphore, #tpu.memory_space<semaphore_mem>>) {add = true}
      %dma_start3A_641 = arith.constant 1 : i32
      %dma_start3A_642 = arith.constant 0 : i32
      %dma_start3A_643 = tpu.memref_slice %arg10[%dma_start3A_641, %dma_start3A_642] : memref<4x64xi32, #tpu.memory_space<vmem>> -> memref<1x64xi32, #tpu.memory_space<vmem>>
      %dma_start3A_644 = tpu.memref_squeeze %dma_start3A_643 : memref<1x64xi32, #tpu.memory_space<vmem>> -> memref<64xi32, #tpu.memory_space<vmem>>
      %dma_start3A_645 = arith.constant 0 : i32
      %dma_start3A_646 = tpu.memref_slice %arg19[%dma_start3A_645] : memref<10240xf32, #tpu.memory_space<vmem_shared>> -> memref<10240xf32, #tpu.memory_space<vmem_shared>>
      tpu.enqueue_indirect_dma source(%arg17 : memref<64xf32, #tpu.memory_space<vmem>>) target(%dma_start3A_646 : memref<10240xf32, #tpu.memory_space<vmem_shared>>) offsets(%dma_start3A_644 : memref<64xi32, #tpu.memory_space<vmem>>) semaphore(%arg16 : memref<!tpu.dma_semaphore, #tpu.memory_space<semaphore_mem>>) {add = true}
      %dma_wait3A_647 = arith.constant 2 : i32
      %dma_wait3A_648 = arith.constant 2 : i32
      %dma_wait3A_649 = arith.constant 2 : i32
      %dma_wait3A_650 = arith.constant 0 : i32
      %dma_wait3A_651 = arith.constant 0 : i32
      %dma_wait3A_652 = tpu.memref_slice %arg11[%dma_wait3A_648, %dma_wait3A_650, %dma_wait3A_651] : memref<4x64x128xf32, #tpu.memory_space<vmem>> -> memref<1x64x128xf32, #tpu.memory_space<vmem>>
      %dma_wait3A_653 = tpu.memref_squeeze %dma_wait3A_652 : memref<1x64x128xf32, #tpu.memory_space<vmem>> -> memref<64x128xf32, #tpu.memory_space<vmem>>
      %dma_wait3A_654 = arith.constant 0 : i32
      %dma_wait3A_655 = tpu.memref_slice %arg9[%dma_wait3A_647, %dma_wait3A_654] : memref<4x64xi32, #tpu.memory_space<vmem>> -> memref<1x64xi32, #tpu.memory_space<vmem>>
      %dma_wait3A_656 = tpu.memref_squeeze %dma_wait3A_655 : memref<1x64xi32, #tpu.memory_space<vmem>> -> memref<64xi32, #tpu.memory_space<vmem>>
      %dma_wait3A_657 = arith.constant 0 : i32
      %dma_wait3A_658 = arith.constant 0 : i32
      %dma_wait3A_659 = tpu.memref_slice %arg2[%dma_wait3A_657, %dma_wait3A_658] : memref<10000x128xf32, #tpu.memory_space<hbm>> -> memref<10000x128xf32, #tpu.memory_space<hbm>>
      %dma_wait3A_660 = tpu.memref_slice %arg14[%dma_wait3A_649] : memref<4x!tpu.dma_semaphore, #tpu.memory_space<semaphore_mem>> -> memref<1x!tpu.dma_semaphore, #tpu.memory_space<semaphore_mem>>
      %dma_wait3A_661 = tpu.memref_squeeze %dma_wait3A_660 : memref<1x!tpu.dma_semaphore, #tpu.memory_space<semaphore_mem>> -> memref<!tpu.dma_semaphore, #tpu.memory_space<semaphore_mem>>
      tpu.wait_indirect_dma semaphore(%dma_wait3A_661 : memref<!tpu.dma_semaphore, #tpu.memory_space<semaphore_mem>>) src(%dma_wait3A_659 : memref<10000x128xf32, #tpu.memory_space<hbm>>) dst(%dma_wait3A_653 : memref<64x128xf32, #tpu.memory_space<vmem>>)
      %dma_start3A_662 = arith.constant 2 : i32
      %dma_start3A_663 = arith.constant 2 : i32
      %dma_start3A_664 = arith.constant 2 : i32
      %dma_start3A_665 = arith.constant 0 : i32
      %dma_start3A_666 = arith.constant 0 : i32
      %dma_start3A_667 = tpu.memref_slice %arg11[%dma_start3A_662, %dma_start3A_665, %dma_start3A_666] : memref<4x64x128xf32, #tpu.memory_space<vmem>> -> memref<1x64x128xf32, #tpu.memory_space<vmem>>
      %dma_start3A_668 = tpu.memref_squeeze %dma_start3A_667 : memref<1x64x128xf32, #tpu.memory_space<vmem>> -> memref<64x128xf32, #tpu.memory_space<vmem>>
      %dma_start3A_669 = arith.constant 0 : i32
      %dma_start3A_670 = tpu.memref_slice %arg10[%dma_start3A_663, %dma_start3A_669] : memref<4x64xi32, #tpu.memory_space<vmem>> -> memref<1x64xi32, #tpu.memory_space<vmem>>
      %dma_start3A_671 = tpu.memref_squeeze %dma_start3A_670 : memref<1x64xi32, #tpu.memory_space<vmem>> -> memref<64xi32, #tpu.memory_space<vmem>>
      %dma_start3A_672 = arith.constant 0 : i32
      %dma_start3A_673 = arith.constant 0 : i32
      %dma_start3A_674 = tpu.memref_slice %arg13[%dma_start3A_672, %dma_start3A_673] : memref<10112x128xf32, #tpu.memory_space<vmem_shared>> -> memref<10112x128xf32, #tpu.memory_space<vmem_shared>>
      %dma_start3A_675 = tpu.memref_slice %arg15[%dma_start3A_664] : memref<4x!tpu.dma_semaphore, #tpu.memory_space<semaphore_mem>> -> memref<1x!tpu.dma_semaphore, #tpu.memory_space<semaphore_mem>>
      %dma_start3A_676 = tpu.memref_squeeze %dma_start3A_675 : memref<1x!tpu.dma_semaphore, #tpu.memory_space<semaphore_mem>> -> memref<!tpu.dma_semaphore, #tpu.memory_space<semaphore_mem>>
      tpu.enqueue_indirect_dma source(%dma_start3A_668 : memref<64x128xf32, #tpu.memory_space<vmem>>) target(%dma_start3A_674 : memref<10112x128xf32, #tpu.memory_space<vmem_shared>>) offsets(%dma_start3A_671 : memref<64xi32, #tpu.memory_space<vmem>>) semaphore(%dma_start3A_676 : memref<!tpu.dma_semaphore, #tpu.memory_space<semaphore_mem>>) {add = true}
      %dma_start3A_677 = arith.constant 2 : i32
      %dma_start3A_678 = arith.constant 0 : i32
      %dma_start3A_679 = tpu.memref_slice %arg10[%dma_start3A_677, %dma_start3A_678] : memref<4x64xi32, #tpu.memory_space<vmem>> -> memref<1x64xi32, #tpu.memory_space<vmem>>
      %dma_start3A_680 = tpu.memref_squeeze %dma_start3A_679 : memref<1x64xi32, #tpu.memory_space<vmem>> -> memref<64xi32, #tpu.memory_space<vmem>>
      %dma_start3A_681 = arith.constant 0 : i32
      %dma_start3A_682 = tpu.memref_slice %arg19[%dma_start3A_681] : memref<10240xf32, #tpu.memory_space<vmem_shared>> -> memref<10240xf32, #tpu.memory_space<vmem_shared>>
      tpu.enqueue_indirect_dma source(%arg17 : memref<64xf32, #tpu.memory_space<vmem>>) target(%dma_start3A_682 : memref<10240xf32, #tpu.memory_space<vmem_shared>>) offsets(%dma_start3A_680 : memref<64xi32, #tpu.memory_space<vmem>>) semaphore(%arg16 : memref<!tpu.dma_semaphore, #tpu.memory_space<semaphore_mem>>) {add = true}
      %dma_wait3A_683 = arith.constant 3 : i32
      %dma_wait3A_684 = arith.constant 3 : i32
      %dma_wait3A_685 = arith.constant 3 : i32
      %dma_wait3A_686 = arith.constant 0 : i32
      %dma_wait3A_687 = arith.constant 0 : i32
      %dma_wait3A_688 = tpu.memref_slice %arg11[%dma_wait3A_684, %dma_wait3A_686, %dma_wait3A_687] : memref<4x64x128xf32, #tpu.memory_space<vmem>> -> memref<1x64x128xf32, #tpu.memory_space<vmem>>
      %dma_wait3A_689 = tpu.memref_squeeze %dma_wait3A_688 : memref<1x64x128xf32, #tpu.memory_space<vmem>> -> memref<64x128xf32, #tpu.memory_space<vmem>>
      %dma_wait3A_690 = arith.constant 0 : i32
      %dma_wait3A_691 = tpu.memref_slice %arg9[%dma_wait3A_683, %dma_wait3A_690] : memref<4x64xi32, #tpu.memory_space<vmem>> -> memref<1x64xi32, #tpu.memory_space<vmem>>
      %dma_wait3A_692 = tpu.memref_squeeze %dma_wait3A_691 : memref<1x64xi32, #tpu.memory_space<vmem>> -> memref<64xi32, #tpu.memory_space<vmem>>
      %dma_wait3A_693 = arith.constant 0 : i32
      %dma_wait3A_694 = arith.constant 0 : i32
      %dma_wait3A_695 = tpu.memref_slice %arg2[%dma_wait3A_693, %dma_wait3A_694] : memref<10000x128xf32, #tpu.memory_space<hbm>> -> memref<10000x128xf32, #tpu.memory_space<hbm>>
      %dma_wait3A_696 = tpu.memref_slice %arg14[%dma_wait3A_685] : memref<4x!tpu.dma_semaphore, #tpu.memory_space<semaphore_mem>> -> memref<1x!tpu.dma_semaphore, #tpu.memory_space<semaphore_mem>>
      %dma_wait3A_697 = tpu.memref_squeeze %dma_wait3A_696 : memref<1x!tpu.dma_semaphore, #tpu.memory_space<semaphore_mem>> -> memref<!tpu.dma_semaphore, #tpu.memory_space<semaphore_mem>>
      tpu.wait_indirect_dma semaphore(%dma_wait3A_697 : memref<!tpu.dma_semaphore, #tpu.memory_space<semaphore_mem>>) src(%dma_wait3A_695 : memref<10000x128xf32, #tpu.memory_space<hbm>>) dst(%dma_wait3A_689 : memref<64x128xf32, #tpu.memory_space<vmem>>)
      %dma_start3A_698 = arith.constant 3 : i32
      %dma_start3A_699 = arith.constant 3 : i32
      %dma_start3A_700 = arith.constant 3 : i32
      %dma_start3A_701 = arith.constant 0 : i32
      %dma_start3A_702 = arith.constant 0 : i32
      %dma_start3A_703 = tpu.memref_slice %arg11[%dma_start3A_698, %dma_start3A_701, %dma_start3A_702] : memref<4x64x128xf32, #tpu.memory_space<vmem>> -> memref<1x64x128xf32, #tpu.memory_space<vmem>>
      %dma_start3A_704 = tpu.memref_squeeze %dma_start3A_703 : memref<1x64x128xf32, #tpu.memory_space<vmem>> -> memref<64x128xf32, #tpu.memory_space<vmem>>
      %dma_start3A_705 = arith.constant 0 : i32
      %dma_start3A_706 = tpu.memref_slice %arg10[%dma_start3A_699, %dma_start3A_705] : memref<4x64xi32, #tpu.memory_space<vmem>> -> memref<1x64xi32, #tpu.memory_space<vmem>>
      %dma_start3A_707 = tpu.memref_squeeze %dma_start3A_706 : memref<1x64xi32, #tpu.memory_space<vmem>> -> memref<64xi32, #tpu.memory_space<vmem>>
      %dma_start3A_708 = arith.constant 0 : i32
      %dma_start3A_709 = arith.constant 0 : i32
      %dma_start3A_710 = tpu.memref_slice %arg13[%dma_start3A_708, %dma_start3A_709] : memref<10112x128xf32, #tpu.memory_space<vmem_shared>> -> memref<10112x128xf32, #tpu.memory_space<vmem_shared>>
      %dma_start3A_711 = tpu.memref_slice %arg15[%dma_start3A_700] : memref<4x!tpu.dma_semaphore, #tpu.memory_space<semaphore_mem>> -> memref<1x!tpu.dma_semaphore, #tpu.memory_space<semaphore_mem>>
      %dma_start3A_712 = tpu.memref_squeeze %dma_start3A_711 : memref<1x!tpu.dma_semaphore, #tpu.memory_space<semaphore_mem>> -> memref<!tpu.dma_semaphore, #tpu.memory_space<semaphore_mem>>
      tpu.enqueue_indirect_dma source(%dma_start3A_704 : memref<64x128xf32, #tpu.memory_space<vmem>>) target(%dma_start3A_710 : memref<10112x128xf32, #tpu.memory_space<vmem_shared>>) offsets(%dma_start3A_707 : memref<64xi32, #tpu.memory_space<vmem>>) semaphore(%dma_start3A_712 : memref<!tpu.dma_semaphore, #tpu.memory_space<semaphore_mem>>) {add = true}
      %dma_start3A_713 = arith.constant 3 : i32
      %dma_start3A_714 = arith.constant 0 : i32
      %dma_start3A_715 = tpu.memref_slice %arg10[%dma_start3A_713, %dma_start3A_714] : memref<4x64xi32, #tpu.memory_space<vmem>> -> memref<1x64xi32, #tpu.memory_space<vmem>>
      %dma_start3A_716 = tpu.memref_squeeze %dma_start3A_715 : memref<1x64xi32, #tpu.memory_space<vmem>> -> memref<64xi32, #tpu.memory_space<vmem>>
      %dma_start3A_717 = arith.constant 0 : i32
      %dma_start3A_718 = tpu.memref_slice %arg19[%dma_start3A_717] : memref<10240xf32, #tpu.memory_space<vmem_shared>> -> memref<10240xf32, #tpu.memory_space<vmem_shared>>
      tpu.enqueue_indirect_dma source(%arg17 : memref<64xf32, #tpu.memory_space<vmem>>) target(%dma_start3A_718 : memref<10240xf32, #tpu.memory_space<vmem_shared>>) offsets(%dma_start3A_716 : memref<64xi32, #tpu.memory_space<vmem>>) semaphore(%arg16 : memref<!tpu.dma_semaphore, #tpu.memory_space<semaphore_mem>>) {add = true}
    }
    %scan3A_51 = arith.constant 40 : i32
    %dma_wait3A = arith.constant 0 : i32
    %dma_wait3A_52 = arith.constant 0 : i32
    %dma_wait3A_53 = arith.constant 0 : i32
    %dma_wait3A_54 = arith.constant 0 : i32
    %dma_wait3A_55 = arith.constant 0 : i32
    %dma_wait3A_56 = tpu.memref_slice %arg11[%dma_wait3A, %dma_wait3A_54, %dma_wait3A_55] : memref<4x64x128xf32, #tpu.memory_space<vmem>> -> memref<1x64x128xf32, #tpu.memory_space<vmem>>
    %dma_wait3A_57 = tpu.memref_squeeze %dma_wait3A_56 : memref<1x64x128xf32, #tpu.memory_space<vmem>> -> memref<64x128xf32, #tpu.memory_space<vmem>>
    %dma_wait3A_58 = arith.constant 0 : i32
    %dma_wait3A_59 = tpu.memref_slice %arg10[%dma_wait3A_52, %dma_wait3A_58] : memref<4x64xi32, #tpu.memory_space<vmem>> -> memref<1x64xi32, #tpu.memory_space<vmem>>
    %dma_wait3A_60 = tpu.memref_squeeze %dma_wait3A_59 : memref<1x64xi32, #tpu.memory_space<vmem>> -> memref<64xi32, #tpu.memory_space<vmem>>
    %dma_wait3A_61 = arith.constant 0 : i32
    %dma_wait3A_62 = arith.constant 0 : i32
    %dma_wait3A_63 = tpu.memref_slice %arg13[%dma_wait3A_61, %dma_wait3A_62] : memref<10112x128xf32, #tpu.memory_space<vmem_shared>> -> memref<10112x128xf32, #tpu.memory_space<vmem_shared>>
    %dma_wait3A_64 = tpu.memref_slice %arg15[%dma_wait3A_53] : memref<4x!tpu.dma_semaphore, #tpu.memory_space<semaphore_mem>> -> memref<1x!tpu.dma_semaphore, #tpu.memory_space<semaphore_mem>>
    %dma_wait3A_65 = tpu.memref_squeeze %dma_wait3A_64 : memref<1x!tpu.dma_semaphore, #tpu.memory_space<semaphore_mem>> -> memref<!tpu.dma_semaphore, #tpu.memory_space<semaphore_mem>>
    tpu.wait_indirect_dma semaphore(%dma_wait3A_65 : memref<!tpu.dma_semaphore, #tpu.memory_space<semaphore_mem>>) src(%dma_wait3A_57 : memref<64x128xf32, #tpu.memory_space<vmem>>) dst(%dma_wait3A_63 : memref<10112x128xf32, #tpu.memory_space<vmem_shared>>)
    %dma_wait3A_66 = arith.constant 0 : i32
    %dma_wait3A_67 = arith.constant 0 : i32
    %dma_wait3A_68 = tpu.memref_slice %arg10[%dma_wait3A_66, %dma_wait3A_67] : memref<4x64xi32, #tpu.memory_space<vmem>> -> memref<1x64xi32, #tpu.memory_space<vmem>>
    %dma_wait3A_69 = tpu.memref_squeeze %dma_wait3A_68 : memref<1x64xi32, #tpu.memory_space<vmem>> -> memref<64xi32, #tpu.memory_space<vmem>>
    %dma_wait3A_70 = arith.constant 0 : i32
    %dma_wait3A_71 = tpu.memref_slice %arg19[%dma_wait3A_70] : memref<10240xf32, #tpu.memory_space<vmem_shared>> -> memref<10240xf32, #tpu.memory_space<vmem_shared>>
    tpu.wait_indirect_dma semaphore(%arg16 : memref<!tpu.dma_semaphore, #tpu.memory_space<semaphore_mem>>) src(%arg17 : memref<64xf32, #tpu.memory_space<vmem>>) dst(%dma_wait3A_71 : memref<10240xf32, #tpu.memory_space<vmem_shared>>)
    %dma_wait3A_72 = arith.constant 1 : i32
    %dma_wait3A_73 = arith.constant 1 : i32
    %dma_wait3A_74 = arith.constant 1 : i32
    %dma_wait3A_75 = arith.constant 0 : i32
    %dma_wait3A_76 = arith.constant 0 : i32
    %dma_wait3A_77 = tpu.memref_slice %arg11[%dma_wait3A_72, %dma_wait3A_75, %dma_wait3A_76] : memref<4x64x128xf32, #tpu.memory_space<vmem>> -> memref<1x64x128xf32, #tpu.memory_space<vmem>>
    %dma_wait3A_78 = tpu.memref_squeeze %dma_wait3A_77 : memref<1x64x128xf32, #tpu.memory_space<vmem>> -> memref<64x128xf32, #tpu.memory_space<vmem>>
    %dma_wait3A_79 = arith.constant 0 : i32
    %dma_wait3A_80 = tpu.memref_slice %arg10[%dma_wait3A_73, %dma_wait3A_79] : memref<4x64xi32, #tpu.memory_space<vmem>> -> memref<1x64xi32, #tpu.memory_space<vmem>>
    %dma_wait3A_81 = tpu.memref_squeeze %dma_wait3A_80 : memref<1x64xi32, #tpu.memory_space<vmem>> -> memref<64xi32, #tpu.memory_space<vmem>>
    %dma_wait3A_82 = arith.constant 0 : i32
    %dma_wait3A_83 = arith.constant 0 : i32
    %dma_wait3A_84 = tpu.memref_slice %arg13[%dma_wait3A_82, %dma_wait3A_83] : memref<10112x128xf32, #tpu.memory_space<vmem_shared>> -> memref<10112x128xf32, #tpu.memory_space<vmem_shared>>
    %dma_wait3A_85 = tpu.memref_slice %arg15[%dma_wait3A_74] : memref<4x!tpu.dma_semaphore, #tpu.memory_space<semaphore_mem>> -> memref<1x!tpu.dma_semaphore, #tpu.memory_space<semaphore_mem>>
    %dma_wait3A_86 = tpu.memref_squeeze %dma_wait3A_85 : memref<1x!tpu.dma_semaphore, #tpu.memory_space<semaphore_mem>> -> memref<!tpu.dma_semaphore, #tpu.memory_space<semaphore_mem>>
    tpu.wait_indirect_dma semaphore(%dma_wait3A_86 : memref<!tpu.dma_semaphore, #tpu.memory_space<semaphore_mem>>) src(%dma_wait3A_78 : memref<64x128xf32, #tpu.memory_space<vmem>>) dst(%dma_wait3A_84 : memref<10112x128xf32, #tpu.memory_space<vmem_shared>>)
    %dma_wait3A_87 = arith.constant 1 : i32
    %dma_wait3A_88 = arith.constant 0 : i32
    %dma_wait3A_89 = tpu.memref_slice %arg10[%dma_wait3A_87, %dma_wait3A_88] : memref<4x64xi32, #tpu.memory_space<vmem>> -> memref<1x64xi32, #tpu.memory_space<vmem>>
    %dma_wait3A_90 = tpu.memref_squeeze %dma_wait3A_89 : memref<1x64xi32, #tpu.memory_space<vmem>> -> memref<64xi32, #tpu.memory_space<vmem>>
    %dma_wait3A_91 = arith.constant 0 : i32
    %dma_wait3A_92 = tpu.memref_slice %arg19[%dma_wait3A_91] : memref<10240xf32, #tpu.memory_space<vmem_shared>> -> memref<10240xf32, #tpu.memory_space<vmem_shared>>
    tpu.wait_indirect_dma semaphore(%arg16 : memref<!tpu.dma_semaphore, #tpu.memory_space<semaphore_mem>>) src(%arg17 : memref<64xf32, #tpu.memory_space<vmem>>) dst(%dma_wait3A_92 : memref<10240xf32, #tpu.memory_space<vmem_shared>>)
    %dma_wait3A_93 = arith.constant 2 : i32
    %dma_wait3A_94 = arith.constant 2 : i32
    %dma_wait3A_95 = arith.constant 2 : i32
    %dma_wait3A_96 = arith.constant 0 : i32
    %dma_wait3A_97 = arith.constant 0 : i32
    %dma_wait3A_98 = tpu.memref_slice %arg11[%dma_wait3A_93, %dma_wait3A_96, %dma_wait3A_97] : memref<4x64x128xf32, #tpu.memory_space<vmem>> -> memref<1x64x128xf32, #tpu.memory_space<vmem>>
    %dma_wait3A_99 = tpu.memref_squeeze %dma_wait3A_98 : memref<1x64x128xf32, #tpu.memory_space<vmem>> -> memref<64x128xf32, #tpu.memory_space<vmem>>
    %dma_wait3A_100 = arith.constant 0 : i32
    %dma_wait3A_101 = tpu.memref_slice %arg10[%dma_wait3A_94, %dma_wait3A_100] : memref<4x64xi32, #tpu.memory_space<vmem>> -> memref<1x64xi32, #tpu.memory_space<vmem>>
    %dma_wait3A_102 = tpu.memref_squeeze %dma_wait3A_101 : memref<1x64xi32, #tpu.memory_space<vmem>> -> memref<64xi32, #tpu.memory_space<vmem>>
    %dma_wait3A_103 = arith.constant 0 : i32
    %dma_wait3A_104 = arith.constant 0 : i32
    %dma_wait3A_105 = tpu.memref_slice %arg13[%dma_wait3A_103, %dma_wait3A_104] : memref<10112x128xf32, #tpu.memory_space<vmem_shared>> -> memref<10112x128xf32, #tpu.memory_space<vmem_shared>>
    %dma_wait3A_106 = tpu.memref_slice %arg15[%dma_wait3A_95] : memref<4x!tpu.dma_semaphore, #tpu.memory_space<semaphore_mem>> -> memref<1x!tpu.dma_semaphore, #tpu.memory_space<semaphore_mem>>
    %dma_wait3A_107 = tpu.memref_squeeze %dma_wait3A_106 : memref<1x!tpu.dma_semaphore, #tpu.memory_space<semaphore_mem>> -> memref<!tpu.dma_semaphore, #tpu.memory_space<semaphore_mem>>
    tpu.wait_indirect_dma semaphore(%dma_wait3A_107 : memref<!tpu.dma_semaphore, #tpu.memory_space<semaphore_mem>>) src(%dma_wait3A_99 : memref<64x128xf32, #tpu.memory_space<vmem>>) dst(%dma_wait3A_105 : memref<10112x128xf32, #tpu.memory_space<vmem_shared>>)
    %dma_wait3A_108 = arith.constant 2 : i32
    %dma_wait3A_109 = arith.constant 0 : i32
    %dma_wait3A_110 = tpu.memref_slice %arg10[%dma_wait3A_108, %dma_wait3A_109] : memref<4x64xi32, #tpu.memory_space<vmem>> -> memref<1x64xi32, #tpu.memory_space<vmem>>
    %dma_wait3A_111 = tpu.memref_squeeze %dma_wait3A_110 : memref<1x64xi32, #tpu.memory_space<vmem>> -> memref<64xi32, #tpu.memory_space<vmem>>
    %dma_wait3A_112 = arith.constant 0 : i32
    %dma_wait3A_113 = tpu.memref_slice %arg19[%dma_wait3A_112] : memref<10240xf32, #tpu.memory_space<vmem_shared>> -> memref<10240xf32, #tpu.memory_space<vmem_shared>>
    tpu.wait_indirect_dma semaphore(%arg16 : memref<!tpu.dma_semaphore, #tpu.memory_space<semaphore_mem>>) src(%arg17 : memref<64xf32, #tpu.memory_space<vmem>>) dst(%dma_wait3A_113 : memref<10240xf32, #tpu.memory_space<vmem_shared>>)
    %dma_wait3A_114 = arith.constant 3 : i32
    %dma_wait3A_115 = arith.constant 3 : i32
    %dma_wait3A_116 = arith.constant 3 : i32
    %dma_wait3A_117 = arith.constant 0 : i32
    %dma_wait3A_118 = arith.constant 0 : i32
    %dma_wait3A_119 = tpu.memref_slice %arg11[%dma_wait3A_114, %dma_wait3A_117, %dma_wait3A_118] : memref<4x64x128xf32, #tpu.memory_space<vmem>> -> memref<1x64x128xf32, #tpu.memory_space<vmem>>
    %dma_wait3A_120 = tpu.memref_squeeze %dma_wait3A_119 : memref<1x64x128xf32, #tpu.memory_space<vmem>> -> memref<64x128xf32, #tpu.memory_space<vmem>>
    %dma_wait3A_121 = arith.constant 0 : i32
    %dma_wait3A_122 = tpu.memref_slice %arg10[%dma_wait3A_115, %dma_wait3A_121] : memref<4x64xi32, #tpu.memory_space<vmem>> -> memref<1x64xi32, #tpu.memory_space<vmem>>
    %dma_wait3A_123 = tpu.memref_squeeze %dma_wait3A_122 : memref<1x64xi32, #tpu.memory_space<vmem>> -> memref<64xi32, #tpu.memory_space<vmem>>
    %dma_wait3A_124 = arith.constant 0 : i32
    %dma_wait3A_125 = arith.constant 0 : i32
    %dma_wait3A_126 = tpu.memref_slice %arg13[%dma_wait3A_124, %dma_wait3A_125] : memref<10112x128xf32, #tpu.memory_space<vmem_shared>> -> memref<10112x128xf32, #tpu.memory_space<vmem_shared>>
    %dma_wait3A_127 = tpu.memref_slice %arg15[%dma_wait3A_116] : memref<4x!tpu.dma_semaphore, #tpu.memory_space<semaphore_mem>> -> memref<1x!tpu.dma_semaphore, #tpu.memory_space<semaphore_mem>>
    %dma_wait3A_128 = tpu.memref_squeeze %dma_wait3A_127 : memref<1x!tpu.dma_semaphore, #tpu.memory_space<semaphore_mem>> -> memref<!tpu.dma_semaphore, #tpu.memory_space<semaphore_mem>>
    tpu.wait_indirect_dma semaphore(%dma_wait3A_128 : memref<!tpu.dma_semaphore, #tpu.memory_space<semaphore_mem>>) src(%dma_wait3A_120 : memref<64x128xf32, #tpu.memory_space<vmem>>) dst(%dma_wait3A_126 : memref<10112x128xf32, #tpu.memory_space<vmem_shared>>)
    %dma_wait3A_129 = arith.constant 3 : i32
    %dma_wait3A_130 = arith.constant 0 : i32
    %dma_wait3A_131 = tpu.memref_slice %arg10[%dma_wait3A_129, %dma_wait3A_130] : memref<4x64xi32, #tpu.memory_space<vmem>> -> memref<1x64xi32, #tpu.memory_space<vmem>>
    %dma_wait3A_132 = tpu.memref_squeeze %dma_wait3A_131 : memref<1x64xi32, #tpu.memory_space<vmem>> -> memref<64xi32, #tpu.memory_space<vmem>>
    %dma_wait3A_133 = arith.constant 0 : i32
    %dma_wait3A_134 = tpu.memref_slice %arg19[%dma_wait3A_133] : memref<10240xf32, #tpu.memory_space<vmem_shared>> -> memref<10240xf32, #tpu.memory_space<vmem_shared>>
    tpu.wait_indirect_dma semaphore(%arg16 : memref<!tpu.dma_semaphore, #tpu.memory_space<semaphore_mem>>) src(%arg17 : memref<64xf32, #tpu.memory_space<vmem>>) dst(%dma_wait3A_134 : memref<10240xf32, #tpu.memory_space<vmem_shared>>)
    %barrier3A_135 = arith.constant 0 : index
    tpu.barrier barrier_id(%barrier3A_135)
    %scan3A_136 = arith.constant 0 : i32
    %scan3A_137 = arith.constant 0 : i32
    %scan3A_138 = arith.constant 79 : i32
    %scan3A_139 = arith.addi %scan3A_137, %scan3A_138 : i32
    %scan3A_140 = arith.constant 1 : i32
    scf.for %scan3A_149 = %scan3A_137 to %scan3A_139 step %scan3A_140  : i32 {
      %mul3A_150 = arith.constant 8 : i32
      %mul3A_151 = arith.muli %scan3A_149, %mul3A_150 : i32
      %add3A_152 = arith.addi %mul3A_2, %mul3A_151 : i32
      "tpu.region"() ({
        %run_scoped3A = tpu.sem_alloc : memref<!tpu.dma_semaphore, #tpu.memory_space<semaphore_mem>>
        %dma_start3A = arith.constant 0 : i32
        %dma_start3A_156 = tpu.memref_slice %arg13[%add3A_152, %dma_start3A] : memref<10112x128xf32, #tpu.memory_space<vmem_shared>> -> memref<8x128xf32, #tpu.memory_space<vmem_shared>>
        %dma_start3A_157 = arith.constant 0 : i32
        %dma_start3A_158 = tpu.memref_slice %arg13[%add3A_152, %dma_start3A_157] : memref<10112x128xf32, #tpu.memory_space<vmem_shared>> -> memref<8x128xf32, #tpu.memory_space<vmem_shared>>
        tpu.enqueue_dma source(%dma_start3A_158 : memref<8x128xf32, #tpu.memory_space<vmem_shared>>) target(%arg12 : memref<8x128xf32, #tpu.memory_space<vmem>>) target_semaphore(%run_scoped3A : memref<!tpu.dma_semaphore, #tpu.memory_space<semaphore_mem>>)
        %dma_wait3A_159 = arith.constant 0 : i32
        %dma_wait3A_160 = tpu.memref_slice %arg13[%add3A_152, %dma_wait3A_159] : memref<10112x128xf32, #tpu.memory_space<vmem_shared>> -> memref<8x128xf32, #tpu.memory_space<vmem_shared>>
        %dma_wait3A_161 = arith.constant 0 : i32
        %dma_wait3A_162 = tpu.memref_slice %arg13[%add3A_152, %dma_wait3A_161] : memref<10112x128xf32, #tpu.memory_space<vmem_shared>> -> memref<8x128xf32, #tpu.memory_space<vmem_shared>>
        tpu.wait_dma2 semaphore(%run_scoped3A : memref<!tpu.dma_semaphore, #tpu.memory_space<semaphore_mem>>) src(%dma_wait3A_162 : memref<8x128xf32, #tpu.memory_space<vmem_shared>>) dst(%arg12 : memref<8x128xf32, #tpu.memory_space<vmem>>)
        tpu.yield
      }) : () -> ()
      %mul3A_153 = arith.constant 8 : i32
      %mul3A_154 = arith.muli %scan3A_149, %mul3A_153 : i32
      %add3A_155 = arith.addi %mul3A_2, %mul3A_154 : i32
      "tpu.region"() ({
        %run_scoped3A = tpu.sem_alloc : memref<!tpu.dma_semaphore, #tpu.memory_space<semaphore_mem>>
        %dma_start3A = arith.constant 0 : i32
        %dma_start3A_156 = tpu.memref_slice %arg5[%arg0, %add3A_155, %dma_start3A] : memref<2x10112x128xf32, #tpu.memory_space<hbm>> -> memref<1x8x128xf32, #tpu.memory_space<hbm>>
        %dma_start3A_157 = tpu.memref_squeeze %dma_start3A_156 : memref<1x8x128xf32, #tpu.memory_space<hbm>> -> memref<8x128xf32, #tpu.memory_space<hbm>>
        %dma_start3A_158 = arith.constant 0 : i32
        %dma_start3A_159 = tpu.memref_slice %arg5[%arg0, %add3A_155, %dma_start3A_158] : memref<2x10112x128xf32, #tpu.memory_space<hbm>> -> memref<1x8x128xf32, #tpu.memory_space<hbm>>
        %dma_start3A_160 = tpu.memref_squeeze %dma_start3A_159 : memref<1x8x128xf32, #tpu.memory_space<hbm>> -> memref<8x128xf32, #tpu.memory_space<hbm>>
        tpu.enqueue_dma source(%arg12 : memref<8x128xf32, #tpu.memory_space<vmem>>) target(%dma_start3A_160 : memref<8x128xf32, #tpu.memory_space<hbm>>) target_semaphore(%run_scoped3A : memref<!tpu.dma_semaphore, #tpu.memory_space<semaphore_mem>>)
        %dma_wait3A_161 = arith.constant 0 : i32
        %dma_wait3A_162 = tpu.memref_slice %arg5[%arg0, %add3A_155, %dma_wait3A_161] : memref<2x10112x128xf32, #tpu.memory_space<hbm>> -> memref<1x8x128xf32, #tpu.memory_space<hbm>>
        %dma_wait3A_163 = tpu.memref_squeeze %dma_wait3A_162 : memref<1x8x128xf32, #tpu.memory_space<hbm>> -> memref<8x128xf32, #tpu.memory_space<hbm>>
        %dma_wait3A_164 = arith.constant 0 : i32
        %dma_wait3A_165 = tpu.memref_slice %arg5[%arg0, %add3A_155, %dma_wait3A_164] : memref<2x10112x128xf32, #tpu.memory_space<hbm>> -> memref<1x8x128xf32, #tpu.memory_space<hbm>>
        %dma_wait3A_166 = tpu.memref_squeeze %dma_wait3A_165 : memref<1x8x128xf32, #tpu.memory_space<hbm>> -> memref<8x128xf32, #tpu.memory_space<hbm>>
        tpu.wait_dma2 semaphore(%run_scoped3A : memref<!tpu.dma_semaphore, #tpu.memory_space<semaphore_mem>>) src(%arg12 : memref<8x128xf32, #tpu.memory_space<vmem>>) dst(%dma_wait3A_166 : memref<8x128xf32, #tpu.memory_space<hbm>>)
        tpu.yield
      }) : () -> ()
    }
    %scan3A_141 = arith.constant 79 : i32
    %mul3A_142 = arith.constant 640 : i32
    %mul3A_143 = arith.muli %arg1, %mul3A_142 : i32
    "tpu.region"() ({
      %run_scoped3A = tpu.sem_alloc : memref<!tpu.dma_semaphore, #tpu.memory_space<semaphore_mem>>
      %dma_start3A = tpu.memref_slice %arg19[%mul3A_143] : memref<10240xf32, #tpu.memory_space<vmem_shared>> -> memref<640xf32, #tpu.memory_space<vmem_shared>>
      %dma_start3A_149 = tpu.memref_slice %arg19[%mul3A_143] : memref<10240xf32, #tpu.memory_space<vmem_shared>> -> memref<640xf32, #tpu.memory_space<vmem_shared>>
      tpu.enqueue_dma source(%dma_start3A_149 : memref<640xf32, #tpu.memory_space<vmem_shared>>) target(%arg18 : memref<640xf32, #tpu.memory_space<vmem>>) target_semaphore(%run_scoped3A : memref<!tpu.dma_semaphore, #tpu.memory_space<semaphore_mem>>)
      %dma_wait3A_150 = tpu.memref_slice %arg19[%mul3A_143] : memref<10240xf32, #tpu.memory_space<vmem_shared>> -> memref<640xf32, #tpu.memory_space<vmem_shared>>
      %dma_wait3A_151 = tpu.memref_slice %arg19[%mul3A_143] : memref<10240xf32, #tpu.memory_space<vmem_shared>> -> memref<640xf32, #tpu.memory_space<vmem_shared>>
      tpu.wait_dma2 semaphore(%run_scoped3A : memref<!tpu.dma_semaphore, #tpu.memory_space<semaphore_mem>>) src(%dma_wait3A_151 : memref<640xf32, #tpu.memory_space<vmem_shared>>) dst(%arg18 : memref<640xf32, #tpu.memory_space<vmem>>)
      tpu.yield
    }) : () -> ()
    %mul3A_144 = arith.constant 16 : i32
    %mul3A_145 = arith.muli %arg0, %mul3A_144 : i32
    %add3A_146 = arith.addi %mul3A_145, %arg1 : i32
    %mul3A_147 = arith.constant 640 : i32
    %mul3A_148 = arith.muli %add3A_146, %mul3A_147 : i32
    "tpu.region"() ({
      %run_scoped3A = tpu.sem_alloc : memref<!tpu.dma_semaphore, #tpu.memory_space<semaphore_mem>>
      %dma_start3A = tpu.memref_slice %arg6[%mul3A_148] : memref<20480xf32, #tpu.memory_space<hbm>> -> memref<640xf32, #tpu.memory_space<hbm>>
      %dma_start3A_149 = tpu.memref_slice %arg6[%mul3A_148] : memref<20480xf32, #tpu.memory_space<hbm>> -> memref<640xf32, #tpu.memory_space<hbm>>
      tpu.enqueue_dma source(%arg18 : memref<640xf32, #tpu.memory_space<vmem>>) target(%dma_start3A_149 : memref<640xf32, #tpu.memory_space<hbm>>) target_semaphore(%run_scoped3A : memref<!tpu.dma_semaphore, #tpu.memory_space<semaphore_mem>>)
      %dma_wait3A_150 = tpu.memref_slice %arg6[%mul3A_148] : memref<20480xf32, #tpu.memory_space<hbm>> -> memref<640xf32, #tpu.memory_space<hbm>>
      %dma_wait3A_151 = tpu.memref_slice %arg6[%mul3A_148] : memref<20480xf32, #tpu.memory_space<hbm>> -> memref<640xf32, #tpu.memory_space<hbm>>
      tpu.wait_dma2 semaphore(%run_scoped3A : memref<!tpu.dma_semaphore, #tpu.memory_space<semaphore_mem>>) src(%arg18 : memref<640xf32, #tpu.memory_space<vmem>>) dst(%dma_wait3A_151 : memref<640xf32, #tpu.memory_space<hbm>>)
      tpu.yield
    }) : () -> ()
    return
  }
}

#map = affine_map<(d0, d1) -> (0, 0)>
#map1 = affine_map<(d0, d1) -> (0, 0, 0)>
module attributes {stable_mosaic.version = 14 : i64} {
  func.func @body(%arg0: i32, %arg1: i32, %arg2: memref<10000x128xf32, #tpu.memory_space<hbm>>, %arg3: memref<32x40x128xi32, #tpu.memory_space<hbm>>, %arg4: memref<32x40x128xi32, #tpu.memory_space<hbm>>, %arg5: memref<2x10112x128xf32, #tpu.memory_space<hbm>>, %arg6: memref<40x128xi32, #tpu.memory_space<vmem>>, %arg7: memref<40x128xi32, #tpu.memory_space<vmem>>, %arg8: memref<4x64xi32, #tpu.memory_space<vmem>>, %arg9: memref<4x64xi32, #tpu.memory_space<vmem>>, %arg10: memref<4x64x128xf32, #tpu.memory_space<vmem>>, %arg11: memref<8x128xf32, #tpu.memory_space<vmem>>, %arg12: memref<10112x128xf32, #tpu.memory_space<vmem_shared>>, %arg13: memref<4x!tpu.dma_semaphore, #tpu.memory_space<semaphore_mem>>, %arg14: memref<4x!tpu.dma_semaphore, #tpu.memory_space<semaphore_mem>>, %arg15: memref<!tpu.dma_semaphore, #tpu.memory_space<semaphore_mem>>) attributes {dimension_semantics = [#tpu.dimension_semantics<core_parallel>, #tpu.dimension_semantics<subcore_parallel>], iteration_bounds = array<i64: 2, 16>, scalar_prefetch = 0 : i64, scratch_operands = 10 : i64, tpu.core_type = #tpu.core_type<sc_vector_subcore>, window_params = [{transform_indices = #map}, {transform_indices = #map1}, {transform_indices = #map1}, {transform_indices = #map1}]} {
    %mul3A = arith.constant 16 : i32
    %mul3A_0 = arith.muli %arg0, %mul3A : i32
    %add3A = arith.addi %mul3A_0, %arg1 : i32
    %mul3A_1 = arith.constant 632 : i32
    %mul3A_2 = arith.muli %arg1, %mul3A_1 : i32
    %broadcast_in_dim3A = arith.constant 0.000000e+00 : f32
    %broadcast_in_dim3A_3 = vector.broadcast %broadcast_in_dim3A : f32 to vector<16xf32>
    %scan3A = arith.constant 0 : i32
    %scan3A_4 = arith.constant 0 : i32
    %scan3A_5 = arith.constant 8 : i32
    %scan3A_6 = arith.addi %scan3A_4, %scan3A_5 : i32
    %scan3A_7 = arith.constant 1 : i32
    scf.for %scan3A_87 = %scan3A_4 to %scan3A_6 step %scan3A_7  : i32 {
      %swap3A = arith.index_cast %scan3A_87 : i32 to index
      %swap3A_88 = arith.constant 0 : index
      %swap3A_89 = tpu.vector_load %arg11[%swap3A, %swap3A_88] {strides = array<i32>} : memref<8x128xf32, #tpu.memory_space<vmem>>, vector<1x16xf32>,
      %swap3A_90 = vector.shape_cast %swap3A_89 : vector<1x16xf32> to vector<16xf32>
      %swap3A_91 = vector.shape_cast %broadcast_in_dim3A_3 : vector<16xf32> to vector<1x16xf32>
      tpu.vector_store %arg11[%swap3A, %swap3A_88], %swap3A_91 {strides = array<i32>} : memref<8x128xf32, #tpu.memory_space<vmem>>, vector<1x16xf32>,
      %swap3A_92 = arith.index_cast %scan3A_87 : i32 to index
      %swap3A_93 = arith.constant 16 : index
      %swap3A_94 = tpu.vector_load %arg11[%swap3A_92, %swap3A_93] {strides = array<i32>} : memref<8x128xf32, #tpu.memory_space<vmem>>, vector<1x16xf32>,
      %swap3A_95 = vector.shape_cast %swap3A_94 : vector<1x16xf32> to vector<16xf32>
      %swap3A_96 = vector.shape_cast %broadcast_in_dim3A_3 : vector<16xf32> to vector<1x16xf32>
      tpu.vector_store %arg11[%swap3A_92, %swap3A_93], %swap3A_96 {strides = array<i32>} : memref<8x128xf32, #tpu.memory_space<vmem>>, vector<1x16xf32>,
      %swap3A_97 = arith.index_cast %scan3A_87 : i32 to index
      %swap3A_98 = arith.constant 32 : index
      %swap3A_99 = tpu.vector_load %arg11[%swap3A_97, %swap3A_98] {strides = array<i32>} : memref<8x128xf32, #tpu.memory_space<vmem>>, vector<1x16xf32>,
      %swap3A_100 = vector.shape_cast %swap3A_99 : vector<1x16xf32> to vector<16xf32>
      %swap3A_101 = vector.shape_cast %broadcast_in_dim3A_3 : vector<16xf32> to vector<1x16xf32>
      tpu.vector_store %arg11[%swap3A_97, %swap3A_98], %swap3A_101 {strides = array<i32>} : memref<8x128xf32, #tpu.memory_space<vmem>>, vector<1x16xf32>,
      %swap3A_102 = arith.index_cast %scan3A_87 : i32 to index
      %swap3A_103 = arith.constant 48 : index
      %swap3A_104 = tpu.vector_load %arg11[%swap3A_102, %swap3A_103] {strides = array<i32>} : memref<8x128xf32, #tpu.memory_space<vmem>>, vector<1x16xf32>,
      %swap3A_105 = vector.shape_cast %swap3A_104 : vector<1x16xf32> to vector<16xf32>
      %swap3A_106 = vector.shape_cast %broadcast_in_dim3A_3 : vector<16xf32> to vector<1x16xf32>
      tpu.vector_store %arg11[%swap3A_102, %swap3A_103], %swap3A_106 {strides = array<i32>} : memref<8x128xf32, #tpu.memory_space<vmem>>, vector<1x16xf32>,
      %swap3A_107 = arith.index_cast %scan3A_87 : i32 to index
      %swap3A_108 = arith.constant 64 : index
      %swap3A_109 = tpu.vector_load %arg11[%swap3A_107, %swap3A_108] {strides = array<i32>} : memref<8x128xf32, #tpu.memory_space<vmem>>, vector<1x16xf32>,
      %swap3A_110 = vector.shape_cast %swap3A_109 : vector<1x16xf32> to vector<16xf32>
      %swap3A_111 = vector.shape_cast %broadcast_in_dim3A_3 : vector<16xf32> to vector<1x16xf32>
      tpu.vector_store %arg11[%swap3A_107, %swap3A_108], %swap3A_111 {strides = array<i32>} : memref<8x128xf32, #tpu.memory_space<vmem>>, vector<1x16xf32>,
      %swap3A_112 = arith.index_cast %scan3A_87 : i32 to index
      %swap3A_113 = arith.constant 80 : index
      %swap3A_114 = tpu.vector_load %arg11[%swap3A_112, %swap3A_113] {strides = array<i32>} : memref<8x128xf32, #tpu.memory_space<vmem>>, vector<1x16xf32>,
      %swap3A_115 = vector.shape_cast %swap3A_114 : vector<1x16xf32> to vector<16xf32>
      %swap3A_116 = vector.shape_cast %broadcast_in_dim3A_3 : vector<16xf32> to vector<1x16xf32>
      tpu.vector_store %arg11[%swap3A_112, %swap3A_113], %swap3A_116 {strides = array<i32>} : memref<8x128xf32, #tpu.memory_space<vmem>>, vector<1x16xf32>,
      %swap3A_117 = arith.index_cast %scan3A_87 : i32 to index
      %swap3A_118 = arith.constant 96 : index
      %swap3A_119 = tpu.vector_load %arg11[%swap3A_117, %swap3A_118] {strides = array<i32>} : memref<8x128xf32, #tpu.memory_space<vmem>>, vector<1x16xf32>,
      %swap3A_120 = vector.shape_cast %swap3A_119 : vector<1x16xf32> to vector<16xf32>
      %swap3A_121 = vector.shape_cast %broadcast_in_dim3A_3 : vector<16xf32> to vector<1x16xf32>
      tpu.vector_store %arg11[%swap3A_117, %swap3A_118], %swap3A_121 {strides = array<i32>} : memref<8x128xf32, #tpu.memory_space<vmem>>, vector<1x16xf32>,
      %swap3A_122 = arith.index_cast %scan3A_87 : i32 to index
      %swap3A_123 = arith.constant 112 : index
      %swap3A_124 = tpu.vector_load %arg11[%swap3A_122, %swap3A_123] {strides = array<i32>} : memref<8x128xf32, #tpu.memory_space<vmem>>, vector<1x16xf32>,
      %swap3A_125 = vector.shape_cast %swap3A_124 : vector<1x16xf32> to vector<16xf32>
      %swap3A_126 = vector.shape_cast %broadcast_in_dim3A_3 : vector<16xf32> to vector<1x16xf32>
      tpu.vector_store %arg11[%swap3A_122, %swap3A_123], %swap3A_126 {strides = array<i32>} : memref<8x128xf32, #tpu.memory_space<vmem>>, vector<1x16xf32>,
    }
    %scan3A_8 = arith.constant 8 : i32
    %scan3A_9 = arith.constant 0 : i32
    %scan3A_10 = arith.constant 0 : i32
    %scan3A_11 = arith.constant 79 : i32
    %scan3A_12 = arith.addi %scan3A_10, %scan3A_11 : i32
    %scan3A_13 = arith.constant 1 : i32
    scf.for %scan3A_87 = %scan3A_10 to %scan3A_12 step %scan3A_13  : i32 {
      %mul3A_88 = arith.constant 8 : i32
      %mul3A_89 = arith.muli %scan3A_87, %mul3A_88 : i32
      %add3A_90 = arith.addi %mul3A_2, %mul3A_89 : i32
      "tpu.region"() ({
        %run_scoped3A = tpu.sem_alloc : memref<!tpu.dma_semaphore, #tpu.memory_space<semaphore_mem>>
        %dma_start3A = arith.constant 0 : i32
        %dma_start3A_91 = tpu.memref_slice %arg12[%add3A_90, %dma_start3A] : memref<10112x128xf32, #tpu.memory_space<vmem_shared>> -> memref<8x128xf32, #tpu.memory_space<vmem_shared>>
        %dma_start3A_92 = arith.constant 0 : i32
        %dma_start3A_93 = tpu.memref_slice %arg12[%add3A_90, %dma_start3A_92] : memref<10112x128xf32, #tpu.memory_space<vmem_shared>> -> memref<8x128xf32, #tpu.memory_space<vmem_shared>>
        tpu.enqueue_dma source(%arg11 : memref<8x128xf32, #tpu.memory_space<vmem>>) target(%dma_start3A_93 : memref<8x128xf32, #tpu.memory_space<vmem_shared>>) target_semaphore(%run_scoped3A : memref<!tpu.dma_semaphore, #tpu.memory_space<semaphore_mem>>)
        %dma_wait3A_94 = arith.constant 0 : i32
        %dma_wait3A_95 = tpu.memref_slice %arg12[%add3A_90, %dma_wait3A_94] : memref<10112x128xf32, #tpu.memory_space<vmem_shared>> -> memref<8x128xf32, #tpu.memory_space<vmem_shared>>
        %dma_wait3A_96 = arith.constant 0 : i32
        %dma_wait3A_97 = tpu.memref_slice %arg12[%add3A_90, %dma_wait3A_96] : memref<10112x128xf32, #tpu.memory_space<vmem_shared>> -> memref<8x128xf32, #tpu.memory_space<vmem_shared>>
        tpu.wait_dma2 semaphore(%run_scoped3A : memref<!tpu.dma_semaphore, #tpu.memory_space<semaphore_mem>>) src(%arg11 : memref<8x128xf32, #tpu.memory_space<vmem>>) dst(%dma_wait3A_97 : memref<8x128xf32, #tpu.memory_space<vmem_shared>>)
        tpu.yield
      }) : () -> ()
    }
    %scan3A_14 = arith.constant 79 : i32
    "tpu.region"() ({
      %run_scoped3A = tpu.sem_alloc : memref<!tpu.dma_semaphore, #tpu.memory_space<semaphore_mem>>
      %dma_start3A = arith.constant 0 : i32
      %dma_start3A_87 = arith.constant 0 : i32
      %dma_start3A_88 = tpu.memref_slice %arg3[%add3A, %dma_start3A, %dma_start3A_87] : memref<32x40x128xi32, #tpu.memory_space<hbm>> -> memref<1x40x128xi32, #tpu.memory_space<hbm>>
      %dma_start3A_89 = tpu.memref_squeeze %dma_start3A_88 : memref<1x40x128xi32, #tpu.memory_space<hbm>> -> memref<40x128xi32, #tpu.memory_space<hbm>>
      %dma_start3A_90 = arith.constant 0 : i32
      %dma_start3A_91 = arith.constant 0 : i32
      %dma_start3A_92 = tpu.memref_slice %arg3[%add3A, %dma_start3A_90, %dma_start3A_91] : memref<32x40x128xi32, #tpu.memory_space<hbm>> -> memref<1x40x128xi32, #tpu.memory_space<hbm>>
      %dma_start3A_93 = tpu.memref_squeeze %dma_start3A_92 : memref<1x40x128xi32, #tpu.memory_space<hbm>> -> memref<40x128xi32, #tpu.memory_space<hbm>>
      tpu.enqueue_dma source(%dma_start3A_93 : memref<40x128xi32, #tpu.memory_space<hbm>>) target(%arg6 : memref<40x128xi32, #tpu.memory_space<vmem>>) target_semaphore(%run_scoped3A : memref<!tpu.dma_semaphore, #tpu.memory_space<semaphore_mem>>)
      %dma_wait3A_94 = arith.constant 0 : i32
      %dma_wait3A_95 = arith.constant 0 : i32
      %dma_wait3A_96 = tpu.memref_slice %arg3[%add3A, %dma_wait3A_94, %dma_wait3A_95] : memref<32x40x128xi32, #tpu.memory_space<hbm>> -> memref<1x40x128xi32, #tpu.memory_space<hbm>>
      %dma_wait3A_97 = tpu.memref_squeeze %dma_wait3A_96 : memref<1x40x128xi32, #tpu.memory_space<hbm>> -> memref<40x128xi32, #tpu.memory_space<hbm>>
      %dma_wait3A_98 = arith.constant 0 : i32
      %dma_wait3A_99 = arith.constant 0 : i32
      %dma_wait3A_100 = tpu.memref_slice %arg3[%add3A, %dma_wait3A_98, %dma_wait3A_99] : memref<32x40x128xi32, #tpu.memory_space<hbm>> -> memref<1x40x128xi32, #tpu.memory_space<hbm>>
      %dma_wait3A_101 = tpu.memref_squeeze %dma_wait3A_100 : memref<1x40x128xi32, #tpu.memory_space<hbm>> -> memref<40x128xi32, #tpu.memory_space<hbm>>
      tpu.wait_dma2 semaphore(%run_scoped3A : memref<!tpu.dma_semaphore, #tpu.memory_space<semaphore_mem>>) src(%dma_wait3A_101 : memref<40x128xi32, #tpu.memory_space<hbm>>) dst(%arg6 : memref<40x128xi32, #tpu.memory_space<vmem>>)
      tpu.yield
    }) : () -> ()
    "tpu.region"() ({
      %run_scoped3A = tpu.sem_alloc : memref<!tpu.dma_semaphore, #tpu.memory_space<semaphore_mem>>
      %dma_start3A = arith.constant 0 : i32
      %dma_start3A_87 = arith.constant 0 : i32
      %dma_start3A_88 = tpu.memref_slice %arg4[%add3A, %dma_start3A, %dma_start3A_87] : memref<32x40x128xi32, #tpu.memory_space<hbm>> -> memref<1x40x128xi32, #tpu.memory_space<hbm>>
      %dma_start3A_89 = tpu.memref_squeeze %dma_start3A_88 : memref<1x40x128xi32, #tpu.memory_space<hbm>> -> memref<40x128xi32, #tpu.memory_space<hbm>>
      %dma_start3A_90 = arith.constant 0 : i32
      %dma_start3A_91 = arith.constant 0 : i32
      %dma_start3A_92 = tpu.memref_slice %arg4[%add3A, %dma_start3A_90, %dma_start3A_91] : memref<32x40x128xi32, #tpu.memory_space<hbm>> -> memref<1x40x128xi32, #tpu.memory_space<hbm>>
      %dma_start3A_93 = tpu.memref_squeeze %dma_start3A_92 : memref<1x40x128xi32, #tpu.memory_space<hbm>> -> memref<40x128xi32, #tpu.memory_space<hbm>>
      tpu.enqueue_dma source(%dma_start3A_93 : memref<40x128xi32, #tpu.memory_space<hbm>>) target(%arg7 : memref<40x128xi32, #tpu.memory_space<vmem>>) target_semaphore(%run_scoped3A : memref<!tpu.dma_semaphore, #tpu.memory_space<semaphore_mem>>)
      %dma_wait3A_94 = arith.constant 0 : i32
      %dma_wait3A_95 = arith.constant 0 : i32
      %dma_wait3A_96 = tpu.memref_slice %arg4[%add3A, %dma_wait3A_94, %dma_wait3A_95] : memref<32x40x128xi32, #tpu.memory_space<hbm>> -> memref<1x40x128xi32, #tpu.memory_space<hbm>>
      %dma_wait3A_97 = tpu.memref_squeeze %dma_wait3A_96 : memref<1x40x128xi32, #tpu.memory_space<hbm>> -> memref<40x128xi32, #tpu.memory_space<hbm>>
      %dma_wait3A_98 = arith.constant 0 : i32
      %dma_wait3A_99 = arith.constant 0 : i32
      %dma_wait3A_100 = tpu.memref_slice %arg4[%add3A, %dma_wait3A_98, %dma_wait3A_99] : memref<32x40x128xi32, #tpu.memory_space<hbm>> -> memref<1x40x128xi32, #tpu.memory_space<hbm>>
      %dma_wait3A_101 = tpu.memref_squeeze %dma_wait3A_100 : memref<1x40x128xi32, #tpu.memory_space<hbm>> -> memref<40x128xi32, #tpu.memory_space<hbm>>
      tpu.wait_dma2 semaphore(%run_scoped3A : memref<!tpu.dma_semaphore, #tpu.memory_space<semaphore_mem>>) src(%dma_wait3A_101 : memref<40x128xi32, #tpu.memory_space<hbm>>) dst(%arg7 : memref<40x128xi32, #tpu.memory_space<vmem>>)
      tpu.yield
    }) : () -> ()
    %barrier3A = arith.constant 0 : index
    tpu.barrier barrier_id(%barrier3A)
    %scan3A_15 = arith.constant 0 : i32
    %scan3A_16 = arith.constant 0 : i32
    %scan3A_17 = arith.constant 40 : i32
    %scan3A_18 = arith.addi %scan3A_16, %scan3A_17 : i32
    %scan3A_19 = arith.constant 1 : i32
    scf.for %scan3A_87 = %scan3A_16 to %scan3A_18 step %scan3A_19  : i32 {
      %gt3A = arith.constant 0 : i32
      %gt3A_88 = arith.cmpi sgt, %scan3A_87, %gt3A : i32
      %convert_element_type3A = arith.extui %gt3A_88 : i1 to i32
      %cond3A = arith.constant 0 : i32
      %cond3A_89 = arith.cmpi ne, %convert_element_type3A, %cond3A : i32
      scf.if %cond3A_89 {
        %dma_wait3A_632 = arith.constant 0 : i32
        %dma_wait3A_633 = arith.constant 0 : i32
        %dma_wait3A_634 = arith.constant 0 : i32
        %dma_wait3A_635 = arith.constant 0 : i32
        %dma_wait3A_636 = arith.constant 0 : i32
        %dma_wait3A_637 = tpu.memref_slice %arg10[%dma_wait3A_632, %dma_wait3A_635, %dma_wait3A_636] : memref<4x64x128xf32, #tpu.memory_space<vmem>> -> memref<1x64x128xf32, #tpu.memory_space<vmem>>
        %dma_wait3A_638 = tpu.memref_squeeze %dma_wait3A_637 : memref<1x64x128xf32, #tpu.memory_space<vmem>> -> memref<64x128xf32, #tpu.memory_space<vmem>>
        %dma_wait3A_639 = arith.constant 0 : i32
        %dma_wait3A_640 = tpu.memref_slice %arg9[%dma_wait3A_633, %dma_wait3A_639] : memref<4x64xi32, #tpu.memory_space<vmem>> -> memref<1x64xi32, #tpu.memory_space<vmem>>
        %dma_wait3A_641 = tpu.memref_squeeze %dma_wait3A_640 : memref<1x64xi32, #tpu.memory_space<vmem>> -> memref<64xi32, #tpu.memory_space<vmem>>
        %dma_wait3A_642 = arith.constant 0 : i32
        %dma_wait3A_643 = arith.constant 0 : i32
        %dma_wait3A_644 = tpu.memref_slice %arg12[%dma_wait3A_642, %dma_wait3A_643] : memref<10112x128xf32, #tpu.memory_space<vmem_shared>> -> memref<10112x128xf32, #tpu.memory_space<vmem_shared>>
        %dma_wait3A_645 = tpu.memref_slice %arg14[%dma_wait3A_634] : memref<4x!tpu.dma_semaphore, #tpu.memory_space<semaphore_mem>> -> memref<1x!tpu.dma_semaphore, #tpu.memory_space<semaphore_mem>>
        %dma_wait3A_646 = tpu.memref_squeeze %dma_wait3A_645 : memref<1x!tpu.dma_semaphore, #tpu.memory_space<semaphore_mem>> -> memref<!tpu.dma_semaphore, #tpu.memory_space<semaphore_mem>>
        tpu.wait_indirect_dma semaphore(%dma_wait3A_646 : memref<!tpu.dma_semaphore, #tpu.memory_space<semaphore_mem>>) src(%dma_wait3A_638 : memref<64x128xf32, #tpu.memory_space<vmem>>) dst(%dma_wait3A_644 : memref<10112x128xf32, #tpu.memory_space<vmem_shared>>)
      } else {
      }
      %get3A = arith.index_cast %scan3A_87 : i32 to index
      %get3A_90 = arith.constant 0 : index
      %get3A_91 = tpu.vector_load %arg6[%get3A, %get3A_90] {strides = array<i32>} : memref<40x128xi32, #tpu.memory_space<vmem>>, vector<1x16xi32>,
      %get3A_92 = vector.shape_cast %get3A_91 : vector<1x16xi32> to vector<16xi32>
      %get3A_93 = arith.index_cast %scan3A_87 : i32 to index
      %get3A_94 = arith.constant 0 : index
      %get3A_95 = tpu.vector_load %arg7[%get3A_93, %get3A_94] {strides = array<i32>} : memref<40x128xi32, #tpu.memory_space<vmem>>, vector<1x16xi32>,
      %get3A_96 = vector.shape_cast %get3A_95 : vector<1x16xi32> to vector<16xi32>
      %and3A = arith.constant 65535 : i32
      %and3A_97 = vector.broadcast %and3A : i32 to vector<16xi32>
      %and3A_98 = arith.andi %get3A_92, %and3A_97 : vector<16xi32>
      %swap3A = arith.constant 0 : i32
      %swap3A_99 = arith.index_cast %swap3A : i32 to index
      %swap3A_100 = arith.constant 0 : index
      %swap3A_101 = tpu.vector_load %arg8[%swap3A_99, %swap3A_100] {strides = array<i32>} : memref<4x64xi32, #tpu.memory_space<vmem>>, vector<1x16xi32>,
      %swap3A_102 = vector.shape_cast %swap3A_101 : vector<1x16xi32> to vector<16xi32>
      %swap3A_103 = vector.shape_cast %and3A_98 : vector<16xi32> to vector<1x16xi32>
      tpu.vector_store %arg8[%swap3A_99, %swap3A_100], %swap3A_103 {strides = array<i32>} : memref<4x64xi32, #tpu.memory_space<vmem>>, vector<1x16xi32>,
      %shift_right_logical3A = arith.constant 16 : i32
      %shift_right_logical3A_104 = vector.broadcast %shift_right_logical3A : i32 to vector<16xi32>
      %shift_right_logical3A_105 = arith.shrui %get3A_92, %shift_right_logical3A_104 : vector<16xi32>
      %swap3A_106 = arith.constant 0 : i32
      %swap3A_107 = arith.index_cast %swap3A_106 : i32 to index
      %swap3A_108 = arith.constant 16 : index
      %swap3A_109 = tpu.vector_load %arg8[%swap3A_107, %swap3A_108] {strides = array<i32>} : memref<4x64xi32, #tpu.memory_space<vmem>>, vector<1x16xi32>,
      %swap3A_110 = vector.shape_cast %swap3A_109 : vector<1x16xi32> to vector<16xi32>
      %swap3A_111 = vector.shape_cast %shift_right_logical3A_105 : vector<16xi32> to vector<1x16xi32>
      tpu.vector_store %arg8[%swap3A_107, %swap3A_108], %swap3A_111 {strides = array<i32>} : memref<4x64xi32, #tpu.memory_space<vmem>>, vector<1x16xi32>,
      %and3A_112 = arith.constant 65535 : i32
      %and3A_113 = vector.broadcast %and3A_112 : i32 to vector<16xi32>
      %and3A_114 = arith.andi %get3A_96, %and3A_113 : vector<16xi32>
      %swap3A_115 = arith.constant 0 : i32
      %swap3A_116 = arith.index_cast %swap3A_115 : i32 to index
      %swap3A_117 = arith.constant 0 : index
      %swap3A_118 = tpu.vector_load %arg9[%swap3A_116, %swap3A_117] {strides = array<i32>} : memref<4x64xi32, #tpu.memory_space<vmem>>, vector<1x16xi32>,
      %swap3A_119 = vector.shape_cast %swap3A_118 : vector<1x16xi32> to vector<16xi32>
      %swap3A_120 = vector.shape_cast %and3A_114 : vector<16xi32> to vector<1x16xi32>
      tpu.vector_store %arg9[%swap3A_116, %swap3A_117], %swap3A_120 {strides = array<i32>} : memref<4x64xi32, #tpu.memory_space<vmem>>, vector<1x16xi32>,
      %shift_right_logical3A_121 = arith.constant 16 : i32
      %shift_right_logical3A_122 = vector.broadcast %shift_right_logical3A_121 : i32 to vector<16xi32>
      %shift_right_logical3A_123 = arith.shrui %get3A_96, %shift_right_logical3A_122 : vector<16xi32>
      %swap3A_124 = arith.constant 0 : i32
      %swap3A_125 = arith.index_cast %swap3A_124 : i32 to index
      %swap3A_126 = arith.constant 16 : index
      %swap3A_127 = tpu.vector_load %arg9[%swap3A_125, %swap3A_126] {strides = array<i32>} : memref<4x64xi32, #tpu.memory_space<vmem>>, vector<1x16xi32>,
      %swap3A_128 = vector.shape_cast %swap3A_127 : vector<1x16xi32> to vector<16xi32>
      %swap3A_129 = vector.shape_cast %shift_right_logical3A_123 : vector<16xi32> to vector<1x16xi32>
      tpu.vector_store %arg9[%swap3A_125, %swap3A_126], %swap3A_129 {strides = array<i32>} : memref<4x64xi32, #tpu.memory_space<vmem>>, vector<1x16xi32>,
      %get3A_130 = arith.index_cast %scan3A_87 : i32 to index
      %get3A_131 = arith.constant 16 : index
      %get3A_132 = tpu.vector_load %arg6[%get3A_130, %get3A_131] {strides = array<i32>} : memref<40x128xi32, #tpu.memory_space<vmem>>, vector<1x16xi32>,
      %get3A_133 = vector.shape_cast %get3A_132 : vector<1x16xi32> to vector<16xi32>
      %get3A_134 = arith.index_cast %scan3A_87 : i32 to index
      %get3A_135 = arith.constant 16 : index
      %get3A_136 = tpu.vector_load %arg7[%get3A_134, %get3A_135] {strides = array<i32>} : memref<40x128xi32, #tpu.memory_space<vmem>>, vector<1x16xi32>,
      %get3A_137 = vector.shape_cast %get3A_136 : vector<1x16xi32> to vector<16xi32>
      %and3A_138 = arith.constant 65535 : i32
      %and3A_139 = vector.broadcast %and3A_138 : i32 to vector<16xi32>
      %and3A_140 = arith.andi %get3A_133, %and3A_139 : vector<16xi32>
      %swap3A_141 = arith.constant 0 : i32
      %swap3A_142 = arith.index_cast %swap3A_141 : i32 to index
      %swap3A_143 = arith.constant 32 : index
      %swap3A_144 = tpu.vector_load %arg8[%swap3A_142, %swap3A_143] {strides = array<i32>} : memref<4x64xi32, #tpu.memory_space<vmem>>, vector<1x16xi32>,
      %swap3A_145 = vector.shape_cast %swap3A_144 : vector<1x16xi32> to vector<16xi32>
      %swap3A_146 = vector.shape_cast %and3A_140 : vector<16xi32> to vector<1x16xi32>
      tpu.vector_store %arg8[%swap3A_142, %swap3A_143], %swap3A_146 {strides = array<i32>} : memref<4x64xi32, #tpu.memory_space<vmem>>, vector<1x16xi32>,
      %shift_right_logical3A_147 = arith.constant 16 : i32
      %shift_right_logical3A_148 = vector.broadcast %shift_right_logical3A_147 : i32 to vector<16xi32>
      %shift_right_logical3A_149 = arith.shrui %get3A_133, %shift_right_logical3A_148 : vector<16xi32>
      %swap3A_150 = arith.constant 0 : i32
      %swap3A_151 = arith.index_cast %swap3A_150 : i32 to index
      %swap3A_152 = arith.constant 48 : index
      %swap3A_153 = tpu.vector_load %arg8[%swap3A_151, %swap3A_152] {strides = array<i32>} : memref<4x64xi32, #tpu.memory_space<vmem>>, vector<1x16xi32>,
      %swap3A_154 = vector.shape_cast %swap3A_153 : vector<1x16xi32> to vector<16xi32>
      %swap3A_155 = vector.shape_cast %shift_right_logical3A_149 : vector<16xi32> to vector<1x16xi32>
      tpu.vector_store %arg8[%swap3A_151, %swap3A_152], %swap3A_155 {strides = array<i32>} : memref<4x64xi32, #tpu.memory_space<vmem>>, vector<1x16xi32>,
      %and3A_156 = arith.constant 65535 : i32
      %and3A_157 = vector.broadcast %and3A_156 : i32 to vector<16xi32>
      %and3A_158 = arith.andi %get3A_137, %and3A_157 : vector<16xi32>
      %swap3A_159 = arith.constant 0 : i32
      %swap3A_160 = arith.index_cast %swap3A_159 : i32 to index
      %swap3A_161 = arith.constant 32 : index
      %swap3A_162 = tpu.vector_load %arg9[%swap3A_160, %swap3A_161] {strides = array<i32>} : memref<4x64xi32, #tpu.memory_space<vmem>>, vector<1x16xi32>,
      %swap3A_163 = vector.shape_cast %swap3A_162 : vector<1x16xi32> to vector<16xi32>
      %swap3A_164 = vector.shape_cast %and3A_158 : vector<16xi32> to vector<1x16xi32>
      tpu.vector_store %arg9[%swap3A_160, %swap3A_161], %swap3A_164 {strides = array<i32>} : memref<4x64xi32, #tpu.memory_space<vmem>>, vector<1x16xi32>,
      %shift_right_logical3A_165 = arith.constant 16 : i32
      %shift_right_logical3A_166 = vector.broadcast %shift_right_logical3A_165 : i32 to vector<16xi32>
      %shift_right_logical3A_167 = arith.shrui %get3A_137, %shift_right_logical3A_166 : vector<16xi32>
      %swap3A_168 = arith.constant 0 : i32
      %swap3A_169 = arith.index_cast %swap3A_168 : i32 to index
      %swap3A_170 = arith.constant 48 : index
      %swap3A_171 = tpu.vector_load %arg9[%swap3A_169, %swap3A_170] {strides = array<i32>} : memref<4x64xi32, #tpu.memory_space<vmem>>, vector<1x16xi32>,
      %swap3A_172 = vector.shape_cast %swap3A_171 : vector<1x16xi32> to vector<16xi32>
      %swap3A_173 = vector.shape_cast %shift_right_logical3A_167 : vector<16xi32> to vector<1x16xi32>
      tpu.vector_store %arg9[%swap3A_169, %swap3A_170], %swap3A_173 {strides = array<i32>} : memref<4x64xi32, #tpu.memory_space<vmem>>, vector<1x16xi32>,
      %dma_start3A = arith.constant 0 : i32
      %dma_start3A_174 = arith.constant 0 : i32
      %dma_start3A_175 = arith.constant 0 : i32
      %dma_start3A_176 = arith.constant 0 : i32
      %dma_start3A_177 = arith.constant 0 : i32
      %dma_start3A_178 = tpu.memref_slice %arg10[%dma_start3A_174, %dma_start3A_176, %dma_start3A_177] : memref<4x64x128xf32, #tpu.memory_space<vmem>> -> memref<1x64x128xf32, #tpu.memory_space<vmem>>
      %dma_start3A_179 = tpu.memref_squeeze %dma_start3A_178 : memref<1x64x128xf32, #tpu.memory_space<vmem>> -> memref<64x128xf32, #tpu.memory_space<vmem>>
      %dma_start3A_180 = arith.constant 0 : i32
      %dma_start3A_181 = tpu.memref_slice %arg8[%dma_start3A, %dma_start3A_180] : memref<4x64xi32, #tpu.memory_space<vmem>> -> memref<1x64xi32, #tpu.memory_space<vmem>>
      %dma_start3A_182 = tpu.memref_squeeze %dma_start3A_181 : memref<1x64xi32, #tpu.memory_space<vmem>> -> memref<64xi32, #tpu.memory_space<vmem>>
      %dma_start3A_183 = arith.constant 0 : i32
      %dma_start3A_184 = arith.constant 0 : i32
      %dma_start3A_185 = tpu.memref_slice %arg2[%dma_start3A_183, %dma_start3A_184] : memref<10000x128xf32, #tpu.memory_space<hbm>> -> memref<10000x128xf32, #tpu.memory_space<hbm>>
      %dma_start3A_186 = tpu.memref_slice %arg13[%dma_start3A_175] : memref<4x!tpu.dma_semaphore, #tpu.memory_space<semaphore_mem>> -> memref<1x!tpu.dma_semaphore, #tpu.memory_space<semaphore_mem>>
      %dma_start3A_187 = tpu.memref_squeeze %dma_start3A_186 : memref<1x!tpu.dma_semaphore, #tpu.memory_space<semaphore_mem>> -> memref<!tpu.dma_semaphore, #tpu.memory_space<semaphore_mem>>
      tpu.enqueue_indirect_dma source(%dma_start3A_185 : memref<10000x128xf32, #tpu.memory_space<hbm>>) target(%dma_start3A_179 : memref<64x128xf32, #tpu.memory_space<vmem>>) offsets(%dma_start3A_182 : memref<64xi32, #tpu.memory_space<vmem>>) semaphore(%dma_start3A_187 : memref<!tpu.dma_semaphore, #tpu.memory_space<semaphore_mem>>)
      %gt3A_188 = arith.constant 0 : i32
      %gt3A_189 = arith.cmpi sgt, %scan3A_87, %gt3A_188 : i32
      %convert_element_type3A_190 = arith.extui %gt3A_189 : i1 to i32
      %cond3A_191 = arith.constant 0 : i32
      %cond3A_192 = arith.cmpi ne, %convert_element_type3A_190, %cond3A_191 : i32
      scf.if %cond3A_192 {
        %dma_wait3A_632 = arith.constant 1 : i32
        %dma_wait3A_633 = arith.constant 1 : i32
        %dma_wait3A_634 = arith.constant 1 : i32
        %dma_wait3A_635 = arith.constant 0 : i32
        %dma_wait3A_636 = arith.constant 0 : i32
        %dma_wait3A_637 = tpu.memref_slice %arg10[%dma_wait3A_632, %dma_wait3A_635, %dma_wait3A_636] : memref<4x64x128xf32, #tpu.memory_space<vmem>> -> memref<1x64x128xf32, #tpu.memory_space<vmem>>
        %dma_wait3A_638 = tpu.memref_squeeze %dma_wait3A_637 : memref<1x64x128xf32, #tpu.memory_space<vmem>> -> memref<64x128xf32, #tpu.memory_space<vmem>>
        %dma_wait3A_639 = arith.constant 0 : i32
        %dma_wait3A_640 = tpu.memref_slice %arg9[%dma_wait3A_633, %dma_wait3A_639] : memref<4x64xi32, #tpu.memory_space<vmem>> -> memref<1x64xi32, #tpu.memory_space<vmem>>
        %dma_wait3A_641 = tpu.memref_squeeze %dma_wait3A_640 : memref<1x64xi32, #tpu.memory_space<vmem>> -> memref<64xi32, #tpu.memory_space<vmem>>
        %dma_wait3A_642 = arith.constant 0 : i32
        %dma_wait3A_643 = arith.constant 0 : i32
        %dma_wait3A_644 = tpu.memref_slice %arg12[%dma_wait3A_642, %dma_wait3A_643] : memref<10112x128xf32, #tpu.memory_space<vmem_shared>> -> memref<10112x128xf32, #tpu.memory_space<vmem_shared>>
        %dma_wait3A_645 = tpu.memref_slice %arg14[%dma_wait3A_634] : memref<4x!tpu.dma_semaphore, #tpu.memory_space<semaphore_mem>> -> memref<1x!tpu.dma_semaphore, #tpu.memory_space<semaphore_mem>>
        %dma_wait3A_646 = tpu.memref_squeeze %dma_wait3A_645 : memref<1x!tpu.dma_semaphore, #tpu.memory_space<semaphore_mem>> -> memref<!tpu.dma_semaphore, #tpu.memory_space<semaphore_mem>>
        tpu.wait_indirect_dma semaphore(%dma_wait3A_646 : memref<!tpu.dma_semaphore, #tpu.memory_space<semaphore_mem>>) src(%dma_wait3A_638 : memref<64x128xf32, #tpu.memory_space<vmem>>) dst(%dma_wait3A_644 : memref<10112x128xf32, #tpu.memory_space<vmem_shared>>)
      } else {
      }
      %get3A_193 = arith.index_cast %scan3A_87 : i32 to index
      %get3A_194 = arith.constant 32 : index
      %get3A_195 = tpu.vector_load %arg6[%get3A_193, %get3A_194] {strides = array<i32>} : memref<40x128xi32, #tpu.memory_space<vmem>>, vector<1x16xi32>,
      %get3A_196 = vector.shape_cast %get3A_195 : vector<1x16xi32> to vector<16xi32>
      %get3A_197 = arith.index_cast %scan3A_87 : i32 to index
      %get3A_198 = arith.constant 32 : index
      %get3A_199 = tpu.vector_load %arg7[%get3A_197, %get3A_198] {strides = array<i32>} : memref<40x128xi32, #tpu.memory_space<vmem>>, vector<1x16xi32>,
      %get3A_200 = vector.shape_cast %get3A_199 : vector<1x16xi32> to vector<16xi32>
      %and3A_201 = arith.constant 65535 : i32
      %and3A_202 = vector.broadcast %and3A_201 : i32 to vector<16xi32>
      %and3A_203 = arith.andi %get3A_196, %and3A_202 : vector<16xi32>
      %swap3A_204 = arith.constant 1 : i32
      %swap3A_205 = arith.index_cast %swap3A_204 : i32 to index
      %swap3A_206 = arith.constant 0 : index
      %swap3A_207 = tpu.vector_load %arg8[%swap3A_205, %swap3A_206] {strides = array<i32>} : memref<4x64xi32, #tpu.memory_space<vmem>>, vector<1x16xi32>,
      %swap3A_208 = vector.shape_cast %swap3A_207 : vector<1x16xi32> to vector<16xi32>
      %swap3A_209 = vector.shape_cast %and3A_203 : vector<16xi32> to vector<1x16xi32>
      tpu.vector_store %arg8[%swap3A_205, %swap3A_206], %swap3A_209 {strides = array<i32>} : memref<4x64xi32, #tpu.memory_space<vmem>>, vector<1x16xi32>,
      %shift_right_logical3A_210 = arith.constant 16 : i32
      %shift_right_logical3A_211 = vector.broadcast %shift_right_logical3A_210 : i32 to vector<16xi32>
      %shift_right_logical3A_212 = arith.shrui %get3A_196, %shift_right_logical3A_211 : vector<16xi32>
      %swap3A_213 = arith.constant 1 : i32
      %swap3A_214 = arith.index_cast %swap3A_213 : i32 to index
      %swap3A_215 = arith.constant 16 : index
      %swap3A_216 = tpu.vector_load %arg8[%swap3A_214, %swap3A_215] {strides = array<i32>} : memref<4x64xi32, #tpu.memory_space<vmem>>, vector<1x16xi32>,
      %swap3A_217 = vector.shape_cast %swap3A_216 : vector<1x16xi32> to vector<16xi32>
      %swap3A_218 = vector.shape_cast %shift_right_logical3A_212 : vector<16xi32> to vector<1x16xi32>
      tpu.vector_store %arg8[%swap3A_214, %swap3A_215], %swap3A_218 {strides = array<i32>} : memref<4x64xi32, #tpu.memory_space<vmem>>, vector<1x16xi32>,
      %and3A_219 = arith.constant 65535 : i32
      %and3A_220 = vector.broadcast %and3A_219 : i32 to vector<16xi32>
      %and3A_221 = arith.andi %get3A_200, %and3A_220 : vector<16xi32>
      %swap3A_222 = arith.constant 1 : i32
      %swap3A_223 = arith.index_cast %swap3A_222 : i32 to index
      %swap3A_224 = arith.constant 0 : index
      %swap3A_225 = tpu.vector_load %arg9[%swap3A_223, %swap3A_224] {strides = array<i32>} : memref<4x64xi32, #tpu.memory_space<vmem>>, vector<1x16xi32>,
      %swap3A_226 = vector.shape_cast %swap3A_225 : vector<1x16xi32> to vector<16xi32>
      %swap3A_227 = vector.shape_cast %and3A_221 : vector<16xi32> to vector<1x16xi32>
      tpu.vector_store %arg9[%swap3A_223, %swap3A_224], %swap3A_227 {strides = array<i32>} : memref<4x64xi32, #tpu.memory_space<vmem>>, vector<1x16xi32>,
      %shift_right_logical3A_228 = arith.constant 16 : i32
      %shift_right_logical3A_229 = vector.broadcast %shift_right_logical3A_228 : i32 to vector<16xi32>
      %shift_right_logical3A_230 = arith.shrui %get3A_200, %shift_right_logical3A_229 : vector<16xi32>
      %swap3A_231 = arith.constant 1 : i32
      %swap3A_232 = arith.index_cast %swap3A_231 : i32 to index
      %swap3A_233 = arith.constant 16 : index
      %swap3A_234 = tpu.vector_load %arg9[%swap3A_232, %swap3A_233] {strides = array<i32>} : memref<4x64xi32, #tpu.memory_space<vmem>>, vector<1x16xi32>,
      %swap3A_235 = vector.shape_cast %swap3A_234 : vector<1x16xi32> to vector<16xi32>
      %swap3A_236 = vector.shape_cast %shift_right_logical3A_230 : vector<16xi32> to vector<1x16xi32>
      tpu.vector_store %arg9[%swap3A_232, %swap3A_233], %swap3A_236 {strides = array<i32>} : memref<4x64xi32, #tpu.memory_space<vmem>>, vector<1x16xi32>,
      %get3A_237 = arith.index_cast %scan3A_87 : i32 to index
      %get3A_238 = arith.constant 48 : index
      %get3A_239 = tpu.vector_load %arg6[%get3A_237, %get3A_238] {strides = array<i32>} : memref<40x128xi32, #tpu.memory_space<vmem>>, vector<1x16xi32>,
      %get3A_240 = vector.shape_cast %get3A_239 : vector<1x16xi32> to vector<16xi32>
      %get3A_241 = arith.index_cast %scan3A_87 : i32 to index
      %get3A_242 = arith.constant 48 : index
      %get3A_243 = tpu.vector_load %arg7[%get3A_241, %get3A_242] {strides = array<i32>} : memref<40x128xi32, #tpu.memory_space<vmem>>, vector<1x16xi32>,
      %get3A_244 = vector.shape_cast %get3A_243 : vector<1x16xi32> to vector<16xi32>
      %and3A_245 = arith.constant 65535 : i32
      %and3A_246 = vector.broadcast %and3A_245 : i32 to vector<16xi32>
      %and3A_247 = arith.andi %get3A_240, %and3A_246 : vector<16xi32>
      %swap3A_248 = arith.constant 1 : i32
      %swap3A_249 = arith.index_cast %swap3A_248 : i32 to index
      %swap3A_250 = arith.constant 32 : index
      %swap3A_251 = tpu.vector_load %arg8[%swap3A_249, %swap3A_250] {strides = array<i32>} : memref<4x64xi32, #tpu.memory_space<vmem>>, vector<1x16xi32>,
      %swap3A_252 = vector.shape_cast %swap3A_251 : vector<1x16xi32> to vector<16xi32>
      %swap3A_253 = vector.shape_cast %and3A_247 : vector<16xi32> to vector<1x16xi32>
      tpu.vector_store %arg8[%swap3A_249, %swap3A_250], %swap3A_253 {strides = array<i32>} : memref<4x64xi32, #tpu.memory_space<vmem>>, vector<1x16xi32>,
      %shift_right_logical3A_254 = arith.constant 16 : i32
      %shift_right_logical3A_255 = vector.broadcast %shift_right_logical3A_254 : i32 to vector<16xi32>
      %shift_right_logical3A_256 = arith.shrui %get3A_240, %shift_right_logical3A_255 : vector<16xi32>
      %swap3A_257 = arith.constant 1 : i32
      %swap3A_258 = arith.index_cast %swap3A_257 : i32 to index
      %swap3A_259 = arith.constant 48 : index
      %swap3A_260 = tpu.vector_load %arg8[%swap3A_258, %swap3A_259] {strides = array<i32>} : memref<4x64xi32, #tpu.memory_space<vmem>>, vector<1x16xi32>,
      %swap3A_261 = vector.shape_cast %swap3A_260 : vector<1x16xi32> to vector<16xi32>
      %swap3A_262 = vector.shape_cast %shift_right_logical3A_256 : vector<16xi32> to vector<1x16xi32>
      tpu.vector_store %arg8[%swap3A_258, %swap3A_259], %swap3A_262 {strides = array<i32>} : memref<4x64xi32, #tpu.memory_space<vmem>>, vector<1x16xi32>,
      %and3A_263 = arith.constant 65535 : i32
      %and3A_264 = vector.broadcast %and3A_263 : i32 to vector<16xi32>
      %and3A_265 = arith.andi %get3A_244, %and3A_264 : vector<16xi32>
      %swap3A_266 = arith.constant 1 : i32
      %swap3A_267 = arith.index_cast %swap3A_266 : i32 to index
      %swap3A_268 = arith.constant 32 : index
      %swap3A_269 = tpu.vector_load %arg9[%swap3A_267, %swap3A_268] {strides = array<i32>} : memref<4x64xi32, #tpu.memory_space<vmem>>, vector<1x16xi32>,
      %swap3A_270 = vector.shape_cast %swap3A_269 : vector<1x16xi32> to vector<16xi32>
      %swap3A_271 = vector.shape_cast %and3A_265 : vector<16xi32> to vector<1x16xi32>
      tpu.vector_store %arg9[%swap3A_267, %swap3A_268], %swap3A_271 {strides = array<i32>} : memref<4x64xi32, #tpu.memory_space<vmem>>, vector<1x16xi32>,
      %shift_right_logical3A_272 = arith.constant 16 : i32
      %shift_right_logical3A_273 = vector.broadcast %shift_right_logical3A_272 : i32 to vector<16xi32>
      %shift_right_logical3A_274 = arith.shrui %get3A_244, %shift_right_logical3A_273 : vector<16xi32>
      %swap3A_275 = arith.constant 1 : i32
      %swap3A_276 = arith.index_cast %swap3A_275 : i32 to index
      %swap3A_277 = arith.constant 48 : index
      %swap3A_278 = tpu.vector_load %arg9[%swap3A_276, %swap3A_277] {strides = array<i32>} : memref<4x64xi32, #tpu.memory_space<vmem>>, vector<1x16xi32>,
      %swap3A_279 = vector.shape_cast %swap3A_278 : vector<1x16xi32> to vector<16xi32>
      %swap3A_280 = vector.shape_cast %shift_right_logical3A_274 : vector<16xi32> to vector<1x16xi32>
      tpu.vector_store %arg9[%swap3A_276, %swap3A_277], %swap3A_280 {strides = array<i32>} : memref<4x64xi32, #tpu.memory_space<vmem>>, vector<1x16xi32>,
      %dma_start3A_281 = arith.constant 1 : i32
      %dma_start3A_282 = arith.constant 1 : i32
      %dma_start3A_283 = arith.constant 1 : i32
      %dma_start3A_284 = arith.constant 0 : i32
      %dma_start3A_285 = arith.constant 0 : i32
      %dma_start3A_286 = tpu.memref_slice %arg10[%dma_start3A_282, %dma_start3A_284, %dma_start3A_285] : memref<4x64x128xf32, #tpu.memory_space<vmem>> -> memref<1x64x128xf32, #tpu.memory_space<vmem>>
      %dma_start3A_287 = tpu.memref_squeeze %dma_start3A_286 : memref<1x64x128xf32, #tpu.memory_space<vmem>> -> memref<64x128xf32, #tpu.memory_space<vmem>>
      %dma_start3A_288 = arith.constant 0 : i32
      %dma_start3A_289 = tpu.memref_slice %arg8[%dma_start3A_281, %dma_start3A_288] : memref<4x64xi32, #tpu.memory_space<vmem>> -> memref<1x64xi32, #tpu.memory_space<vmem>>
      %dma_start3A_290 = tpu.memref_squeeze %dma_start3A_289 : memref<1x64xi32, #tpu.memory_space<vmem>> -> memref<64xi32, #tpu.memory_space<vmem>>
      %dma_start3A_291 = arith.constant 0 : i32
      %dma_start3A_292 = arith.constant 0 : i32
      %dma_start3A_293 = tpu.memref_slice %arg2[%dma_start3A_291, %dma_start3A_292] : memref<10000x128xf32, #tpu.memory_space<hbm>> -> memref<10000x128xf32, #tpu.memory_space<hbm>>
      %dma_start3A_294 = tpu.memref_slice %arg13[%dma_start3A_283] : memref<4x!tpu.dma_semaphore, #tpu.memory_space<semaphore_mem>> -> memref<1x!tpu.dma_semaphore, #tpu.memory_space<semaphore_mem>>
      %dma_start3A_295 = tpu.memref_squeeze %dma_start3A_294 : memref<1x!tpu.dma_semaphore, #tpu.memory_space<semaphore_mem>> -> memref<!tpu.dma_semaphore, #tpu.memory_space<semaphore_mem>>
      tpu.enqueue_indirect_dma source(%dma_start3A_293 : memref<10000x128xf32, #tpu.memory_space<hbm>>) target(%dma_start3A_287 : memref<64x128xf32, #tpu.memory_space<vmem>>) offsets(%dma_start3A_290 : memref<64xi32, #tpu.memory_space<vmem>>) semaphore(%dma_start3A_295 : memref<!tpu.dma_semaphore, #tpu.memory_space<semaphore_mem>>)
      %gt3A_296 = arith.constant 0 : i32
      %gt3A_297 = arith.cmpi sgt, %scan3A_87, %gt3A_296 : i32
      %convert_element_type3A_298 = arith.extui %gt3A_297 : i1 to i32
      %cond3A_299 = arith.constant 0 : i32
      %cond3A_300 = arith.cmpi ne, %convert_element_type3A_298, %cond3A_299 : i32
      scf.if %cond3A_300 {
        %dma_wait3A_632 = arith.constant 2 : i32
        %dma_wait3A_633 = arith.constant 2 : i32
        %dma_wait3A_634 = arith.constant 2 : i32
        %dma_wait3A_635 = arith.constant 0 : i32
        %dma_wait3A_636 = arith.constant 0 : i32
        %dma_wait3A_637 = tpu.memref_slice %arg10[%dma_wait3A_632, %dma_wait3A_635, %dma_wait3A_636] : memref<4x64x128xf32, #tpu.memory_space<vmem>> -> memref<1x64x128xf32, #tpu.memory_space<vmem>>
        %dma_wait3A_638 = tpu.memref_squeeze %dma_wait3A_637 : memref<1x64x128xf32, #tpu.memory_space<vmem>> -> memref<64x128xf32, #tpu.memory_space<vmem>>
        %dma_wait3A_639 = arith.constant 0 : i32
        %dma_wait3A_640 = tpu.memref_slice %arg9[%dma_wait3A_633, %dma_wait3A_639] : memref<4x64xi32, #tpu.memory_space<vmem>> -> memref<1x64xi32, #tpu.memory_space<vmem>>
        %dma_wait3A_641 = tpu.memref_squeeze %dma_wait3A_640 : memref<1x64xi32, #tpu.memory_space<vmem>> -> memref<64xi32, #tpu.memory_space<vmem>>
        %dma_wait3A_642 = arith.constant 0 : i32
        %dma_wait3A_643 = arith.constant 0 : i32
        %dma_wait3A_644 = tpu.memref_slice %arg12[%dma_wait3A_642, %dma_wait3A_643] : memref<10112x128xf32, #tpu.memory_space<vmem_shared>> -> memref<10112x128xf32, #tpu.memory_space<vmem_shared>>
        %dma_wait3A_645 = tpu.memref_slice %arg14[%dma_wait3A_634] : memref<4x!tpu.dma_semaphore, #tpu.memory_space<semaphore_mem>> -> memref<1x!tpu.dma_semaphore, #tpu.memory_space<semaphore_mem>>
        %dma_wait3A_646 = tpu.memref_squeeze %dma_wait3A_645 : memref<1x!tpu.dma_semaphore, #tpu.memory_space<semaphore_mem>> -> memref<!tpu.dma_semaphore, #tpu.memory_space<semaphore_mem>>
        tpu.wait_indirect_dma semaphore(%dma_wait3A_646 : memref<!tpu.dma_semaphore, #tpu.memory_space<semaphore_mem>>) src(%dma_wait3A_638 : memref<64x128xf32, #tpu.memory_space<vmem>>) dst(%dma_wait3A_644 : memref<10112x128xf32, #tpu.memory_space<vmem_shared>>)
      } else {
      }
      %get3A_301 = arith.index_cast %scan3A_87 : i32 to index
      %get3A_302 = arith.constant 64 : index
      %get3A_303 = tpu.vector_load %arg6[%get3A_301, %get3A_302] {strides = array<i32>} : memref<40x128xi32, #tpu.memory_space<vmem>>, vector<1x16xi32>,
      %get3A_304 = vector.shape_cast %get3A_303 : vector<1x16xi32> to vector<16xi32>
      %get3A_305 = arith.index_cast %scan3A_87 : i32 to index
      %get3A_306 = arith.constant 64 : index
      %get3A_307 = tpu.vector_load %arg7[%get3A_305, %get3A_306] {strides = array<i32>} : memref<40x128xi32, #tpu.memory_space<vmem>>, vector<1x16xi32>,
      %get3A_308 = vector.shape_cast %get3A_307 : vector<1x16xi32> to vector<16xi32>
      %and3A_309 = arith.constant 65535 : i32
      %and3A_310 = vector.broadcast %and3A_309 : i32 to vector<16xi32>
      %and3A_311 = arith.andi %get3A_304, %and3A_310 : vector<16xi32>
      %swap3A_312 = arith.constant 2 : i32
      %swap3A_313 = arith.index_cast %swap3A_312 : i32 to index
      %swap3A_314 = arith.constant 0 : index
      %swap3A_315 = tpu.vector_load %arg8[%swap3A_313, %swap3A_314] {strides = array<i32>} : memref<4x64xi32, #tpu.memory_space<vmem>>, vector<1x16xi32>,
      %swap3A_316 = vector.shape_cast %swap3A_315 : vector<1x16xi32> to vector<16xi32>
      %swap3A_317 = vector.shape_cast %and3A_311 : vector<16xi32> to vector<1x16xi32>
      tpu.vector_store %arg8[%swap3A_313, %swap3A_314], %swap3A_317 {strides = array<i32>} : memref<4x64xi32, #tpu.memory_space<vmem>>, vector<1x16xi32>,
      %shift_right_logical3A_318 = arith.constant 16 : i32
      %shift_right_logical3A_319 = vector.broadcast %shift_right_logical3A_318 : i32 to vector<16xi32>
      %shift_right_logical3A_320 = arith.shrui %get3A_304, %shift_right_logical3A_319 : vector<16xi32>
      %swap3A_321 = arith.constant 2 : i32
      %swap3A_322 = arith.index_cast %swap3A_321 : i32 to index
      %swap3A_323 = arith.constant 16 : index
      %swap3A_324 = tpu.vector_load %arg8[%swap3A_322, %swap3A_323] {strides = array<i32>} : memref<4x64xi32, #tpu.memory_space<vmem>>, vector<1x16xi32>,
      %swap3A_325 = vector.shape_cast %swap3A_324 : vector<1x16xi32> to vector<16xi32>
      %swap3A_326 = vector.shape_cast %shift_right_logical3A_320 : vector<16xi32> to vector<1x16xi32>
      tpu.vector_store %arg8[%swap3A_322, %swap3A_323], %swap3A_326 {strides = array<i32>} : memref<4x64xi32, #tpu.memory_space<vmem>>, vector<1x16xi32>,
      %and3A_327 = arith.constant 65535 : i32
      %and3A_328 = vector.broadcast %and3A_327 : i32 to vector<16xi32>
      %and3A_329 = arith.andi %get3A_308, %and3A_328 : vector<16xi32>
      %swap3A_330 = arith.constant 2 : i32
      %swap3A_331 = arith.index_cast %swap3A_330 : i32 to index
      %swap3A_332 = arith.constant 0 : index
      %swap3A_333 = tpu.vector_load %arg9[%swap3A_331, %swap3A_332] {strides = array<i32>} : memref<4x64xi32, #tpu.memory_space<vmem>>, vector<1x16xi32>,
      %swap3A_334 = vector.shape_cast %swap3A_333 : vector<1x16xi32> to vector<16xi32>
      %swap3A_335 = vector.shape_cast %and3A_329 : vector<16xi32> to vector<1x16xi32>
      tpu.vector_store %arg9[%swap3A_331, %swap3A_332], %swap3A_335 {strides = array<i32>} : memref<4x64xi32, #tpu.memory_space<vmem>>, vector<1x16xi32>,
      %shift_right_logical3A_336 = arith.constant 16 : i32
      %shift_right_logical3A_337 = vector.broadcast %shift_right_logical3A_336 : i32 to vector<16xi32>
      %shift_right_logical3A_338 = arith.shrui %get3A_308, %shift_right_logical3A_337 : vector<16xi32>
      %swap3A_339 = arith.constant 2 : i32
      %swap3A_340 = arith.index_cast %swap3A_339 : i32 to index
      %swap3A_341 = arith.constant 16 : index
      %swap3A_342 = tpu.vector_load %arg9[%swap3A_340, %swap3A_341] {strides = array<i32>} : memref<4x64xi32, #tpu.memory_space<vmem>>, vector<1x16xi32>,
      %swap3A_343 = vector.shape_cast %swap3A_342 : vector<1x16xi32> to vector<16xi32>
      %swap3A_344 = vector.shape_cast %shift_right_logical3A_338 : vector<16xi32> to vector<1x16xi32>
      tpu.vector_store %arg9[%swap3A_340, %swap3A_341], %swap3A_344 {strides = array<i32>} : memref<4x64xi32, #tpu.memory_space<vmem>>, vector<1x16xi32>,
      %get3A_345 = arith.index_cast %scan3A_87 : i32 to index
      %get3A_346 = arith.constant 80 : index
      %get3A_347 = tpu.vector_load %arg6[%get3A_345, %get3A_346] {strides = array<i32>} : memref<40x128xi32, #tpu.memory_space<vmem>>, vector<1x16xi32>,
      %get3A_348 = vector.shape_cast %get3A_347 : vector<1x16xi32> to vector<16xi32>
      %get3A_349 = arith.index_cast %scan3A_87 : i32 to index
      %get3A_350 = arith.constant 80 : index
      %get3A_351 = tpu.vector_load %arg7[%get3A_349, %get3A_350] {strides = array<i32>} : memref<40x128xi32, #tpu.memory_space<vmem>>, vector<1x16xi32>,
      %get3A_352 = vector.shape_cast %get3A_351 : vector<1x16xi32> to vector<16xi32>
      %and3A_353 = arith.constant 65535 : i32
      %and3A_354 = vector.broadcast %and3A_353 : i32 to vector<16xi32>
      %and3A_355 = arith.andi %get3A_348, %and3A_354 : vector<16xi32>
      %swap3A_356 = arith.constant 2 : i32
      %swap3A_357 = arith.index_cast %swap3A_356 : i32 to index
      %swap3A_358 = arith.constant 32 : index
      %swap3A_359 = tpu.vector_load %arg8[%swap3A_357, %swap3A_358] {strides = array<i32>} : memref<4x64xi32, #tpu.memory_space<vmem>>, vector<1x16xi32>,
      %swap3A_360 = vector.shape_cast %swap3A_359 : vector<1x16xi32> to vector<16xi32>
      %swap3A_361 = vector.shape_cast %and3A_355 : vector<16xi32> to vector<1x16xi32>
      tpu.vector_store %arg8[%swap3A_357, %swap3A_358], %swap3A_361 {strides = array<i32>} : memref<4x64xi32, #tpu.memory_space<vmem>>, vector<1x16xi32>,
      %shift_right_logical3A_362 = arith.constant 16 : i32
      %shift_right_logical3A_363 = vector.broadcast %shift_right_logical3A_362 : i32 to vector<16xi32>
      %shift_right_logical3A_364 = arith.shrui %get3A_348, %shift_right_logical3A_363 : vector<16xi32>
      %swap3A_365 = arith.constant 2 : i32
      %swap3A_366 = arith.index_cast %swap3A_365 : i32 to index
      %swap3A_367 = arith.constant 48 : index
      %swap3A_368 = tpu.vector_load %arg8[%swap3A_366, %swap3A_367] {strides = array<i32>} : memref<4x64xi32, #tpu.memory_space<vmem>>, vector<1x16xi32>,
      %swap3A_369 = vector.shape_cast %swap3A_368 : vector<1x16xi32> to vector<16xi32>
      %swap3A_370 = vector.shape_cast %shift_right_logical3A_364 : vector<16xi32> to vector<1x16xi32>
      tpu.vector_store %arg8[%swap3A_366, %swap3A_367], %swap3A_370 {strides = array<i32>} : memref<4x64xi32, #tpu.memory_space<vmem>>, vector<1x16xi32>,
      %and3A_371 = arith.constant 65535 : i32
      %and3A_372 = vector.broadcast %and3A_371 : i32 to vector<16xi32>
      %and3A_373 = arith.andi %get3A_352, %and3A_372 : vector<16xi32>
      %swap3A_374 = arith.constant 2 : i32
      %swap3A_375 = arith.index_cast %swap3A_374 : i32 to index
      %swap3A_376 = arith.constant 32 : index
      %swap3A_377 = tpu.vector_load %arg9[%swap3A_375, %swap3A_376] {strides = array<i32>} : memref<4x64xi32, #tpu.memory_space<vmem>>, vector<1x16xi32>,
      %swap3A_378 = vector.shape_cast %swap3A_377 : vector<1x16xi32> to vector<16xi32>
      %swap3A_379 = vector.shape_cast %and3A_373 : vector<16xi32> to vector<1x16xi32>
      tpu.vector_store %arg9[%swap3A_375, %swap3A_376], %swap3A_379 {strides = array<i32>} : memref<4x64xi32, #tpu.memory_space<vmem>>, vector<1x16xi32>,
      %shift_right_logical3A_380 = arith.constant 16 : i32
      %shift_right_logical3A_381 = vector.broadcast %shift_right_logical3A_380 : i32 to vector<16xi32>
      %shift_right_logical3A_382 = arith.shrui %get3A_352, %shift_right_logical3A_381 : vector<16xi32>
      %swap3A_383 = arith.constant 2 : i32
      %swap3A_384 = arith.index_cast %swap3A_383 : i32 to index
      %swap3A_385 = arith.constant 48 : index
      %swap3A_386 = tpu.vector_load %arg9[%swap3A_384, %swap3A_385] {strides = array<i32>} : memref<4x64xi32, #tpu.memory_space<vmem>>, vector<1x16xi32>,
      %swap3A_387 = vector.shape_cast %swap3A_386 : vector<1x16xi32> to vector<16xi32>
      %swap3A_388 = vector.shape_cast %shift_right_logical3A_382 : vector<16xi32> to vector<1x16xi32>
      tpu.vector_store %arg9[%swap3A_384, %swap3A_385], %swap3A_388 {strides = array<i32>} : memref<4x64xi32, #tpu.memory_space<vmem>>, vector<1x16xi32>,
      %dma_start3A_389 = arith.constant 2 : i32
      %dma_start3A_390 = arith.constant 2 : i32
      %dma_start3A_391 = arith.constant 2 : i32
      %dma_start3A_392 = arith.constant 0 : i32
      %dma_start3A_393 = arith.constant 0 : i32
      %dma_start3A_394 = tpu.memref_slice %arg10[%dma_start3A_390, %dma_start3A_392, %dma_start3A_393] : memref<4x64x128xf32, #tpu.memory_space<vmem>> -> memref<1x64x128xf32, #tpu.memory_space<vmem>>
      %dma_start3A_395 = tpu.memref_squeeze %dma_start3A_394 : memref<1x64x128xf32, #tpu.memory_space<vmem>> -> memref<64x128xf32, #tpu.memory_space<vmem>>
      %dma_start3A_396 = arith.constant 0 : i32
      %dma_start3A_397 = tpu.memref_slice %arg8[%dma_start3A_389, %dma_start3A_396] : memref<4x64xi32, #tpu.memory_space<vmem>> -> memref<1x64xi32, #tpu.memory_space<vmem>>
      %dma_start3A_398 = tpu.memref_squeeze %dma_start3A_397 : memref<1x64xi32, #tpu.memory_space<vmem>> -> memref<64xi32, #tpu.memory_space<vmem>>
      %dma_start3A_399 = arith.constant 0 : i32
      %dma_start3A_400 = arith.constant 0 : i32
      %dma_start3A_401 = tpu.memref_slice %arg2[%dma_start3A_399, %dma_start3A_400] : memref<10000x128xf32, #tpu.memory_space<hbm>> -> memref<10000x128xf32, #tpu.memory_space<hbm>>
      %dma_start3A_402 = tpu.memref_slice %arg13[%dma_start3A_391] : memref<4x!tpu.dma_semaphore, #tpu.memory_space<semaphore_mem>> -> memref<1x!tpu.dma_semaphore, #tpu.memory_space<semaphore_mem>>
      %dma_start3A_403 = tpu.memref_squeeze %dma_start3A_402 : memref<1x!tpu.dma_semaphore, #tpu.memory_space<semaphore_mem>> -> memref<!tpu.dma_semaphore, #tpu.memory_space<semaphore_mem>>
      tpu.enqueue_indirect_dma source(%dma_start3A_401 : memref<10000x128xf32, #tpu.memory_space<hbm>>) target(%dma_start3A_395 : memref<64x128xf32, #tpu.memory_space<vmem>>) offsets(%dma_start3A_398 : memref<64xi32, #tpu.memory_space<vmem>>) semaphore(%dma_start3A_403 : memref<!tpu.dma_semaphore, #tpu.memory_space<semaphore_mem>>)
      %gt3A_404 = arith.constant 0 : i32
      %gt3A_405 = arith.cmpi sgt, %scan3A_87, %gt3A_404 : i32
      %convert_element_type3A_406 = arith.extui %gt3A_405 : i1 to i32
      %cond3A_407 = arith.constant 0 : i32
      %cond3A_408 = arith.cmpi ne, %convert_element_type3A_406, %cond3A_407 : i32
      scf.if %cond3A_408 {
        %dma_wait3A_632 = arith.constant 3 : i32
        %dma_wait3A_633 = arith.constant 3 : i32
        %dma_wait3A_634 = arith.constant 3 : i32
        %dma_wait3A_635 = arith.constant 0 : i32
        %dma_wait3A_636 = arith.constant 0 : i32
        %dma_wait3A_637 = tpu.memref_slice %arg10[%dma_wait3A_632, %dma_wait3A_635, %dma_wait3A_636] : memref<4x64x128xf32, #tpu.memory_space<vmem>> -> memref<1x64x128xf32, #tpu.memory_space<vmem>>
        %dma_wait3A_638 = tpu.memref_squeeze %dma_wait3A_637 : memref<1x64x128xf32, #tpu.memory_space<vmem>> -> memref<64x128xf32, #tpu.memory_space<vmem>>
        %dma_wait3A_639 = arith.constant 0 : i32
        %dma_wait3A_640 = tpu.memref_slice %arg9[%dma_wait3A_633, %dma_wait3A_639] : memref<4x64xi32, #tpu.memory_space<vmem>> -> memref<1x64xi32, #tpu.memory_space<vmem>>
        %dma_wait3A_641 = tpu.memref_squeeze %dma_wait3A_640 : memref<1x64xi32, #tpu.memory_space<vmem>> -> memref<64xi32, #tpu.memory_space<vmem>>
        %dma_wait3A_642 = arith.constant 0 : i32
        %dma_wait3A_643 = arith.constant 0 : i32
        %dma_wait3A_644 = tpu.memref_slice %arg12[%dma_wait3A_642, %dma_wait3A_643] : memref<10112x128xf32, #tpu.memory_space<vmem_shared>> -> memref<10112x128xf32, #tpu.memory_space<vmem_shared>>
        %dma_wait3A_645 = tpu.memref_slice %arg14[%dma_wait3A_634] : memref<4x!tpu.dma_semaphore, #tpu.memory_space<semaphore_mem>> -> memref<1x!tpu.dma_semaphore, #tpu.memory_space<semaphore_mem>>
        %dma_wait3A_646 = tpu.memref_squeeze %dma_wait3A_645 : memref<1x!tpu.dma_semaphore, #tpu.memory_space<semaphore_mem>> -> memref<!tpu.dma_semaphore, #tpu.memory_space<semaphore_mem>>
        tpu.wait_indirect_dma semaphore(%dma_wait3A_646 : memref<!tpu.dma_semaphore, #tpu.memory_space<semaphore_mem>>) src(%dma_wait3A_638 : memref<64x128xf32, #tpu.memory_space<vmem>>) dst(%dma_wait3A_644 : memref<10112x128xf32, #tpu.memory_space<vmem_shared>>)
      } else {
      }
      %get3A_409 = arith.index_cast %scan3A_87 : i32 to index
      %get3A_410 = arith.constant 96 : index
      %get3A_411 = tpu.vector_load %arg6[%get3A_409, %get3A_410] {strides = array<i32>} : memref<40x128xi32, #tpu.memory_space<vmem>>, vector<1x16xi32>,
      %get3A_412 = vector.shape_cast %get3A_411 : vector<1x16xi32> to vector<16xi32>
      %get3A_413 = arith.index_cast %scan3A_87 : i32 to index
      %get3A_414 = arith.constant 96 : index
      %get3A_415 = tpu.vector_load %arg7[%get3A_413, %get3A_414] {strides = array<i32>} : memref<40x128xi32, #tpu.memory_space<vmem>>, vector<1x16xi32>,
      %get3A_416 = vector.shape_cast %get3A_415 : vector<1x16xi32> to vector<16xi32>
      %and3A_417 = arith.constant 65535 : i32
      %and3A_418 = vector.broadcast %and3A_417 : i32 to vector<16xi32>
      %and3A_419 = arith.andi %get3A_412, %and3A_418 : vector<16xi32>
      %swap3A_420 = arith.constant 3 : i32
      %swap3A_421 = arith.index_cast %swap3A_420 : i32 to index
      %swap3A_422 = arith.constant 0 : index
      %swap3A_423 = tpu.vector_load %arg8[%swap3A_421, %swap3A_422] {strides = array<i32>} : memref<4x64xi32, #tpu.memory_space<vmem>>, vector<1x16xi32>,
      %swap3A_424 = vector.shape_cast %swap3A_423 : vector<1x16xi32> to vector<16xi32>
      %swap3A_425 = vector.shape_cast %and3A_419 : vector<16xi32> to vector<1x16xi32>
      tpu.vector_store %arg8[%swap3A_421, %swap3A_422], %swap3A_425 {strides = array<i32>} : memref<4x64xi32, #tpu.memory_space<vmem>>, vector<1x16xi32>,
      %shift_right_logical3A_426 = arith.constant 16 : i32
      %shift_right_logical3A_427 = vector.broadcast %shift_right_logical3A_426 : i32 to vector<16xi32>
      %shift_right_logical3A_428 = arith.shrui %get3A_412, %shift_right_logical3A_427 : vector<16xi32>
      %swap3A_429 = arith.constant 3 : i32
      %swap3A_430 = arith.index_cast %swap3A_429 : i32 to index
      %swap3A_431 = arith.constant 16 : index
      %swap3A_432 = tpu.vector_load %arg8[%swap3A_430, %swap3A_431] {strides = array<i32>} : memref<4x64xi32, #tpu.memory_space<vmem>>, vector<1x16xi32>,
      %swap3A_433 = vector.shape_cast %swap3A_432 : vector<1x16xi32> to vector<16xi32>
      %swap3A_434 = vector.shape_cast %shift_right_logical3A_428 : vector<16xi32> to vector<1x16xi32>
      tpu.vector_store %arg8[%swap3A_430, %swap3A_431], %swap3A_434 {strides = array<i32>} : memref<4x64xi32, #tpu.memory_space<vmem>>, vector<1x16xi32>,
      %and3A_435 = arith.constant 65535 : i32
      %and3A_436 = vector.broadcast %and3A_435 : i32 to vector<16xi32>
      %and3A_437 = arith.andi %get3A_416, %and3A_436 : vector<16xi32>
      %swap3A_438 = arith.constant 3 : i32
      %swap3A_439 = arith.index_cast %swap3A_438 : i32 to index
      %swap3A_440 = arith.constant 0 : index
      %swap3A_441 = tpu.vector_load %arg9[%swap3A_439, %swap3A_440] {strides = array<i32>} : memref<4x64xi32, #tpu.memory_space<vmem>>, vector<1x16xi32>,
      %swap3A_442 = vector.shape_cast %swap3A_441 : vector<1x16xi32> to vector<16xi32>
      %swap3A_443 = vector.shape_cast %and3A_437 : vector<16xi32> to vector<1x16xi32>
      tpu.vector_store %arg9[%swap3A_439, %swap3A_440], %swap3A_443 {strides = array<i32>} : memref<4x64xi32, #tpu.memory_space<vmem>>, vector<1x16xi32>,
      %shift_right_logical3A_444 = arith.constant 16 : i32
      %shift_right_logical3A_445 = vector.broadcast %shift_right_logical3A_444 : i32 to vector<16xi32>
      %shift_right_logical3A_446 = arith.shrui %get3A_416, %shift_right_logical3A_445 : vector<16xi32>
      %swap3A_447 = arith.constant 3 : i32
      %swap3A_448 = arith.index_cast %swap3A_447 : i32 to index
      %swap3A_449 = arith.constant 16 : index
      %swap3A_450 = tpu.vector_load %arg9[%swap3A_448, %swap3A_449] {strides = array<i32>} : memref<4x64xi32, #tpu.memory_space<vmem>>, vector<1x16xi32>,
      %swap3A_451 = vector.shape_cast %swap3A_450 : vector<1x16xi32> to vector<16xi32>
      %swap3A_452 = vector.shape_cast %shift_right_logical3A_446 : vector<16xi32> to vector<1x16xi32>
      tpu.vector_store %arg9[%swap3A_448, %swap3A_449], %swap3A_452 {strides = array<i32>} : memref<4x64xi32, #tpu.memory_space<vmem>>, vector<1x16xi32>,
      %get3A_453 = arith.index_cast %scan3A_87 : i32 to index
      %get3A_454 = arith.constant 112 : index
      %get3A_455 = tpu.vector_load %arg6[%get3A_453, %get3A_454] {strides = array<i32>} : memref<40x128xi32, #tpu.memory_space<vmem>>, vector<1x16xi32>,
      %get3A_456 = vector.shape_cast %get3A_455 : vector<1x16xi32> to vector<16xi32>
      %get3A_457 = arith.index_cast %scan3A_87 : i32 to index
      %get3A_458 = arith.constant 112 : index
      %get3A_459 = tpu.vector_load %arg7[%get3A_457, %get3A_458] {strides = array<i32>} : memref<40x128xi32, #tpu.memory_space<vmem>>, vector<1x16xi32>,
      %get3A_460 = vector.shape_cast %get3A_459 : vector<1x16xi32> to vector<16xi32>
      %and3A_461 = arith.constant 65535 : i32
      %and3A_462 = vector.broadcast %and3A_461 : i32 to vector<16xi32>
      %and3A_463 = arith.andi %get3A_456, %and3A_462 : vector<16xi32>
      %swap3A_464 = arith.constant 3 : i32
      %swap3A_465 = arith.index_cast %swap3A_464 : i32 to index
      %swap3A_466 = arith.constant 32 : index
      %swap3A_467 = tpu.vector_load %arg8[%swap3A_465, %swap3A_466] {strides = array<i32>} : memref<4x64xi32, #tpu.memory_space<vmem>>, vector<1x16xi32>,
      %swap3A_468 = vector.shape_cast %swap3A_467 : vector<1x16xi32> to vector<16xi32>
      %swap3A_469 = vector.shape_cast %and3A_463 : vector<16xi32> to vector<1x16xi32>
      tpu.vector_store %arg8[%swap3A_465, %swap3A_466], %swap3A_469 {strides = array<i32>} : memref<4x64xi32, #tpu.memory_space<vmem>>, vector<1x16xi32>,
      %shift_right_logical3A_470 = arith.constant 16 : i32
      %shift_right_logical3A_471 = vector.broadcast %shift_right_logical3A_470 : i32 to vector<16xi32>
      %shift_right_logical3A_472 = arith.shrui %get3A_456, %shift_right_logical3A_471 : vector<16xi32>
      %swap3A_473 = arith.constant 3 : i32
      %swap3A_474 = arith.index_cast %swap3A_473 : i32 to index
      %swap3A_475 = arith.constant 48 : index
      %swap3A_476 = tpu.vector_load %arg8[%swap3A_474, %swap3A_475] {strides = array<i32>} : memref<4x64xi32, #tpu.memory_space<vmem>>, vector<1x16xi32>,
      %swap3A_477 = vector.shape_cast %swap3A_476 : vector<1x16xi32> to vector<16xi32>
      %swap3A_478 = vector.shape_cast %shift_right_logical3A_472 : vector<16xi32> to vector<1x16xi32>
      tpu.vector_store %arg8[%swap3A_474, %swap3A_475], %swap3A_478 {strides = array<i32>} : memref<4x64xi32, #tpu.memory_space<vmem>>, vector<1x16xi32>,
      %and3A_479 = arith.constant 65535 : i32
      %and3A_480 = vector.broadcast %and3A_479 : i32 to vector<16xi32>
      %and3A_481 = arith.andi %get3A_460, %and3A_480 : vector<16xi32>
      %swap3A_482 = arith.constant 3 : i32
      %swap3A_483 = arith.index_cast %swap3A_482 : i32 to index
      %swap3A_484 = arith.constant 32 : index
      %swap3A_485 = tpu.vector_load %arg9[%swap3A_483, %swap3A_484] {strides = array<i32>} : memref<4x64xi32, #tpu.memory_space<vmem>>, vector<1x16xi32>,
      %swap3A_486 = vector.shape_cast %swap3A_485 : vector<1x16xi32> to vector<16xi32>
      %swap3A_487 = vector.shape_cast %and3A_481 : vector<16xi32> to vector<1x16xi32>
      tpu.vector_store %arg9[%swap3A_483, %swap3A_484], %swap3A_487 {strides = array<i32>} : memref<4x64xi32, #tpu.memory_space<vmem>>, vector<1x16xi32>,
      %shift_right_logical3A_488 = arith.constant 16 : i32
      %shift_right_logical3A_489 = vector.broadcast %shift_right_logical3A_488 : i32 to vector<16xi32>
      %shift_right_logical3A_490 = arith.shrui %get3A_460, %shift_right_logical3A_489 : vector<16xi32>
      %swap3A_491 = arith.constant 3 : i32
      %swap3A_492 = arith.index_cast %swap3A_491 : i32 to index
      %swap3A_493 = arith.constant 48 : index
      %swap3A_494 = tpu.vector_load %arg9[%swap3A_492, %swap3A_493] {strides = array<i32>} : memref<4x64xi32, #tpu.memory_space<vmem>>, vector<1x16xi32>,
      %swap3A_495 = vector.shape_cast %swap3A_494 : vector<1x16xi32> to vector<16xi32>
      %swap3A_496 = vector.shape_cast %shift_right_logical3A_490 : vector<16xi32> to vector<1x16xi32>
      tpu.vector_store %arg9[%swap3A_492, %swap3A_493], %swap3A_496 {strides = array<i32>} : memref<4x64xi32, #tpu.memory_space<vmem>>, vector<1x16xi32>,
      %dma_start3A_497 = arith.constant 3 : i32
      %dma_start3A_498 = arith.constant 3 : i32
      %dma_start3A_499 = arith.constant 3 : i32
      %dma_start3A_500 = arith.constant 0 : i32
      %dma_start3A_501 = arith.constant 0 : i32
      %dma_start3A_502 = tpu.memref_slice %arg10[%dma_start3A_498, %dma_start3A_500, %dma_start3A_501] : memref<4x64x128xf32, #tpu.memory_space<vmem>> -> memref<1x64x128xf32, #tpu.memory_space<vmem>>
      %dma_start3A_503 = tpu.memref_squeeze %dma_start3A_502 : memref<1x64x128xf32, #tpu.memory_space<vmem>> -> memref<64x128xf32, #tpu.memory_space<vmem>>
      %dma_start3A_504 = arith.constant 0 : i32
      %dma_start3A_505 = tpu.memref_slice %arg8[%dma_start3A_497, %dma_start3A_504] : memref<4x64xi32, #tpu.memory_space<vmem>> -> memref<1x64xi32, #tpu.memory_space<vmem>>
      %dma_start3A_506 = tpu.memref_squeeze %dma_start3A_505 : memref<1x64xi32, #tpu.memory_space<vmem>> -> memref<64xi32, #tpu.memory_space<vmem>>
      %dma_start3A_507 = arith.constant 0 : i32
      %dma_start3A_508 = arith.constant 0 : i32
      %dma_start3A_509 = tpu.memref_slice %arg2[%dma_start3A_507, %dma_start3A_508] : memref<10000x128xf32, #tpu.memory_space<hbm>> -> memref<10000x128xf32, #tpu.memory_space<hbm>>
      %dma_start3A_510 = tpu.memref_slice %arg13[%dma_start3A_499] : memref<4x!tpu.dma_semaphore, #tpu.memory_space<semaphore_mem>> -> memref<1x!tpu.dma_semaphore, #tpu.memory_space<semaphore_mem>>
      %dma_start3A_511 = tpu.memref_squeeze %dma_start3A_510 : memref<1x!tpu.dma_semaphore, #tpu.memory_space<semaphore_mem>> -> memref<!tpu.dma_semaphore, #tpu.memory_space<semaphore_mem>>
      tpu.enqueue_indirect_dma source(%dma_start3A_509 : memref<10000x128xf32, #tpu.memory_space<hbm>>) target(%dma_start3A_503 : memref<64x128xf32, #tpu.memory_space<vmem>>) offsets(%dma_start3A_506 : memref<64xi32, #tpu.memory_space<vmem>>) semaphore(%dma_start3A_511 : memref<!tpu.dma_semaphore, #tpu.memory_space<semaphore_mem>>)
      %dma_wait3A_512 = arith.constant 0 : i32
      %dma_wait3A_513 = arith.constant 0 : i32
      %dma_wait3A_514 = arith.constant 0 : i32
      %dma_wait3A_515 = arith.constant 0 : i32
      %dma_wait3A_516 = arith.constant 0 : i32
      %dma_wait3A_517 = tpu.memref_slice %arg10[%dma_wait3A_513, %dma_wait3A_515, %dma_wait3A_516] : memref<4x64x128xf32, #tpu.memory_space<vmem>> -> memref<1x64x128xf32, #tpu.memory_space<vmem>>
      %dma_wait3A_518 = tpu.memref_squeeze %dma_wait3A_517 : memref<1x64x128xf32, #tpu.memory_space<vmem>> -> memref<64x128xf32, #tpu.memory_space<vmem>>
      %dma_wait3A_519 = arith.constant 0 : i32
      %dma_wait3A_520 = tpu.memref_slice %arg8[%dma_wait3A_512, %dma_wait3A_519] : memref<4x64xi32, #tpu.memory_space<vmem>> -> memref<1x64xi32, #tpu.memory_space<vmem>>
      %dma_wait3A_521 = tpu.memref_squeeze %dma_wait3A_520 : memref<1x64xi32, #tpu.memory_space<vmem>> -> memref<64xi32, #tpu.memory_space<vmem>>
      %dma_wait3A_522 = arith.constant 0 : i32
      %dma_wait3A_523 = arith.constant 0 : i32
      %dma_wait3A_524 = tpu.memref_slice %arg2[%dma_wait3A_522, %dma_wait3A_523] : memref<10000x128xf32, #tpu.memory_space<hbm>> -> memref<10000x128xf32, #tpu.memory_space<hbm>>
      %dma_wait3A_525 = tpu.memref_slice %arg13[%dma_wait3A_514] : memref<4x!tpu.dma_semaphore, #tpu.memory_space<semaphore_mem>> -> memref<1x!tpu.dma_semaphore, #tpu.memory_space<semaphore_mem>>
      %dma_wait3A_526 = tpu.memref_squeeze %dma_wait3A_525 : memref<1x!tpu.dma_semaphore, #tpu.memory_space<semaphore_mem>> -> memref<!tpu.dma_semaphore, #tpu.memory_space<semaphore_mem>>
      tpu.wait_indirect_dma semaphore(%dma_wait3A_526 : memref<!tpu.dma_semaphore, #tpu.memory_space<semaphore_mem>>) src(%dma_wait3A_524 : memref<10000x128xf32, #tpu.memory_space<hbm>>) dst(%dma_wait3A_518 : memref<64x128xf32, #tpu.memory_space<vmem>>)
      %dma_start3A_527 = arith.constant 0 : i32
      %dma_start3A_528 = arith.constant 0 : i32
      %dma_start3A_529 = arith.constant 0 : i32
      %dma_start3A_530 = arith.constant 0 : i32
      %dma_start3A_531 = arith.constant 0 : i32
      %dma_start3A_532 = tpu.memref_slice %arg10[%dma_start3A_527, %dma_start3A_530, %dma_start3A_531] : memref<4x64x128xf32, #tpu.memory_space<vmem>> -> memref<1x64x128xf32, #tpu.memory_space<vmem>>
      %dma_start3A_533 = tpu.memref_squeeze %dma_start3A_532 : memref<1x64x128xf32, #tpu.memory_space<vmem>> -> memref<64x128xf32, #tpu.memory_space<vmem>>
      %dma_start3A_534 = arith.constant 0 : i32
      %dma_start3A_535 = tpu.memref_slice %arg9[%dma_start3A_528, %dma_start3A_534] : memref<4x64xi32, #tpu.memory_space<vmem>> -> memref<1x64xi32, #tpu.memory_space<vmem>>
      %dma_start3A_536 = tpu.memref_squeeze %dma_start3A_535 : memref<1x64xi32, #tpu.memory_space<vmem>> -> memref<64xi32, #tpu.memory_space<vmem>>
      %dma_start3A_537 = arith.constant 0 : i32
      %dma_start3A_538 = arith.constant 0 : i32
      %dma_start3A_539 = tpu.memref_slice %arg12[%dma_start3A_537, %dma_start3A_538] : memref<10112x128xf32, #tpu.memory_space<vmem_shared>> -> memref<10112x128xf32, #tpu.memory_space<vmem_shared>>
      %dma_start3A_540 = tpu.memref_slice %arg14[%dma_start3A_529] : memref<4x!tpu.dma_semaphore, #tpu.memory_space<semaphore_mem>> -> memref<1x!tpu.dma_semaphore, #tpu.memory_space<semaphore_mem>>
      %dma_start3A_541 = tpu.memref_squeeze %dma_start3A_540 : memref<1x!tpu.dma_semaphore, #tpu.memory_space<semaphore_mem>> -> memref<!tpu.dma_semaphore, #tpu.memory_space<semaphore_mem>>
      tpu.enqueue_indirect_dma source(%dma_start3A_533 : memref<64x128xf32, #tpu.memory_space<vmem>>) target(%dma_start3A_539 : memref<10112x128xf32, #tpu.memory_space<vmem_shared>>) offsets(%dma_start3A_536 : memref<64xi32, #tpu.memory_space<vmem>>) semaphore(%dma_start3A_541 : memref<!tpu.dma_semaphore, #tpu.memory_space<semaphore_mem>>) {add = true}
      %dma_wait3A_542 = arith.constant 1 : i32
      %dma_wait3A_543 = arith.constant 1 : i32
      %dma_wait3A_544 = arith.constant 1 : i32
      %dma_wait3A_545 = arith.constant 0 : i32
      %dma_wait3A_546 = arith.constant 0 : i32
      %dma_wait3A_547 = tpu.memref_slice %arg10[%dma_wait3A_543, %dma_wait3A_545, %dma_wait3A_546] : memref<4x64x128xf32, #tpu.memory_space<vmem>> -> memref<1x64x128xf32, #tpu.memory_space<vmem>>
      %dma_wait3A_548 = tpu.memref_squeeze %dma_wait3A_547 : memref<1x64x128xf32, #tpu.memory_space<vmem>> -> memref<64x128xf32, #tpu.memory_space<vmem>>
      %dma_wait3A_549 = arith.constant 0 : i32
      %dma_wait3A_550 = tpu.memref_slice %arg8[%dma_wait3A_542, %dma_wait3A_549] : memref<4x64xi32, #tpu.memory_space<vmem>> -> memref<1x64xi32, #tpu.memory_space<vmem>>
      %dma_wait3A_551 = tpu.memref_squeeze %dma_wait3A_550 : memref<1x64xi32, #tpu.memory_space<vmem>> -> memref<64xi32, #tpu.memory_space<vmem>>
      %dma_wait3A_552 = arith.constant 0 : i32
      %dma_wait3A_553 = arith.constant 0 : i32
      %dma_wait3A_554 = tpu.memref_slice %arg2[%dma_wait3A_552, %dma_wait3A_553] : memref<10000x128xf32, #tpu.memory_space<hbm>> -> memref<10000x128xf32, #tpu.memory_space<hbm>>
      %dma_wait3A_555 = tpu.memref_slice %arg13[%dma_wait3A_544] : memref<4x!tpu.dma_semaphore, #tpu.memory_space<semaphore_mem>> -> memref<1x!tpu.dma_semaphore, #tpu.memory_space<semaphore_mem>>
      %dma_wait3A_556 = tpu.memref_squeeze %dma_wait3A_555 : memref<1x!tpu.dma_semaphore, #tpu.memory_space<semaphore_mem>> -> memref<!tpu.dma_semaphore, #tpu.memory_space<semaphore_mem>>
      tpu.wait_indirect_dma semaphore(%dma_wait3A_556 : memref<!tpu.dma_semaphore, #tpu.memory_space<semaphore_mem>>) src(%dma_wait3A_554 : memref<10000x128xf32, #tpu.memory_space<hbm>>) dst(%dma_wait3A_548 : memref<64x128xf32, #tpu.memory_space<vmem>>)
      %dma_start3A_557 = arith.constant 1 : i32
      %dma_start3A_558 = arith.constant 1 : i32
      %dma_start3A_559 = arith.constant 1 : i32
      %dma_start3A_560 = arith.constant 0 : i32
      %dma_start3A_561 = arith.constant 0 : i32
      %dma_start3A_562 = tpu.memref_slice %arg10[%dma_start3A_557, %dma_start3A_560, %dma_start3A_561] : memref<4x64x128xf32, #tpu.memory_space<vmem>> -> memref<1x64x128xf32, #tpu.memory_space<vmem>>
      %dma_start3A_563 = tpu.memref_squeeze %dma_start3A_562 : memref<1x64x128xf32, #tpu.memory_space<vmem>> -> memref<64x128xf32, #tpu.memory_space<vmem>>
      %dma_start3A_564 = arith.constant 0 : i32
      %dma_start3A_565 = tpu.memref_slice %arg9[%dma_start3A_558, %dma_start3A_564] : memref<4x64xi32, #tpu.memory_space<vmem>> -> memref<1x64xi32, #tpu.memory_space<vmem>>
      %dma_start3A_566 = tpu.memref_squeeze %dma_start3A_565 : memref<1x64xi32, #tpu.memory_space<vmem>> -> memref<64xi32, #tpu.memory_space<vmem>>
      %dma_start3A_567 = arith.constant 0 : i32
      %dma_start3A_568 = arith.constant 0 : i32
      %dma_start3A_569 = tpu.memref_slice %arg12[%dma_start3A_567, %dma_start3A_568] : memref<10112x128xf32, #tpu.memory_space<vmem_shared>> -> memref<10112x128xf32, #tpu.memory_space<vmem_shared>>
      %dma_start3A_570 = tpu.memref_slice %arg14[%dma_start3A_559] : memref<4x!tpu.dma_semaphore, #tpu.memory_space<semaphore_mem>> -> memref<1x!tpu.dma_semaphore, #tpu.memory_space<semaphore_mem>>
      %dma_start3A_571 = tpu.memref_squeeze %dma_start3A_570 : memref<1x!tpu.dma_semaphore, #tpu.memory_space<semaphore_mem>> -> memref<!tpu.dma_semaphore, #tpu.memory_space<semaphore_mem>>
      tpu.enqueue_indirect_dma source(%dma_start3A_563 : memref<64x128xf32, #tpu.memory_space<vmem>>) target(%dma_start3A_569 : memref<10112x128xf32, #tpu.memory_space<vmem_shared>>) offsets(%dma_start3A_566 : memref<64xi32, #tpu.memory_space<vmem>>) semaphore(%dma_start3A_571 : memref<!tpu.dma_semaphore, #tpu.memory_space<semaphore_mem>>) {add = true}
      %dma_wait3A_572 = arith.constant 2 : i32
      %dma_wait3A_573 = arith.constant 2 : i32
      %dma_wait3A_574 = arith.constant 2 : i32
      %dma_wait3A_575 = arith.constant 0 : i32
      %dma_wait3A_576 = arith.constant 0 : i32
      %dma_wait3A_577 = tpu.memref_slice %arg10[%dma_wait3A_573, %dma_wait3A_575, %dma_wait3A_576] : memref<4x64x128xf32, #tpu.memory_space<vmem>> -> memref<1x64x128xf32, #tpu.memory_space<vmem>>
      %dma_wait3A_578 = tpu.memref_squeeze %dma_wait3A_577 : memref<1x64x128xf32, #tpu.memory_space<vmem>> -> memref<64x128xf32, #tpu.memory_space<vmem>>
      %dma_wait3A_579 = arith.constant 0 : i32
      %dma_wait3A_580 = tpu.memref_slice %arg8[%dma_wait3A_572, %dma_wait3A_579] : memref<4x64xi32, #tpu.memory_space<vmem>> -> memref<1x64xi32, #tpu.memory_space<vmem>>
      %dma_wait3A_581 = tpu.memref_squeeze %dma_wait3A_580 : memref<1x64xi32, #tpu.memory_space<vmem>> -> memref<64xi32, #tpu.memory_space<vmem>>
      %dma_wait3A_582 = arith.constant 0 : i32
      %dma_wait3A_583 = arith.constant 0 : i32
      %dma_wait3A_584 = tpu.memref_slice %arg2[%dma_wait3A_582, %dma_wait3A_583] : memref<10000x128xf32, #tpu.memory_space<hbm>> -> memref<10000x128xf32, #tpu.memory_space<hbm>>
      %dma_wait3A_585 = tpu.memref_slice %arg13[%dma_wait3A_574] : memref<4x!tpu.dma_semaphore, #tpu.memory_space<semaphore_mem>> -> memref<1x!tpu.dma_semaphore, #tpu.memory_space<semaphore_mem>>
      %dma_wait3A_586 = tpu.memref_squeeze %dma_wait3A_585 : memref<1x!tpu.dma_semaphore, #tpu.memory_space<semaphore_mem>> -> memref<!tpu.dma_semaphore, #tpu.memory_space<semaphore_mem>>
      tpu.wait_indirect_dma semaphore(%dma_wait3A_586 : memref<!tpu.dma_semaphore, #tpu.memory_space<semaphore_mem>>) src(%dma_wait3A_584 : memref<10000x128xf32, #tpu.memory_space<hbm>>) dst(%dma_wait3A_578 : memref<64x128xf32, #tpu.memory_space<vmem>>)
      %dma_start3A_587 = arith.constant 2 : i32
      %dma_start3A_588 = arith.constant 2 : i32
      %dma_start3A_589 = arith.constant 2 : i32
      %dma_start3A_590 = arith.constant 0 : i32
      %dma_start3A_591 = arith.constant 0 : i32
      %dma_start3A_592 = tpu.memref_slice %arg10[%dma_start3A_587, %dma_start3A_590, %dma_start3A_591] : memref<4x64x128xf32, #tpu.memory_space<vmem>> -> memref<1x64x128xf32, #tpu.memory_space<vmem>>
      %dma_start3A_593 = tpu.memref_squeeze %dma_start3A_592 : memref<1x64x128xf32, #tpu.memory_space<vmem>> -> memref<64x128xf32, #tpu.memory_space<vmem>>
      %dma_start3A_594 = arith.constant 0 : i32
      %dma_start3A_595 = tpu.memref_slice %arg9[%dma_start3A_588, %dma_start3A_594] : memref<4x64xi32, #tpu.memory_space<vmem>> -> memref<1x64xi32, #tpu.memory_space<vmem>>
      %dma_start3A_596 = tpu.memref_squeeze %dma_start3A_595 : memref<1x64xi32, #tpu.memory_space<vmem>> -> memref<64xi32, #tpu.memory_space<vmem>>
      %dma_start3A_597 = arith.constant 0 : i32
      %dma_start3A_598 = arith.constant 0 : i32
      %dma_start3A_599 = tpu.memref_slice %arg12[%dma_start3A_597, %dma_start3A_598] : memref<10112x128xf32, #tpu.memory_space<vmem_shared>> -> memref<10112x128xf32, #tpu.memory_space<vmem_shared>>
      %dma_start3A_600 = tpu.memref_slice %arg14[%dma_start3A_589] : memref<4x!tpu.dma_semaphore, #tpu.memory_space<semaphore_mem>> -> memref<1x!tpu.dma_semaphore, #tpu.memory_space<semaphore_mem>>
      %dma_start3A_601 = tpu.memref_squeeze %dma_start3A_600 : memref<1x!tpu.dma_semaphore, #tpu.memory_space<semaphore_mem>> -> memref<!tpu.dma_semaphore, #tpu.memory_space<semaphore_mem>>
      tpu.enqueue_indirect_dma source(%dma_start3A_593 : memref<64x128xf32, #tpu.memory_space<vmem>>) target(%dma_start3A_599 : memref<10112x128xf32, #tpu.memory_space<vmem_shared>>) offsets(%dma_start3A_596 : memref<64xi32, #tpu.memory_space<vmem>>) semaphore(%dma_start3A_601 : memref<!tpu.dma_semaphore, #tpu.memory_space<semaphore_mem>>) {add = true}
      %dma_wait3A_602 = arith.constant 3 : i32
      %dma_wait3A_603 = arith.constant 3 : i32
      %dma_wait3A_604 = arith.constant 3 : i32
      %dma_wait3A_605 = arith.constant 0 : i32
      %dma_wait3A_606 = arith.constant 0 : i32
      %dma_wait3A_607 = tpu.memref_slice %arg10[%dma_wait3A_603, %dma_wait3A_605, %dma_wait3A_606] : memref<4x64x128xf32, #tpu.memory_space<vmem>> -> memref<1x64x128xf32, #tpu.memory_space<vmem>>
      %dma_wait3A_608 = tpu.memref_squeeze %dma_wait3A_607 : memref<1x64x128xf32, #tpu.memory_space<vmem>> -> memref<64x128xf32, #tpu.memory_space<vmem>>
      %dma_wait3A_609 = arith.constant 0 : i32
      %dma_wait3A_610 = tpu.memref_slice %arg8[%dma_wait3A_602, %dma_wait3A_609] : memref<4x64xi32, #tpu.memory_space<vmem>> -> memref<1x64xi32, #tpu.memory_space<vmem>>
      %dma_wait3A_611 = tpu.memref_squeeze %dma_wait3A_610 : memref<1x64xi32, #tpu.memory_space<vmem>> -> memref<64xi32, #tpu.memory_space<vmem>>
      %dma_wait3A_612 = arith.constant 0 : i32
      %dma_wait3A_613 = arith.constant 0 : i32
      %dma_wait3A_614 = tpu.memref_slice %arg2[%dma_wait3A_612, %dma_wait3A_613] : memref<10000x128xf32, #tpu.memory_space<hbm>> -> memref<10000x128xf32, #tpu.memory_space<hbm>>
      %dma_wait3A_615 = tpu.memref_slice %arg13[%dma_wait3A_604] : memref<4x!tpu.dma_semaphore, #tpu.memory_space<semaphore_mem>> -> memref<1x!tpu.dma_semaphore, #tpu.memory_space<semaphore_mem>>
      %dma_wait3A_616 = tpu.memref_squeeze %dma_wait3A_615 : memref<1x!tpu.dma_semaphore, #tpu.memory_space<semaphore_mem>> -> memref<!tpu.dma_semaphore, #tpu.memory_space<semaphore_mem>>
      tpu.wait_indirect_dma semaphore(%dma_wait3A_616 : memref<!tpu.dma_semaphore, #tpu.memory_space<semaphore_mem>>) src(%dma_wait3A_614 : memref<10000x128xf32, #tpu.memory_space<hbm>>) dst(%dma_wait3A_608 : memref<64x128xf32, #tpu.memory_space<vmem>>)
      %dma_start3A_617 = arith.constant 3 : i32
      %dma_start3A_618 = arith.constant 3 : i32
      %dma_start3A_619 = arith.constant 3 : i32
      %dma_start3A_620 = arith.constant 0 : i32
      %dma_start3A_621 = arith.constant 0 : i32
      %dma_start3A_622 = tpu.memref_slice %arg10[%dma_start3A_617, %dma_start3A_620, %dma_start3A_621] : memref<4x64x128xf32, #tpu.memory_space<vmem>> -> memref<1x64x128xf32, #tpu.memory_space<vmem>>
      %dma_start3A_623 = tpu.memref_squeeze %dma_start3A_622 : memref<1x64x128xf32, #tpu.memory_space<vmem>> -> memref<64x128xf32, #tpu.memory_space<vmem>>
      %dma_start3A_624 = arith.constant 0 : i32
      %dma_start3A_625 = tpu.memref_slice %arg9[%dma_start3A_618, %dma_start3A_624] : memref<4x64xi32, #tpu.memory_space<vmem>> -> memref<1x64xi32, #tpu.memory_space<vmem>>
      %dma_start3A_626 = tpu.memref_squeeze %dma_start3A_625 : memref<1x64xi32, #tpu.memory_space<vmem>> -> memref<64xi32, #tpu.memory_space<vmem>>
      %dma_start3A_627 = arith.constant 0 : i32
      %dma_start3A_628 = arith.constant 0 : i32
      %dma_start3A_629 = tpu.memref_slice %arg12[%dma_start3A_627, %dma_start3A_628] : memref<10112x128xf32, #tpu.memory_space<vmem_shared>> -> memref<10112x128xf32, #tpu.memory_space<vmem_shared>>
      %dma_start3A_630 = tpu.memref_slice %arg14[%dma_start3A_619] : memref<4x!tpu.dma_semaphore, #tpu.memory_space<semaphore_mem>> -> memref<1x!tpu.dma_semaphore, #tpu.memory_space<semaphore_mem>>
      %dma_start3A_631 = tpu.memref_squeeze %dma_start3A_630 : memref<1x!tpu.dma_semaphore, #tpu.memory_space<semaphore_mem>> -> memref<!tpu.dma_semaphore, #tpu.memory_space<semaphore_mem>>
      tpu.enqueue_indirect_dma source(%dma_start3A_623 : memref<64x128xf32, #tpu.memory_space<vmem>>) target(%dma_start3A_629 : memref<10112x128xf32, #tpu.memory_space<vmem_shared>>) offsets(%dma_start3A_626 : memref<64xi32, #tpu.memory_space<vmem>>) semaphore(%dma_start3A_631 : memref<!tpu.dma_semaphore, #tpu.memory_space<semaphore_mem>>) {add = true}
    }
    %scan3A_20 = arith.constant 40 : i32
    %dma_wait3A = arith.constant 0 : i32
    %dma_wait3A_21 = arith.constant 0 : i32
    %dma_wait3A_22 = arith.constant 0 : i32
    %dma_wait3A_23 = arith.constant 0 : i32
    %dma_wait3A_24 = arith.constant 0 : i32
    %dma_wait3A_25 = tpu.memref_slice %arg10[%dma_wait3A, %dma_wait3A_23, %dma_wait3A_24] : memref<4x64x128xf32, #tpu.memory_space<vmem>> -> memref<1x64x128xf32, #tpu.memory_space<vmem>>
    %dma_wait3A_26 = tpu.memref_squeeze %dma_wait3A_25 : memref<1x64x128xf32, #tpu.memory_space<vmem>> -> memref<64x128xf32, #tpu.memory_space<vmem>>
    %dma_wait3A_27 = arith.constant 0 : i32
    %dma_wait3A_28 = tpu.memref_slice %arg9[%dma_wait3A_21, %dma_wait3A_27] : memref<4x64xi32, #tpu.memory_space<vmem>> -> memref<1x64xi32, #tpu.memory_space<vmem>>
    %dma_wait3A_29 = tpu.memref_squeeze %dma_wait3A_28 : memref<1x64xi32, #tpu.memory_space<vmem>> -> memref<64xi32, #tpu.memory_space<vmem>>
    %dma_wait3A_30 = arith.constant 0 : i32
    %dma_wait3A_31 = arith.constant 0 : i32
    %dma_wait3A_32 = tpu.memref_slice %arg12[%dma_wait3A_30, %dma_wait3A_31] : memref<10112x128xf32, #tpu.memory_space<vmem_shared>> -> memref<10112x128xf32, #tpu.memory_space<vmem_shared>>
    %dma_wait3A_33 = tpu.memref_slice %arg14[%dma_wait3A_22] : memref<4x!tpu.dma_semaphore, #tpu.memory_space<semaphore_mem>> -> memref<1x!tpu.dma_semaphore, #tpu.memory_space<semaphore_mem>>
    %dma_wait3A_34 = tpu.memref_squeeze %dma_wait3A_33 : memref<1x!tpu.dma_semaphore, #tpu.memory_space<semaphore_mem>> -> memref<!tpu.dma_semaphore, #tpu.memory_space<semaphore_mem>>
    tpu.wait_indirect_dma semaphore(%dma_wait3A_34 : memref<!tpu.dma_semaphore, #tpu.memory_space<semaphore_mem>>) src(%dma_wait3A_26 : memref<64x128xf32, #tpu.memory_space<vmem>>) dst(%dma_wait3A_32 : memref<10112x128xf32, #tpu.memory_space<vmem_shared>>)
    %dma_wait3A_35 = arith.constant 1 : i32
    %dma_wait3A_36 = arith.constant 1 : i32
    %dma_wait3A_37 = arith.constant 1 : i32
    %dma_wait3A_38 = arith.constant 0 : i32
    %dma_wait3A_39 = arith.constant 0 : i32
    %dma_wait3A_40 = tpu.memref_slice %arg10[%dma_wait3A_35, %dma_wait3A_38, %dma_wait3A_39] : memref<4x64x128xf32, #tpu.memory_space<vmem>> -> memref<1x64x128xf32, #tpu.memory_space<vmem>>
    %dma_wait3A_41 = tpu.memref_squeeze %dma_wait3A_40 : memref<1x64x128xf32, #tpu.memory_space<vmem>> -> memref<64x128xf32, #tpu.memory_space<vmem>>
    %dma_wait3A_42 = arith.constant 0 : i32
    %dma_wait3A_43 = tpu.memref_slice %arg9[%dma_wait3A_36, %dma_wait3A_42] : memref<4x64xi32, #tpu.memory_space<vmem>> -> memref<1x64xi32, #tpu.memory_space<vmem>>
    %dma_wait3A_44 = tpu.memref_squeeze %dma_wait3A_43 : memref<1x64xi32, #tpu.memory_space<vmem>> -> memref<64xi32, #tpu.memory_space<vmem>>
    %dma_wait3A_45 = arith.constant 0 : i32
    %dma_wait3A_46 = arith.constant 0 : i32
    %dma_wait3A_47 = tpu.memref_slice %arg12[%dma_wait3A_45, %dma_wait3A_46] : memref<10112x128xf32, #tpu.memory_space<vmem_shared>> -> memref<10112x128xf32, #tpu.memory_space<vmem_shared>>
    %dma_wait3A_48 = tpu.memref_slice %arg14[%dma_wait3A_37] : memref<4x!tpu.dma_semaphore, #tpu.memory_space<semaphore_mem>> -> memref<1x!tpu.dma_semaphore, #tpu.memory_space<semaphore_mem>>
    %dma_wait3A_49 = tpu.memref_squeeze %dma_wait3A_48 : memref<1x!tpu.dma_semaphore, #tpu.memory_space<semaphore_mem>> -> memref<!tpu.dma_semaphore, #tpu.memory_space<semaphore_mem>>
    tpu.wait_indirect_dma semaphore(%dma_wait3A_49 : memref<!tpu.dma_semaphore, #tpu.memory_space<semaphore_mem>>) src(%dma_wait3A_41 : memref<64x128xf32, #tpu.memory_space<vmem>>) dst(%dma_wait3A_47 : memref<10112x128xf32, #tpu.memory_space<vmem_shared>>)
    %dma_wait3A_50 = arith.constant 2 : i32
    %dma_wait3A_51 = arith.constant 2 : i32
    %dma_wait3A_52 = arith.constant 2 : i32
    %dma_wait3A_53 = arith.constant 0 : i32
    %dma_wait3A_54 = arith.constant 0 : i32
    %dma_wait3A_55 = tpu.memref_slice %arg10[%dma_wait3A_50, %dma_wait3A_53, %dma_wait3A_54] : memref<4x64x128xf32, #tpu.memory_space<vmem>> -> memref<1x64x128xf32, #tpu.memory_space<vmem>>
    %dma_wait3A_56 = tpu.memref_squeeze %dma_wait3A_55 : memref<1x64x128xf32, #tpu.memory_space<vmem>> -> memref<64x128xf32, #tpu.memory_space<vmem>>
    %dma_wait3A_57 = arith.constant 0 : i32
    %dma_wait3A_58 = tpu.memref_slice %arg9[%dma_wait3A_51, %dma_wait3A_57] : memref<4x64xi32, #tpu.memory_space<vmem>> -> memref<1x64xi32, #tpu.memory_space<vmem>>
    %dma_wait3A_59 = tpu.memref_squeeze %dma_wait3A_58 : memref<1x64xi32, #tpu.memory_space<vmem>> -> memref<64xi32, #tpu.memory_space<vmem>>
    %dma_wait3A_60 = arith.constant 0 : i32
    %dma_wait3A_61 = arith.constant 0 : i32
    %dma_wait3A_62 = tpu.memref_slice %arg12[%dma_wait3A_60, %dma_wait3A_61] : memref<10112x128xf32, #tpu.memory_space<vmem_shared>> -> memref<10112x128xf32, #tpu.memory_space<vmem_shared>>
    %dma_wait3A_63 = tpu.memref_slice %arg14[%dma_wait3A_52] : memref<4x!tpu.dma_semaphore, #tpu.memory_space<semaphore_mem>> -> memref<1x!tpu.dma_semaphore, #tpu.memory_space<semaphore_mem>>
    %dma_wait3A_64 = tpu.memref_squeeze %dma_wait3A_63 : memref<1x!tpu.dma_semaphore, #tpu.memory_space<semaphore_mem>> -> memref<!tpu.dma_semaphore, #tpu.memory_space<semaphore_mem>>
    tpu.wait_indirect_dma semaphore(%dma_wait3A_64 : memref<!tpu.dma_semaphore, #tpu.memory_space<semaphore_mem>>) src(%dma_wait3A_56 : memref<64x128xf32, #tpu.memory_space<vmem>>) dst(%dma_wait3A_62 : memref<10112x128xf32, #tpu.memory_space<vmem_shared>>)
    %dma_wait3A_65 = arith.constant 3 : i32
    %dma_wait3A_66 = arith.constant 3 : i32
    %dma_wait3A_67 = arith.constant 3 : i32
    %dma_wait3A_68 = arith.constant 0 : i32
    %dma_wait3A_69 = arith.constant 0 : i32
    %dma_wait3A_70 = tpu.memref_slice %arg10[%dma_wait3A_65, %dma_wait3A_68, %dma_wait3A_69] : memref<4x64x128xf32, #tpu.memory_space<vmem>> -> memref<1x64x128xf32, #tpu.memory_space<vmem>>
    %dma_wait3A_71 = tpu.memref_squeeze %dma_wait3A_70 : memref<1x64x128xf32, #tpu.memory_space<vmem>> -> memref<64x128xf32, #tpu.memory_space<vmem>>
    %dma_wait3A_72 = arith.constant 0 : i32
    %dma_wait3A_73 = tpu.memref_slice %arg9[%dma_wait3A_66, %dma_wait3A_72] : memref<4x64xi32, #tpu.memory_space<vmem>> -> memref<1x64xi32, #tpu.memory_space<vmem>>
    %dma_wait3A_74 = tpu.memref_squeeze %dma_wait3A_73 : memref<1x64xi32, #tpu.memory_space<vmem>> -> memref<64xi32, #tpu.memory_space<vmem>>
    %dma_wait3A_75 = arith.constant 0 : i32
    %dma_wait3A_76 = arith.constant 0 : i32
    %dma_wait3A_77 = tpu.memref_slice %arg12[%dma_wait3A_75, %dma_wait3A_76] : memref<10112x128xf32, #tpu.memory_space<vmem_shared>> -> memref<10112x128xf32, #tpu.memory_space<vmem_shared>>
    %dma_wait3A_78 = tpu.memref_slice %arg14[%dma_wait3A_67] : memref<4x!tpu.dma_semaphore, #tpu.memory_space<semaphore_mem>> -> memref<1x!tpu.dma_semaphore, #tpu.memory_space<semaphore_mem>>
    %dma_wait3A_79 = tpu.memref_squeeze %dma_wait3A_78 : memref<1x!tpu.dma_semaphore, #tpu.memory_space<semaphore_mem>> -> memref<!tpu.dma_semaphore, #tpu.memory_space<semaphore_mem>>
    tpu.wait_indirect_dma semaphore(%dma_wait3A_79 : memref<!tpu.dma_semaphore, #tpu.memory_space<semaphore_mem>>) src(%dma_wait3A_71 : memref<64x128xf32, #tpu.memory_space<vmem>>) dst(%dma_wait3A_77 : memref<10112x128xf32, #tpu.memory_space<vmem_shared>>)
    %barrier3A_80 = arith.constant 0 : index
    tpu.barrier barrier_id(%barrier3A_80)
    %scan3A_81 = arith.constant 0 : i32
    %scan3A_82 = arith.constant 0 : i32
    %scan3A_83 = arith.constant 79 : i32
    %scan3A_84 = arith.addi %scan3A_82, %scan3A_83 : i32
    %scan3A_85 = arith.constant 1 : i32
    scf.for %scan3A_87 = %scan3A_82 to %scan3A_84 step %scan3A_85  : i32 {
      %mul3A_88 = arith.constant 8 : i32
      %mul3A_89 = arith.muli %scan3A_87, %mul3A_88 : i32
      %add3A_90 = arith.addi %mul3A_2, %mul3A_89 : i32
      "tpu.region"() ({
        %run_scoped3A = tpu.sem_alloc : memref<!tpu.dma_semaphore, #tpu.memory_space<semaphore_mem>>
        %dma_start3A = arith.constant 0 : i32
        %dma_start3A_94 = tpu.memref_slice %arg12[%add3A_90, %dma_start3A] : memref<10112x128xf32, #tpu.memory_space<vmem_shared>> -> memref<8x128xf32, #tpu.memory_space<vmem_shared>>
        %dma_start3A_95 = arith.constant 0 : i32
        %dma_start3A_96 = tpu.memref_slice %arg12[%add3A_90, %dma_start3A_95] : memref<10112x128xf32, #tpu.memory_space<vmem_shared>> -> memref<8x128xf32, #tpu.memory_space<vmem_shared>>
        tpu.enqueue_dma source(%dma_start3A_96 : memref<8x128xf32, #tpu.memory_space<vmem_shared>>) target(%arg11 : memref<8x128xf32, #tpu.memory_space<vmem>>) target_semaphore(%run_scoped3A : memref<!tpu.dma_semaphore, #tpu.memory_space<semaphore_mem>>)
        %dma_wait3A_97 = arith.constant 0 : i32
        %dma_wait3A_98 = tpu.memref_slice %arg12[%add3A_90, %dma_wait3A_97] : memref<10112x128xf32, #tpu.memory_space<vmem_shared>> -> memref<8x128xf32, #tpu.memory_space<vmem_shared>>
        %dma_wait3A_99 = arith.constant 0 : i32
        %dma_wait3A_100 = tpu.memref_slice %arg12[%add3A_90, %dma_wait3A_99] : memref<10112x128xf32, #tpu.memory_space<vmem_shared>> -> memref<8x128xf32, #tpu.memory_space<vmem_shared>>
        tpu.wait_dma2 semaphore(%run_scoped3A : memref<!tpu.dma_semaphore, #tpu.memory_space<semaphore_mem>>) src(%dma_wait3A_100 : memref<8x128xf32, #tpu.memory_space<vmem_shared>>) dst(%arg11 : memref<8x128xf32, #tpu.memory_space<vmem>>)
        tpu.yield
      }) : () -> ()
      %mul3A_91 = arith.constant 8 : i32
      %mul3A_92 = arith.muli %scan3A_87, %mul3A_91 : i32
      %add3A_93 = arith.addi %mul3A_2, %mul3A_92 : i32
      "tpu.region"() ({
        %run_scoped3A = tpu.sem_alloc : memref<!tpu.dma_semaphore, #tpu.memory_space<semaphore_mem>>
        %dma_start3A = arith.constant 0 : i32
        %dma_start3A_94 = tpu.memref_slice %arg5[%arg0, %add3A_93, %dma_start3A] : memref<2x10112x128xf32, #tpu.memory_space<hbm>> -> memref<1x8x128xf32, #tpu.memory_space<hbm>>
        %dma_start3A_95 = tpu.memref_squeeze %dma_start3A_94 : memref<1x8x128xf32, #tpu.memory_space<hbm>> -> memref<8x128xf32, #tpu.memory_space<hbm>>
        %dma_start3A_96 = arith.constant 0 : i32
        %dma_start3A_97 = tpu.memref_slice %arg5[%arg0, %add3A_93, %dma_start3A_96] : memref<2x10112x128xf32, #tpu.memory_space<hbm>> -> memref<1x8x128xf32, #tpu.memory_space<hbm>>
        %dma_start3A_98 = tpu.memref_squeeze %dma_start3A_97 : memref<1x8x128xf32, #tpu.memory_space<hbm>> -> memref<8x128xf32, #tpu.memory_space<hbm>>
        tpu.enqueue_dma source(%arg11 : memref<8x128xf32, #tpu.memory_space<vmem>>) target(%dma_start3A_98 : memref<8x128xf32, #tpu.memory_space<hbm>>) target_semaphore(%run_scoped3A : memref<!tpu.dma_semaphore, #tpu.memory_space<semaphore_mem>>)
        %dma_wait3A_99 = arith.constant 0 : i32
        %dma_wait3A_100 = tpu.memref_slice %arg5[%arg0, %add3A_93, %dma_wait3A_99] : memref<2x10112x128xf32, #tpu.memory_space<hbm>> -> memref<1x8x128xf32, #tpu.memory_space<hbm>>
        %dma_wait3A_101 = tpu.memref_squeeze %dma_wait3A_100 : memref<1x8x128xf32, #tpu.memory_space<hbm>> -> memref<8x128xf32, #tpu.memory_space<hbm>>
        %dma_wait3A_102 = arith.constant 0 : i32
        %dma_wait3A_103 = tpu.memref_slice %arg5[%arg0, %add3A_93, %dma_wait3A_102] : memref<2x10112x128xf32, #tpu.memory_space<hbm>> -> memref<1x8x128xf32, #tpu.memory_space<hbm>>
        %dma_wait3A_104 = tpu.memref_squeeze %dma_wait3A_103 : memref<1x8x128xf32, #tpu.memory_space<hbm>> -> memref<8x128xf32, #tpu.memory_space<hbm>>
        tpu.wait_dma2 semaphore(%run_scoped3A : memref<!tpu.dma_semaphore, #tpu.memory_space<semaphore_mem>>) src(%arg11 : memref<8x128xf32, #tpu.memory_space<vmem>>) dst(%dma_wait3A_104 : memref<8x128xf32, #tpu.memory_space<hbm>>)
        tpu.yield
      }) : () -> ()
    }
    %scan3A_86 = arith.constant 79 : i32
    return
  }
}

module attributes {stable_mosaic.version = 14 : i64} {
  func.func @_z_body(%arg0: i32, %arg1: memref<1000x128xf32, #tpu.memory_space<vmem>>, %arg2: memref<128x128xf32, #tpu.memory_space<vmem>>, %arg3: memref<1000x128xf32, #tpu.memory_space<vmem>>) attributes {dimension_semantics = [#tpu.dimension_semantics<arbitrary>], iteration_bounds = array<i64: 10>, scalar_prefetch = 0 : i64, scratch_operands = 0 : i64, tpu.core_type = #tpu.core_type<tc>, window_params = [{transform_indices = @transform_0, window_bounds = array<i64: 1000, 128>}, {pipeline_mode = #tpu.pipeline_mode<synchronous>, transform_indices = @transform_1, window_bounds = array<i64: 128, 128>}, {transform_indices = @transform_2, window_bounds = array<i64: 1000, 128>}]} {
    %get3A = arith.constant 0 : index
    %get3A_0 = arith.constant 0 : index
    %get3A_1 = vector.load %arg1[%get3A, %get3A_0] : memref<1000x128xf32, #tpu.memory_space<vmem>>, vector<1000x128xf32>
    %get3A_2 = arith.constant 0 : index
    %get3A_3 = arith.constant 0 : index
    %get3A_4 = vector.load %arg2[%get3A_2, %get3A_3] : memref<128x128xf32, #tpu.memory_space<vmem>>, vector<128x128xf32>
    %dot_general3A = arith.constant dense<0.000000e+00> : vector<1000x128xf32>
    %dot_general3A_5 = tpu.matmul %get3A_1, %get3A_4, %dot_general3A {dimension_numbers = #tpu.dot_dimension_numbers<[1], [0], [0], [1], [0, 0, 1, 1], [], []>, transpose_lhs_hint = false} : vector<1000x128xf32>, vector<128x128xf32>, vector<1000x128xf32> -> vector<1000x128xf32>
    %swap3A = arith.constant 0 : index
    %swap3A_6 = arith.constant 0 : index
    %swap3A_7 = vector.load %arg3[%swap3A, %swap3A_6] : memref<1000x128xf32, #tpu.memory_space<vmem>>, vector<1000x128xf32>
    tpu.vector_store %arg3[%swap3A, %swap3A_6], %dot_general3A_5 {strides = array<i32>} : memref<1000x128xf32, #tpu.memory_space<vmem>>, vector<1000x128xf32>,
    return
  }
  func.func @transform_0(%arg0: i32) -> (i32, i32) {
    %c0_i32 = arith.constant 0 : i32
    %c0_i32_0 = arith.constant 0 : i32
    return %arg0, %c0_i32 : i32, i32
  }
  func.func @transform_1(%arg0: i32) -> (i32, i32) {
    %c0_i32 = arith.constant 0 : i32
    %c0_i32_0 = arith.constant 0 : i32
    %c0_i32_1 = arith.constant 0 : i32
    return %c0_i32, %c0_i32_0 : i32, i32
  }
  func.func @transform_2(%arg0: i32) -> (i32, i32) {
    %c0_i32 = arith.constant 0 : i32
    %c0_i32_0 = arith.constant 0 : i32
    return %arg0, %c0_i32 : i32, i32
  }
}

module attributes {stable_mosaic.version = 14 : i64} {
  func.func @_s_body(%arg0: i32, %arg1: memref<1000x128xf32, #tpu.memory_space<vmem>>, %arg2: memref<128x128xf32, #tpu.memory_space<vmem>>, %arg3: memref<1x128xf32, #tpu.memory_space<vmem>>, %arg4: memref<1000x128xf32, #tpu.memory_space<vmem>>) attributes {dimension_semantics = [#tpu.dimension_semantics<arbitrary>], iteration_bounds = array<i64: 10>, scalar_prefetch = 0 : i64, scratch_operands = 0 : i64, tpu.core_type = #tpu.core_type<tc>, window_params = [{transform_indices = @transform_0, window_bounds = array<i64: 1000, 128>}, {pipeline_mode = #tpu.pipeline_mode<synchronous>, transform_indices = @transform_1, window_bounds = array<i64: 128, 128>}, {pipeline_mode = #tpu.pipeline_mode<synchronous>, transform_indices = @transform_2, window_bounds = array<i64: 1, 128>}, {transform_indices = @transform_3, window_bounds = array<i64: 1000, 128>}]} {
    %get3A = arith.constant 0 : index
    %get3A_0 = arith.constant 0 : index
    %get3A_1 = vector.load %arg1[%get3A, %get3A_0] : memref<1000x128xf32, #tpu.memory_space<vmem>>, vector<1000x128xf32>
    %get3A_2 = arith.constant 0 : index
    %get3A_3 = arith.constant 0 : index
    %get3A_4 = vector.load %arg2[%get3A_2, %get3A_3] : memref<128x128xf32, #tpu.memory_space<vmem>>, vector<128x128xf32>
    %dot_general3A = arith.constant dense<0.000000e+00> : vector<1000x128xf32>
    %dot_general3A_5 = tpu.matmul %get3A_1, %get3A_4, %dot_general3A {dimension_numbers = #tpu.dot_dimension_numbers<[1], [0], [0], [1], [0, 0, 1, 1], [], []>, transpose_lhs_hint = false} : vector<1000x128xf32>, vector<128x128xf32>, vector<1000x128xf32> -> vector<1000x128xf32>
    %get3A_6 = arith.constant 0 : index
    %get3A_7 = arith.constant 0 : index
    %get3A_8 = vector.load %arg3[%get3A_6, %get3A_7] : memref<1x128xf32, #tpu.memory_space<vmem>>, vector<1x128xf32>
    %add3A = vector.broadcast %get3A_8 : vector<1x128xf32> to vector<1000x128xf32>
    %add3A_9 = arith.addf %dot_general3A_5, %add3A : vector<1000x128xf32>
    %swap3A = arith.constant 0 : index
    %swap3A_10 = arith.constant 0 : index
    %swap3A_11 = vector.load %arg4[%swap3A, %swap3A_10] : memref<1000x128xf32, #tpu.memory_space<vmem>>, vector<1000x128xf32>
    tpu.vector_store %arg4[%swap3A, %swap3A_10], %add3A_9 {strides = array<i32>} : memref<1000x128xf32, #tpu.memory_space<vmem>>, vector<1000x128xf32>,
    return
  }
  func.func @transform_0(%arg0: i32) -> (i32, i32) {
    %c0_i32 = arith.constant 0 : i32
    %c0_i32_0 = arith.constant 0 : i32
    return %arg0, %c0_i32 : i32, i32
  }
  func.func @transform_1(%arg0: i32) -> (i32, i32) {
    %c0_i32 = arith.constant 0 : i32
    %c0_i32_0 = arith.constant 0 : i32
    %c0_i32_1 = arith.constant 0 : i32
    return %c0_i32, %c0_i32_0 : i32, i32
  }
  func.func @transform_2(%arg0: i32) -> (i32, i32) {
    %c0_i32 = arith.constant 0 : i32
    %c0_i32_0 = arith.constant 0 : i32
    %c0_i32_1 = arith.constant 0 : i32
    return %c0_i32, %c0_i32_0 : i32, i32
  }
  func.func @transform_3(%arg0: i32) -> (i32, i32) {
    %c0_i32 = arith.constant 0 : i32
    %c0_i32_0 = arith.constant 0 : i32
    return %arg0, %c0_i32 : i32, i32
  }
}

module attributes {stable_mosaic.version = 14 : i64} {
  func.func @_mid_body(%arg0: i32, %arg1: memref<1000x128xf32, #tpu.memory_space<vmem>>, %arg2: memref<2x1000x128xf32, #tpu.memory_space<vmem>>, %arg3: memref<2x1000x1xf32, #tpu.memory_space<vmem>>, %arg4: memref<128x128xf32, #tpu.memory_space<vmem>>, %arg5: memref<1x128xf32, #tpu.memory_space<vmem>>, %arg6: memref<1000x128xf32, #tpu.memory_space<vmem>>) attributes {dimension_semantics = [#tpu.dimension_semantics<arbitrary>], iteration_bounds = array<i64: 10>, scalar_prefetch = 0 : i64, scratch_operands = 0 : i64, tpu.core_type = #tpu.core_type<tc>, window_params = [{transform_indices = @transform_0, window_bounds = array<i64: 1000, 128>}, {transform_indices = @transform_1, window_bounds = array<i64: 2, 1000, 128>}, {transform_indices = @transform_2, window_bounds = array<i64: 2, 1000, 1>}, {pipeline_mode = #tpu.pipeline_mode<synchronous>, transform_indices = @transform_3, window_bounds = array<i64: 128, 128>}, {pipeline_mode = #tpu.pipeline_mode<synchronous>, transform_indices = @transform_4, window_bounds = array<i64: 1, 128>}, {transform_indices = @transform_5, window_bounds = array<i64: 1000, 128>}]} {
    %get3A = arith.constant 0 : index
    %get3A_0 = arith.constant 0 : index
    %get3A_1 = arith.constant 0 : index
    %get3A_2 = vector.load %arg2[%get3A, %get3A_0, %get3A_1] : memref<2x1000x128xf32, #tpu.memory_space<vmem>>, vector<2x1000x128xf32>
    %get3A_3 = arith.constant 0 : index
    %get3A_4 = arith.constant 0 : index
    %get3A_5 = arith.constant 0 : index
    %get3A_6 = vector.load %arg3[%get3A_3, %get3A_4, %get3A_5] : memref<2x1000x1xf32, #tpu.memory_space<vmem>>, vector<2x1000x1xf32>
    %slice3A = vector.extract_strided_slice %get3A_6 {offsets = [0, 0, 0], sizes = [1, 1000, 1], strides = [1, 1, 1]} : vector<2x1000x1xf32> to vector<1x1000x1xf32>
    %squeeze3A = vector.shape_cast %slice3A : vector<1x1000x1xf32> to vector<1000x1xf32>
    %slice3A_7 = vector.extract_strided_slice %get3A_6 {offsets = [1, 0, 0], sizes = [1, 1000, 1], strides = [1, 1, 1]} : vector<2x1000x1xf32> to vector<1x1000x1xf32>
    %squeeze3A_8 = vector.shape_cast %slice3A_7 : vector<1x1000x1xf32> to vector<1000x1xf32>
    %add3A = arith.addf %squeeze3A, %squeeze3A_8 : vector<1000x1xf32>
    %max3A = arith.constant 1.000000e+00 : f32
    %max3A_9 = vector.broadcast %max3A : f32 to vector<1000x1xf32>
    %max3A_10 = arith.maximumf %add3A, %max3A_9 : vector<1000x1xf32>
    %div3A = arith.constant 1.000000e+00 : f32
    %div3A_11 = vector.broadcast %div3A : f32 to vector<1000x1xf32>
    %div3A_12 = arith.divf %div3A_11, %max3A_10 : vector<1000x1xf32>
    %get3A_13 = arith.constant 0 : index
    %get3A_14 = arith.constant 0 : index
    %get3A_15 = vector.load %arg1[%get3A_13, %get3A_14] : memref<1000x128xf32, #tpu.memory_space<vmem>>, vector<1000x128xf32>
    %slice3A_16 = vector.extract_strided_slice %get3A_2 {offsets = [0, 0, 0], sizes = [1, 1000, 128], strides = [1, 1, 1]} : vector<2x1000x128xf32> to vector<1x1000x128xf32>
    %squeeze3A_17 = vector.shape_cast %slice3A_16 : vector<1x1000x128xf32> to vector<1000x128xf32>
    %slice3A_18 = vector.extract_strided_slice %get3A_2 {offsets = [1, 0, 0], sizes = [1, 1000, 128], strides = [1, 1, 1]} : vector<2x1000x128xf32> to vector<1x1000x128xf32>
    %squeeze3A_19 = vector.shape_cast %slice3A_18 : vector<1x1000x128xf32> to vector<1000x128xf32>
    %add3A_20 = arith.addf %squeeze3A_17, %squeeze3A_19 : vector<1000x128xf32>
    %mul3A = vector.broadcast %div3A_12 : vector<1000x1xf32> to vector<1000x128xf32>
    %mul3A_21 = arith.mulf %add3A_20, %mul3A : vector<1000x128xf32>
    %add3A_22 = arith.addf %get3A_15, %mul3A_21 : vector<1000x128xf32>
    %max3A_23 = arith.constant 0.000000e+00 : f32
    %max3A_24 = vector.broadcast %max3A_23 : f32 to vector<1000x128xf32>
    %max3A_25 = arith.maximumf %add3A_22, %max3A_24 : vector<1000x128xf32>
    %get3A_26 = arith.constant 0 : index
    %get3A_27 = arith.constant 0 : index
    %get3A_28 = vector.load %arg4[%get3A_26, %get3A_27] : memref<128x128xf32, #tpu.memory_space<vmem>>, vector<128x128xf32>
    %dot_general3A = arith.constant dense<0.000000e+00> : vector<1000x128xf32>
    %dot_general3A_29 = tpu.matmul %max3A_25, %get3A_28, %dot_general3A {dimension_numbers = #tpu.dot_dimension_numbers<[1], [0], [0], [1], [0, 0, 1, 1], [], []>, transpose_lhs_hint = false} : vector<1000x128xf32>, vector<128x128xf32>, vector<1000x128xf32> -> vector<1000x128xf32>
    %swap3A = arith.constant 0 : index
    %swap3A_30 = arith.constant 0 : index
    %swap3A_31 = vector.load %arg6[%swap3A, %swap3A_30] : memref<1000x128xf32, #tpu.memory_space<vmem>>, vector<1000x128xf32>
    tpu.vector_store %arg6[%swap3A, %swap3A_30], %dot_general3A_29 {strides = array<i32>} : memref<1000x128xf32, #tpu.memory_space<vmem>>, vector<1000x128xf32>,
    return
  }
  func.func @transform_0(%arg0: i32) -> (i32, i32) {
    %c0_i32 = arith.constant 0 : i32
    %c0_i32_0 = arith.constant 0 : i32
    return %arg0, %c0_i32 : i32, i32
  }
  func.func @transform_1(%arg0: i32) -> (i32, i32, i32) {
    %c0_i32 = arith.constant 0 : i32
    %c0_i32_0 = arith.constant 0 : i32
    %c0_i32_1 = arith.constant 0 : i32
    return %c0_i32, %arg0, %c0_i32_0 : i32, i32, i32
  }
  func.func @transform_2(%arg0: i32) -> (i32, i32, i32) {
    %c0_i32 = arith.constant 0 : i32
    %c0_i32_0 = arith.constant 0 : i32
    %c0_i32_1 = arith.constant 0 : i32
    return %c0_i32, %arg0, %c0_i32_0 : i32, i32, i32
  }
  func.func @transform_3(%arg0: i32) -> (i32, i32) {
    %c0_i32 = arith.constant 0 : i32
    %c0_i32_0 = arith.constant 0 : i32
    %c0_i32_1 = arith.constant 0 : i32
    return %c0_i32, %c0_i32_0 : i32, i32
  }
  func.func @transform_4(%arg0: i32) -> (i32, i32) {
    %c0_i32 = arith.constant 0 : i32
    %c0_i32_0 = arith.constant 0 : i32
    %c0_i32_1 = arith.constant 0 : i32
    return %c0_i32, %c0_i32_0 : i32, i32
  }
  func.func @transform_5(%arg0: i32) -> (i32, i32) {
    %c0_i32 = arith.constant 0 : i32
    %c0_i32_0 = arith.constant 0 : i32
    return %arg0, %c0_i32 : i32, i32
  }
}

module attributes {stable_mosaic.version = 14 : i64} {
  func.func @_mid_body(%arg0: i32, %arg1: memref<1000x128xf32, #tpu.memory_space<vmem>>, %arg2: memref<2x1000x128xf32, #tpu.memory_space<vmem>>, %arg3: memref<2x1000x1xf32, #tpu.memory_space<vmem>>, %arg4: memref<128x128xf32, #tpu.memory_space<vmem>>, %arg5: memref<1x128xf32, #tpu.memory_space<vmem>>, %arg6: memref<1000x128xf32, #tpu.memory_space<vmem>>) attributes {dimension_semantics = [#tpu.dimension_semantics<arbitrary>], iteration_bounds = array<i64: 10>, scalar_prefetch = 0 : i64, scratch_operands = 0 : i64, tpu.core_type = #tpu.core_type<tc>, window_params = [{transform_indices = @transform_0, window_bounds = array<i64: 1000, 128>}, {transform_indices = @transform_1, window_bounds = array<i64: 2, 1000, 128>}, {transform_indices = @transform_2, window_bounds = array<i64: 2, 1000, 1>}, {pipeline_mode = #tpu.pipeline_mode<synchronous>, transform_indices = @transform_3, window_bounds = array<i64: 128, 128>}, {pipeline_mode = #tpu.pipeline_mode<synchronous>, transform_indices = @transform_4, window_bounds = array<i64: 1, 128>}, {transform_indices = @transform_5, window_bounds = array<i64: 1000, 128>}]} {
    %get3A = arith.constant 0 : index
    %get3A_0 = arith.constant 0 : index
    %get3A_1 = arith.constant 0 : index
    %get3A_2 = vector.load %arg2[%get3A, %get3A_0, %get3A_1] : memref<2x1000x128xf32, #tpu.memory_space<vmem>>, vector<2x1000x128xf32>
    %get3A_3 = arith.constant 0 : index
    %get3A_4 = arith.constant 0 : index
    %get3A_5 = arith.constant 0 : index
    %get3A_6 = vector.load %arg3[%get3A_3, %get3A_4, %get3A_5] : memref<2x1000x1xf32, #tpu.memory_space<vmem>>, vector<2x1000x1xf32>
    %slice3A = vector.extract_strided_slice %get3A_6 {offsets = [0, 0, 0], sizes = [1, 1000, 1], strides = [1, 1, 1]} : vector<2x1000x1xf32> to vector<1x1000x1xf32>
    %squeeze3A = vector.shape_cast %slice3A : vector<1x1000x1xf32> to vector<1000x1xf32>
    %slice3A_7 = vector.extract_strided_slice %get3A_6 {offsets = [1, 0, 0], sizes = [1, 1000, 1], strides = [1, 1, 1]} : vector<2x1000x1xf32> to vector<1x1000x1xf32>
    %squeeze3A_8 = vector.shape_cast %slice3A_7 : vector<1x1000x1xf32> to vector<1000x1xf32>
    %add3A = arith.addf %squeeze3A, %squeeze3A_8 : vector<1000x1xf32>
    %max3A = arith.constant 1.000000e+00 : f32
    %max3A_9 = vector.broadcast %max3A : f32 to vector<1000x1xf32>
    %max3A_10 = arith.maximumf %add3A, %max3A_9 : vector<1000x1xf32>
    %div3A = arith.constant 1.000000e+00 : f32
    %div3A_11 = vector.broadcast %div3A : f32 to vector<1000x1xf32>
    %div3A_12 = arith.divf %div3A_11, %max3A_10 : vector<1000x1xf32>
    %get3A_13 = arith.constant 0 : index
    %get3A_14 = arith.constant 0 : index
    %get3A_15 = vector.load %arg1[%get3A_13, %get3A_14] : memref<1000x128xf32, #tpu.memory_space<vmem>>, vector<1000x128xf32>
    %slice3A_16 = vector.extract_strided_slice %get3A_2 {offsets = [0, 0, 0], sizes = [1, 1000, 128], strides = [1, 1, 1]} : vector<2x1000x128xf32> to vector<1x1000x128xf32>
    %squeeze3A_17 = vector.shape_cast %slice3A_16 : vector<1x1000x128xf32> to vector<1000x128xf32>
    %slice3A_18 = vector.extract_strided_slice %get3A_2 {offsets = [1, 0, 0], sizes = [1, 1000, 128], strides = [1, 1, 1]} : vector<2x1000x128xf32> to vector<1x1000x128xf32>
    %squeeze3A_19 = vector.shape_cast %slice3A_18 : vector<1x1000x128xf32> to vector<1000x128xf32>
    %add3A_20 = arith.addf %squeeze3A_17, %squeeze3A_19 : vector<1000x128xf32>
    %mul3A = vector.broadcast %div3A_12 : vector<1000x1xf32> to vector<1000x128xf32>
    %mul3A_21 = arith.mulf %add3A_20, %mul3A : vector<1000x128xf32>
    %add3A_22 = arith.addf %get3A_15, %mul3A_21 : vector<1000x128xf32>
    %max3A_23 = arith.constant 0.000000e+00 : f32
    %max3A_24 = vector.broadcast %max3A_23 : f32 to vector<1000x128xf32>
    %max3A_25 = arith.maximumf %add3A_22, %max3A_24 : vector<1000x128xf32>
    %get3A_26 = arith.constant 0 : index
    %get3A_27 = arith.constant 0 : index
    %get3A_28 = vector.load %arg4[%get3A_26, %get3A_27] : memref<128x128xf32, #tpu.memory_space<vmem>>, vector<128x128xf32>
    %dot_general3A = arith.constant dense<0.000000e+00> : vector<1000x128xf32>
    %dot_general3A_29 = tpu.matmul %max3A_25, %get3A_28, %dot_general3A {dimension_numbers = #tpu.dot_dimension_numbers<[1], [0], [0], [1], [0, 0, 1, 1], [], []>, transpose_lhs_hint = false} : vector<1000x128xf32>, vector<128x128xf32>, vector<1000x128xf32> -> vector<1000x128xf32>
    %get3A_30 = arith.constant 0 : index
    %get3A_31 = arith.constant 0 : index
    %get3A_32 = vector.load %arg5[%get3A_30, %get3A_31] : memref<1x128xf32, #tpu.memory_space<vmem>>, vector<1x128xf32>
    %add3A_33 = vector.broadcast %get3A_32 : vector<1x128xf32> to vector<1000x128xf32>
    %add3A_34 = arith.addf %dot_general3A_29, %add3A_33 : vector<1000x128xf32>
    %swap3A = arith.constant 0 : index
    %swap3A_35 = arith.constant 0 : index
    %swap3A_36 = vector.load %arg6[%swap3A, %swap3A_35] : memref<1000x128xf32, #tpu.memory_space<vmem>>, vector<1000x128xf32>
    tpu.vector_store %arg6[%swap3A, %swap3A_35], %add3A_34 {strides = array<i32>} : memref<1000x128xf32, #tpu.memory_space<vmem>>, vector<1000x128xf32>,
    return
  }
  func.func @transform_0(%arg0: i32) -> (i32, i32) {
    %c0_i32 = arith.constant 0 : i32
    %c0_i32_0 = arith.constant 0 : i32
    return %arg0, %c0_i32 : i32, i32
  }
  func.func @transform_1(%arg0: i32) -> (i32, i32, i32) {
    %c0_i32 = arith.constant 0 : i32
    %c0_i32_0 = arith.constant 0 : i32
    %c0_i32_1 = arith.constant 0 : i32
    return %c0_i32, %arg0, %c0_i32_0 : i32, i32, i32
  }
  func.func @transform_2(%arg0: i32) -> (i32, i32, i32) {
    %c0_i32 = arith.constant 0 : i32
    %c0_i32_0 = arith.constant 0 : i32
    %c0_i32_1 = arith.constant 0 : i32
    return %c0_i32, %arg0, %c0_i32_0 : i32, i32, i32
  }
  func.func @transform_3(%arg0: i32) -> (i32, i32) {
    %c0_i32 = arith.constant 0 : i32
    %c0_i32_0 = arith.constant 0 : i32
    %c0_i32_1 = arith.constant 0 : i32
    return %c0_i32, %c0_i32_0 : i32, i32
  }
  func.func @transform_4(%arg0: i32) -> (i32, i32) {
    %c0_i32 = arith.constant 0 : i32
    %c0_i32_0 = arith.constant 0 : i32
    %c0_i32_1 = arith.constant 0 : i32
    return %c0_i32, %c0_i32_0 : i32, i32
  }
  func.func @transform_5(%arg0: i32) -> (i32, i32) {
    %c0_i32 = arith.constant 0 : i32
    %c0_i32_0 = arith.constant 0 : i32
    return %arg0, %c0_i32 : i32, i32
  }
}

module attributes {stable_mosaic.version = 14 : i64} {
  func.func @_fin_body(%arg0: i32, %arg1: memref<1000x128xf32, #tpu.memory_space<vmem>>, %arg2: memref<2x1000x128xf32, #tpu.memory_space<vmem>>, %arg3: memref<2x1000x1xf32, #tpu.memory_space<vmem>>, %arg4: memref<1000x128xf32, #tpu.memory_space<vmem>>) attributes {dimension_semantics = [#tpu.dimension_semantics<arbitrary>], iteration_bounds = array<i64: 10>, scalar_prefetch = 0 : i64, scratch_operands = 0 : i64, tpu.core_type = #tpu.core_type<tc>, window_params = [{transform_indices = @transform_0, window_bounds = array<i64: 1000, 128>}, {transform_indices = @transform_1, window_bounds = array<i64: 2, 1000, 128>}, {transform_indices = @transform_2, window_bounds = array<i64: 2, 1000, 1>}, {transform_indices = @transform_3, window_bounds = array<i64: 1000, 128>}]} {
    %get3A = arith.constant 0 : index
    %get3A_0 = arith.constant 0 : index
    %get3A_1 = arith.constant 0 : index
    %get3A_2 = vector.load %arg2[%get3A, %get3A_0, %get3A_1] : memref<2x1000x128xf32, #tpu.memory_space<vmem>>, vector<2x1000x128xf32>
    %get3A_3 = arith.constant 0 : index
    %get3A_4 = arith.constant 0 : index
    %get3A_5 = arith.constant 0 : index
    %get3A_6 = vector.load %arg3[%get3A_3, %get3A_4, %get3A_5] : memref<2x1000x1xf32, #tpu.memory_space<vmem>>, vector<2x1000x1xf32>
    %slice3A = vector.extract_strided_slice %get3A_6 {offsets = [0, 0, 0], sizes = [1, 1000, 1], strides = [1, 1, 1]} : vector<2x1000x1xf32> to vector<1x1000x1xf32>
    %squeeze3A = vector.shape_cast %slice3A : vector<1x1000x1xf32> to vector<1000x1xf32>
    %slice3A_7 = vector.extract_strided_slice %get3A_6 {offsets = [1, 0, 0], sizes = [1, 1000, 1], strides = [1, 1, 1]} : vector<2x1000x1xf32> to vector<1x1000x1xf32>
    %squeeze3A_8 = vector.shape_cast %slice3A_7 : vector<1x1000x1xf32> to vector<1000x1xf32>
    %add3A = arith.addf %squeeze3A, %squeeze3A_8 : vector<1000x1xf32>
    %max3A = arith.constant 1.000000e+00 : f32
    %max3A_9 = vector.broadcast %max3A : f32 to vector<1000x1xf32>
    %max3A_10 = arith.maximumf %add3A, %max3A_9 : vector<1000x1xf32>
    %div3A = arith.constant 1.000000e+00 : f32
    %div3A_11 = vector.broadcast %div3A : f32 to vector<1000x1xf32>
    %div3A_12 = arith.divf %div3A_11, %max3A_10 : vector<1000x1xf32>
    %get3A_13 = arith.constant 0 : index
    %get3A_14 = arith.constant 0 : index
    %get3A_15 = vector.load %arg1[%get3A_13, %get3A_14] : memref<1000x128xf32, #tpu.memory_space<vmem>>, vector<1000x128xf32>
    %slice3A_16 = vector.extract_strided_slice %get3A_2 {offsets = [0, 0, 0], sizes = [1, 1000, 128], strides = [1, 1, 1]} : vector<2x1000x128xf32> to vector<1x1000x128xf32>
    %squeeze3A_17 = vector.shape_cast %slice3A_16 : vector<1x1000x128xf32> to vector<1000x128xf32>
    %slice3A_18 = vector.extract_strided_slice %get3A_2 {offsets = [1, 0, 0], sizes = [1, 1000, 128], strides = [1, 1, 1]} : vector<2x1000x128xf32> to vector<1x1000x128xf32>
    %squeeze3A_19 = vector.shape_cast %slice3A_18 : vector<1x1000x128xf32> to vector<1000x128xf32>
    %add3A_20 = arith.addf %squeeze3A_17, %squeeze3A_19 : vector<1000x128xf32>
    %mul3A = vector.broadcast %div3A_12 : vector<1000x1xf32> to vector<1000x128xf32>
    %mul3A_21 = arith.mulf %add3A_20, %mul3A : vector<1000x128xf32>
    %add3A_22 = arith.addf %get3A_15, %mul3A_21 : vector<1000x128xf32>
    %swap3A = arith.constant 0 : index
    %swap3A_23 = arith.constant 0 : index
    %swap3A_24 = vector.load %arg4[%swap3A, %swap3A_23] : memref<1000x128xf32, #tpu.memory_space<vmem>>, vector<1000x128xf32>
    tpu.vector_store %arg4[%swap3A, %swap3A_23], %add3A_22 {strides = array<i32>} : memref<1000x128xf32, #tpu.memory_space<vmem>>, vector<1000x128xf32>,
    return
  }
  func.func @transform_0(%arg0: i32) -> (i32, i32) {
    %c0_i32 = arith.constant 0 : i32
    %c0_i32_0 = arith.constant 0 : i32
    return %arg0, %c0_i32 : i32, i32
  }
  func.func @transform_1(%arg0: i32) -> (i32, i32, i32) {
    %c0_i32 = arith.constant 0 : i32
    %c0_i32_0 = arith.constant 0 : i32
    %c0_i32_1 = arith.constant 0 : i32
    return %c0_i32, %arg0, %c0_i32_0 : i32, i32, i32
  }
  func.func @transform_2(%arg0: i32) -> (i32, i32, i32) {
    %c0_i32 = arith.constant 0 : i32
    %c0_i32_0 = arith.constant 0 : i32
    %c0_i32_1 = arith.constant 0 : i32
    return %c0_i32, %arg0, %c0_i32_0 : i32, i32, i32
  }
  func.func @transform_3(%arg0: i32) -> (i32, i32) {
    %c0_i32 = arith.constant 0 : i32
    %c0_i32_0 = arith.constant 0 : i32
    return %arg0, %c0_i32 : i32, i32
  }
}

</mosaic_0001>

<sc_bundles>
// kernel: kernel.12.cloned.1.call-start
scs
__scs_entry_jumppad:
0x0: {  	(pc) =	sbr.rel $0x88, $3  }
0x1: {  	(tag) =	ssettag $0x0;
	lr =	simm.s32 $0x1  }
0x2: {  	[smem:$0x3F99] =	sst lr;
	_ =	strace $0xD0000000  }
0x3: {  	_ = 	snop  }
0x4: {  	_ = 	snop  }
0x5: {  	_ = 	snop  }
0x6: {  	_ = 	snop  }
0x7: {  	_ = 	snop  }
__scs_overlays_trampoline_lowered:
0x8: {  	[smem:$0x3FA8] =	sst s0  }
0x9: {  	[smem:$0x3FA9] =	sst s1  }
0xa: {  	[smem:$0x3FAA] =	sst s2  }
0xb: {  	[smem:$0x3FAB] =	sst s3  }
0xc: {  	[smem:$0x3FAC] =	sst s4  }
0xd: {  	[smem:$0x3FAD] =	sst s5  }
0xe: {  	[smem:$0x3FAE] =	sst s6  }
0xf: {  	[smem:$0x3FAF] =	sst s7  }
0x10: {  	[smem:$0x3FB0] =	sst s8  }
0x11: {  	[smem:$0x3FB1] =	sst s9;
	s0 =	simm.s32 @!p0 $0x0  }
0x12: {  	s1 =	sld [smem:$0x3F97];
	s0 =	simm.s32 @p0 $0x1  }
0x13: {  	[smem:$0x3FB2] =	sst s0;
	s0 =	simm.s32 @!p1 $0x0  }
0x14: {  	s2 =	sld [smem:$0x3F96];
	s0 =	simm.s32 @p1 $0x1  }
0x15: {  	[smem:$0x3FB3] =	sst s0;
	s0 =	simm.s32 @!p2 $0x0  }
0x16: {  	s3 =	sld [smem:$0x3FDB];
	s0 =	simm.s32 @p2 $0x1  }
0x17: {  	s4 =	simm.s32 $0x1BF5;
	[smem:$0x3FB5] =	sst s0  }
0x18: {  	s0 =	sld [smem:$0x3F98];
	_ =	swait.ge [sflag:s4], $0x0  }
0x19: {  	s7 =	sld [smem:$0x3F99]  }
0x1a: {  	s8 =	sadd.s32 $0xFFFFE003, lr  }
0x1b: {  	s9 =	sadd.s32 $0xFFFFFEF7, lr;
	s5 =	simm.s32 $0xFFFFFFFF;
	p2 =	slt.u32 s8, $0xFFFFF086  }
0x1c: {  	p1 =	slt.u32 s9, $0xF7A;
	s5 =	simm.s32 @!p2 $0x0  }
0x1d: {  	s5 =	simm.s32 @p1 $0x1;
	p0 =	seq.s32 s7, s2  }
0x1e: {  	s7 =	smul.u32 @!p0 $0xF7A, s2;
	p2 =	seq.s32 @!p0 s5, $0x0  }
0x1f: {  	s9 =	smul.u32 $0xF7A, s1;
	s8 =	simm.s32 @!p0 $0x1BF5;
	p2 =	por !p2, p0  }
0x20: {  	[sflag:s8] =	ssyncset.s32 @!p0 $0xFFFFF086;
	s6 =	sadd.s32 @!p0 s3, s7;
	s7 =	simm.s32 @!p0 $0x108  }
0x21: {  	s3 =	sadd.s32 s3, s9;
	s6 =	sadd.s32 @!p0 $0x88, s6;
	s7 =	simm.s32 @p2 $0x1082  }
0x22: {  	[simem:s7], [sflag:s8] =	dma.local @!p0 [hbm:s6], $0xF7A  }
0x23: {  	s9 =	sor.u32 $0xD0000000, s2;
	s6 =	simm.s32 $0x108;
	_ =	swait.ge @!p0 [sflag:s8], $0x0  }
0x24: {  	s3 =	sadd.s32 $0x88, s3;
	s6 =	simm.s32 @!p1 $0x1082;
	[sflag:s4] =	ssyncset.s32 $0xFFFFF086  }
0x25: {  	[simem:s6], [sflag:s4] =	dma.local [hbm:s3], $0xF7A  }
0x26: {  	[smem:$0x3F99] =	sst s1;
	(tag) =	ssettag s2;
	_ =	strace s9  }
0x27: {  	s1 =	sld [smem:$0x3FA9]  }
0x28: {  	s2 =	sld [smem:$0x3FAA]  }
0x29: {  	s4 =	sld [smem:$0x3FAC]  }
0x2a: {  	p0 =	seq.s32 s5, $0x0;
	s5 =	sld [smem:$0x3FAD]  }
0x2b: {  	s6 =	sld [smem:$0x3FAE]  }
0x2c: {  	s7 =	sld [smem:$0x3FAF]  }
0x2d: {  	s3 =	simm.s32 $0x108;
	s8 =	sld [smem:$0x3FB0]  }
0x2e: {  	s3 =	simm.s32 @!p0 $0x1082;
	s9 =	sld [smem:$0x3FB1]  }
0x2f: {  	lr =	sadd.s32 s0, s3;
	s0 =	sld [smem:$0x3FA8]  }
0x30: {  	s3 =	sld [smem:$0x3FAB]  }
0x31: {  	[smem:$0x3FB4] =	sst s10  }
0x32: {  	s10 =	sld [smem:$0x3FB2];
	_ =	sdelay $0x3  }
0x33: {  	p0 =	seq.s32 s10, $0x1;
	s10 =	sld [smem:$0x3FB4];
	_ =	sdelay $0x3  }
0x34: {  	[smem:$0x3FB4] =	sst s10  }
0x35: {  	s10 =	sld [smem:$0x3FB3];
	_ =	sdelay $0x3  }
0x36: {  	p1 =	seq.s32 s10, $0x1;
	s10 =	sld [smem:$0x3FB4];
	_ =	sdelay $0x3  }
0x37: {  	[smem:$0x3FB4] =	sst s10  }
0x38: {  	s10 =	sld [smem:$0x3FB5]  }
0x39: {  	_ = 	snop;
	(pc) =	sbr.ind lr, $3  }
0x3a: {  	_ = 	snop  }
0x3b: {  	_ = 	snop  }
0x3c: {  	p2 =	seq.s32 s10, $0x1;
	s10 =	sld [smem:$0x3FB4]  }
0x3d: {  	_ =	shalt  }
0x3e: {  	_ =	shalt  }
0x3f: {  	_ =	shalt  }
0x40: {  	_ =	shalt  }
0x41: {  	_ =	shalt  }
0x42: {  	_ =	shalt  }
0x43: {  	_ =	shalt  }
0x44: {  	_ =	shalt  }
0x45: {  	_ =	shalt  }
0x46: {  	_ =	shalt  }
0x47: {  	_ =	shalt  }
0x48: {  	_ =	shalt  }
0x49: {  	_ =	shalt  }
0x4a: {  	_ =	shalt  }
0x4b: {  	_ =	shalt  }
0x4c: {  	_ =	shalt  }
0x4d: {  	_ =	shalt  }
0x4e: {  	_ =	shalt  }
0x4f: {  	_ =	shalt  }
0x50: {  	_ =	shalt  }
0x51: {  	_ =	shalt  }
0x52: {  	_ =	shalt  }
0x53: {  	_ =	shalt  }
0x54: {  	_ =	shalt  }
0x55: {  	_ =	shalt  }
0x56: {  	_ =	shalt  }
0x57: {  	_ =	shalt  }
0x58: {  	_ =	shalt  }
0x59: {  	_ =	shalt  }
0x5a: {  	_ =	shalt  }
0x5b: {  	_ =	shalt  }
0x5c: {  	_ =	shalt  }
0x5d: {  	_ =	shalt  }
0x5e: {  	_ =	shalt  }
0x5f: {  	_ =	shalt  }
0x60: {  	_ =	shalt  }
0x61: {  	_ =	shalt  }
0x62: {  	_ =	shalt  }
0x63: {  	_ =	shalt  }
0x64: {  	_ =	shalt  }
0x65: {  	_ =	shalt  }
0x66: {  	_ =	shalt  }
0x67: {  	_ =	shalt  }
0x68: {  	_ =	shalt  }
0x69: {  	_ =	shalt  }
0x6a: {  	_ =	shalt  }
0x6b: {  	_ =	shalt  }
0x6c: {  	_ =	shalt  }
0x6d: {  	_ =	shalt  }
0x6e: {  	_ =	shalt  }
0x6f: {  	_ =	shalt  }
0x70: {  	_ =	shalt  }
0x71: {  	_ =	shalt  }
0x72: {  	_ =	shalt  }
0x73: {  	_ =	shalt  }
0x74: {  	_ =	shalt  }
0x75: {  	_ =	shalt  }
0x76: {  	_ =	shalt  }
0x77: {  	_ =	shalt  }
0x78: {  	_ =	shalt  }
0x79: {  	_ =	shalt  }
0x7a: {  	_ =	shalt  }
0x7b: {  	_ =	shalt  }
0x7c: {  	_ =	shalt  }
0x7d: {  	_ =	shalt  }
0x7e: {  	_ =	shalt  }
0x7f: {  	_ =	shalt  }
0x80: {  	_ =	shalt  }
0x81: {  	_ =	shalt  }
0x82: {  	_ =	shalt  }
0x83: {  	_ =	shalt  }
0x84: {  	_ =	shalt  }
0x85: {  	_ =	shalt  }
0x86: {  	_ =	shalt  }
0x87: {  	_ =	shalt  }
.Lfunc_end0:
.L_simem_size_0:
called_computation.1_lowered:
.L_overlay_start_0:
0x88: {  	s2 =	sld [smem:$0x3FD9]  }
0x89: {  	s3 =	sld [smem:$0x3FFE];
	_ =	sdelay $0x1  }
0x8a: {  	s1 =	srdreg.scid  }
0x8b: {  	s0 =	sand.u32 $0x1, s1  }
0x8c: {  	s17 =	sshll.u32 s0, $0xA;
	s2 =	sadd.s32 s3, s2  }
0x8d: {  	s2 =	sadd.s32 s2, s17  }
0x8e: {  	[smem:$0x3FC0] =	sst s2  }
0x8f: {  	_ = 	snop  }
0x90: {  	s2 =	sld [smem:$0x3FD0];
	(tm) =	ssettm $0x1  }
0x91: {  	s18 =	sld [smem:$0x3FFB];
	_ =	sdelay $0x3  }
0x92: {  	_ =	strace s18  }
0x93: {  	s3 =	sld [smem:$0x3FFC];
	_ =	sdelay $0x3  }
0x94: {  	_ =	strace s3  }
0x95: {  	s3 =	sld [smem:$0x3FFD];
	_ =	sdelay $0x3  }
0x96: {  	_ =	strace s3  }
0x97: {  	_ =	strace $0x8FFFFFFF  }
0x98: {  	s19 =	sld [smem:$0x3FDB];
	_ =	sdelay $0x1  }
0x99: {  	s4 =	simm.s32 $_scs_section_size  }
0x9a: {  	s5 =	simm.s32 $_size__tile_overlayer_lowered;
	s6 =	simm.s32 $_tile_overlayer_lowered  }
0x9b: {  	s22 =	simm.s32 $0x1BFF;
	s21 =	sshll.u32 s6, $0x1;
	s3 =	sadd.s32 s4, s19  }
0x9c: {  	s7 =	simm.s32 $0x0;
	s20 =	sshll.u32 s5, $0x1;
	s5 =	sadd.s32 s21, s3  }
0x9d: {  	[timem:s7], [sflag:s22] =	dma.local [hbm:s5], s20  }
0x9e: {  	_ =	swait.ge [sflag:s22], s20  }
0x9f: {  	s4 =	ssub.s32 $0x0, s20;
	[sflag:s22] =	ssyncset.done $0x0  }
0xa0: {  	[sflag:s22] =	ssyncadd.s32 s4;
	_ =	sdelay $0x1  }
0xa1: {  	s23 =	simm.s32 $0x1B8B  }
0xa2: {  	_ =	swait.ge [sflag:s23], $0x1  }
0xa3: {  	[sflag:s23] =	ssyncset.done $0x0  }
0xa4: {  	s25 =	simm.s32 $0x1B8E;
	s24 =	sld [smem:$0x3FFE];
	[sflag:s23] =	ssyncadd.s32 $0xFFFFFFFF  }
0xa5: {  	s26 =	simm.s32 $execute0_lowered;
	[smem:$0x3FD2] =	sst s25  }
0xa6: {  	s5 =	sshll.u32 s26, $0x1;
	_ =	strace $0x80000049;
	[dreg:$0x1] =	wrdreg $0xFFFFFFFF  }
0xa7: {  	s28 =	simm.s32 $_size_execute0_lowered;
	s3 =	sadd.s32 s3, s5;
	[dreg:$0x0] =	wrdreg $0x0  }
0xa8: {  	s5 =	sshll.u32 s28, $0x1;
	[dreg:$0x2] =	wrdreg s3  }
0xa9: {  	[dreg:$0x3] =	wrdreg s5  }
0xaa: {  	[dreg:$0x4] =	wrdreg $0xC0  }
0xab: {  	_ =	task [dreg:s7], $0x5FFFF  }
0xac: {  	[dreg:$0x1] =	wrdreg $0xFFFFFFFF  }
0xad: {  	[dreg:$0x0] =	wrdreg $0x60  }
0xae: {  	[dreg:$0x2] =	wrdreg s2  }
0xaf: {  	[dreg:$0x3] =	wrdreg s24  }
0xb0: {  	[dreg:$0x4] =	wrdreg $0xB0000  }
0xb1: {  	[dreg:$0x5] =	wrdreg $0x9  }
0xb2: {  	_ =	task.clear_ibuf [dreg:s7], $0x6FFFF;
	_ =	strace $0x90000049  }
0xb3: {  	s29 =	simm.s32 $0x9;
	_ =	strace $0x8000004B  }
0xb4: {  	_ =	swait.ge [sflag:s29], $0x1  }
0xb5: {  	[sflag:s29] =	ssyncadd.s32 $0xFFFFFFFF  }
0xb6: {  	_ =	strace $0x9000004B  }
0xb7: {  	_ =	sfence  }
0xb8: {  	s30 =	sld [smem:$0x0];
	_ =	sdelay $0x2  }
0xb9: {  	s31 =	sshll.u32 s1, $0xD;
	s1 =	sshrl.u32 s1, $0x2  }
0xba: {  	s3 =	sand.u32 $0x4000, s31;
	s1 =	sadd.s32 s1, s30  }
0xbb: {  	s0 =	sor.u32 s3, s0;
	s1 =	sshll.u32 s1, $0x11  }
0xbc: {  	s0 =	sor.u32 s1, s0  }
0xbd: {  	s0 =	sadd.s32 $0x8F2B, s0  }
0xbe: {  	[sflag:s0] =	ssyncadd.remote.s32 $0x1  }
0xbf: {  	_ =	sfence.sel $0xFFFF  }
0xc0: {  	[dreg:$0x0] =	wrdreg $0xFFFFFFFF;
	(pc) =	sbr.abs _section_cstart, $3  }
0xc1: {  	[dreg:$0x1] =	wrdreg $0xFFFFFFFF  }
0xc2: {  	_ =	task.clear_ibuf [dreg:s7], $0x2FFFF;
	_ =	strace $0x9FFFFFFF  }
0xc3: {  	(tm) =	ssettm $0x7FFFFFFF  }
tec
execute0_lowered:
.L_overlay_start_1:
0x0: {  	(tag) =	ssettag $0x1  }
0x1: {  	s1 =	rddreg [dreg:$0x0]  }
0x2: {  	s0 =	rddreg [dreg:$0x1]  }
0x3: {  	s2 =	rddreg [dreg:$0x2]  }
0x4: {  	s3 =	srdreg.scid;
	s4 =	simm.s32 $0x0;
	s8 =	stileid.u32  }
0x5: {  	s10 =	simm.s32 $0xAC00;
	s11 =	simm.s32 $0x9;
	s13 =	simm.s32 $0x40  }
0x6: {  	s14 =	simm.s32 $0x2800;
	s15 =	simm.s32 $0x2C00;
	s16 =	simm.s32 $0x2880  }
0x7: {  	s17 =	simm.s32 $0x4C00;
	s18 =	simm.s32 $0x2900;
	s19 =	simm.s32 $0x6C00  }
0x8: {  	s20 =	simm.s32 $0x2980;
	s28 =	simm.s32 $0x2B00;
	s29 =	simm.s32 $0x4  }
0x9: {  	s30 =	simm.s32 $0x2B80;
	s12 =	simm.s32 $0x8;
	s7 =	smul.u32 $0x13C00, s8  }
0xa: {  	s3 =	sand.u32 $0x1, s3;
	[smem:$0x7FF] =	sst s4;
	s21 =	smul.u32 $0x4F000, s8  }
0xb: {  	s5 =	sshll.u32 s3, $0x4;
	s6 =	smul.u32 $0x13C000, s3;
	s3 =	ssub.s32 $0x2, s3  }
0xc: {  	_ =	strace $0x8000004A;
	s5 =	sor.u32 s8, s5;
	s24 =	sshrl.u32 s3, $0x1  }
0xd: {  	s25 =	sshrl.u32 s21, $0x2;
	s21 =	simm.s32 $0x8C00;
	s5 =	smul.u32 $0x280, s5  }
0xe: {  	s6 =	sadd.s32 s7, s6;
	s3 =	ssub.s32 s3, s24;
	s24 =	simm.s32 $0x2  }
0xf: {  	s23 =	sshrl.u32 s6, $0x3;
	s3 =	smax.u32 s3, $0x1;
	s6 =	simm.s32 $0x0  }
0x10: {  	s22 =	sadd.s32 s5, s0;
	s0 =	sadd.s32 s23, s0;
	s5 =	sadd.s32 s25, s2  }
0x11: {  	[dreg:$0x6] =	wrdreg s3;
	s23 =	simm.s32 $0x2A00;
	s25 =	simm.s32 $0x2A80  }
0x12: {  	s3 =	simm.s32 $0x7;
	s26 =	sadd.s32 $0x6C00, s22;
	s31 =	sadd.s32 $0x1C00, s22  }
0x13: {  	s9 =	sadd.s32 $0x5B600, s0;
	s22 =	simm.s32 $0x1;
	[dreg:$0x4] =	wrdreg s26  }
0x14: {  	v0 =	vimm.f32 $0.0e+00;
	s0 =	simm.s32 $0x6;
	[dreg:$0x5] =	wrdreg s31;
	s26 =	simm.s32 $0x3  }
.LBB2_1:
0x15: {  	[tilespmem:$0xAC00] =	vst v0  }
0x16: {  	[tilespmem:$0xAC10] =	vst v0  }
0x17: {  	[tilespmem:$0xAC20] =	vst v0  }
0x18: {  	[tilespmem:$0xAC30] =	vst v0  }
0x19: {  	[tilespmem:$0xAC40] =	vst v0  }
0x1a: {  	[tilespmem:$0xAC50] =	vst v0  }
0x1b: {  	[tilespmem:$0xAC60] =	vst v0  }
0x1c: {  	[tilespmem:$0xAC70] =	vst v0  }
0x1d: {  	[tilespmem:$0xAC80] =	vst v0  }
0x1e: {  	[tilespmem:$0xAC90] =	vst v0  }
0x1f: {  	[tilespmem:$0xACA0] =	vst v0  }
0x20: {  	[tilespmem:$0xACB0] =	vst v0  }
0x21: {  	[tilespmem:$0xACC0] =	vst v0  }
0x22: {  	[tilespmem:$0xACD0] =	vst v0  }
0x23: {  	[tilespmem:$0xACE0] =	vst v0  }
0x24: {  	[tilespmem:$0xACF0] =	vst v0  }
0x25: {  	[tilespmem:$0xAD00] =	vst v0  }
0x26: {  	[tilespmem:$0xAD10] =	vst v0  }
0x27: {  	[tilespmem:$0xAD20] =	vst v0  }
0x28: {  	[tilespmem:$0xAD30] =	vst v0  }
0x29: {  	[tilespmem:$0xAD40] =	vst v0  }
0x2a: {  	[tilespmem:$0xAD50] =	vst v0  }
0x2b: {  	[tilespmem:$0xAD60] =	vst v0  }
0x2c: {  	[tilespmem:$0xAD70] =	vst v0  }
0x2d: {  	[tilespmem:$0xAD80] =	vst v0  }
0x2e: {  	[tilespmem:$0xAD90] =	vst v0  }
0x2f: {  	[tilespmem:$0xADA0] =	vst v0  }
0x30: {  	[tilespmem:$0xADB0] =	vst v0  }
0x31: {  	[tilespmem:$0xADC0] =	vst v0  }
0x32: {  	[tilespmem:$0xADD0] =	vst v0  }
0x33: {  	[tilespmem:$0xADE0] =	vst v0  }
0x34: {  	[tilespmem:$0xADF0] =	vst v0  }
0x35: {  	[tilespmem:$0xAE00] =	vst v0  }
0x36: {  	[tilespmem:$0xAE10] =	vst v0  }
0x37: {  	[tilespmem:$0xAE20] =	vst v0  }
0x38: {  	[tilespmem:$0xAE30] =	vst v0  }
0x39: {  	[tilespmem:$0xAE40] =	vst v0  }
0x3a: {  	[tilespmem:$0xAE50] =	vst v0  }
0x3b: {  	[tilespmem:$0xAE60] =	vst v0  }
0x3c: {  	[tilespmem:$0xAE70] =	vst v0  }
0x3d: {  	[tilespmem:$0xAE80] =	vst v0  }
0x3e: {  	[tilespmem:$0xAE90] =	vst v0  }
0x3f: {  	[tilespmem:$0xAEA0] =	vst v0  }
0x40: {  	[tilespmem:$0xAEB0] =	vst v0  }
0x41: {  	[tilespmem:$0xAEC0] =	vst v0  }
0x42: {  	[tilespmem:$0xAED0] =	vst v0  }
0x43: {  	[tilespmem:$0xAEE0] =	vst v0  }
0x44: {  	[tilespmem:$0xAEF0] =	vst v0  }
0x45: {  	[tilespmem:$0xAF00] =	vst v0  }
0x46: {  	[tilespmem:$0xAF10] =	vst v0  }
0x47: {  	[tilespmem:$0xAF20] =	vst v0  }
0x48: {  	[tilespmem:$0xAF30] =	vst v0  }
0x49: {  	[tilespmem:$0xAF40] =	vst v0  }
0x4a: {  	[tilespmem:$0xAF50] =	vst v0  }
0x4b: {  	[tilespmem:$0xAF60] =	vst v0  }
0x4c: {  	[tilespmem:$0xAF70] =	vst v0  }
0x4d: {  	[tilespmem:$0xAF80] =	vst v0  }
0x4e: {  	[tilespmem:$0xAF90] =	vst v0  }
0x4f: {  	[tilespmem:$0xAFA0] =	vst v0  }
0x50: {  	[tilespmem:$0xAFB0] =	vst v0  }
0x51: {  	[tilespmem:$0xAFC0] =	vst v0  }
0x52: {  	[tilespmem:$0xAFD0] =	vst v0  }
0x53: {  	[tilespmem:$0xAFE0] =	vst v0  }
0x54: {  	[tilespmem:$0xAFF0] =	vst v0;
	s7 =	sadd.s32 $0x0, s5  }
0x55: {  	[spmem:s7] =	stream.linear.scatter [tilespmem:s10], [sflag:$0x9], $0x400, $0x38;
	[tilespmem:$0x1EC00] =	vst v63  }
0x56: {  	s7 =	simm.s32 $0x1000;
	_ =	swait.ge [sflag:s11], $0x400  }
.LBB2_2:
0x57: {  	s8 =	sshra.s32 s7, $0x2;
	[sflag:s11] =	ssyncset.done $0x0;
	p0 =	sne.s32 s7, $0x4E000  }
.Ltmp0:
0x58: {  	s8 =	sadd.s32 s8, s5;
	[sflag:s11] =	ssyncadd.s32 $0xFFFFFC00;
	(pc) =	sbr.rel @p0 .LBB2_2-.Ltmp0, $3  }
0x59: {  	[spmem:s8] =	stream.linear.scatter [tilespmem:s10], [sflag:$0x9], $0x400, $0x38;
	[tilespmem:$0x1EC00] =	vst v63  }
0x5a: {  	s7 =	sadd.s32 $0x1000, s7;
	_ =	sdelay $0x1  }
0x5b: {  	_ =	swait.ge [sflag:s11], $0x400  }
0x5c: {  	[sflag:s11] =	ssyncset.done $0x0  }
0x5d: {  	s7 =	simm.s32 $0x0;
	s8 =	rddreg [dreg:$0x4];
	[sflag:s11] =	ssyncadd.s32 $0xFFFFFC00  }
0x5e: {  	[tilespmem:s7], [sflag:$0x9] =	stream.linear.gather [hbm4b:s8+s7], $0x1400, $0x38;
	[tilespmem:$0x1EC00] =	vst v63  }
0x5f: {  	_ =	swait.ge [sflag:s11], $0x1400  }
0x60: {  	[sflag:s11] =	ssyncset.done $0x0  }
0x61: {  	s31 =	simm.s32 $0x1400;
	s8 =	rddreg [dreg:$0x5];
	[sflag:s11] =	ssyncadd.s32 $0xFFFFEC00  }
0x62: {  	[tilespmem:s31], [sflag:$0x9] =	stream.linear.gather [hbm4b:s8+s7], $0x1400, $0x38;
	[tilespmem:$0x1EC00] =	vst v63  }
0x63: {  	_ =	swait.ge [sflag:s11], $0x1400  }
0x64: {  	[sflag:s11] =	ssyncset.done $0x0  }
0x65: {  	p0 =	por $0x1, $0x1;
	[sflag:s11] =	ssyncadd.s32 $0xFFFFEC00  }
0x66: {  	s7 =	simm.s32 @!p0 $0x5;
	[bflag:$0x0] =	sbarrier.arrive $0xFFFF  }
0x67: {  	_ =	swait.ge @!p0 [sflag:s7], $0x2000  }
0x68: {  	[sflag:s7] =	ssyncset.done @!p0 $0x0  }
0x69: {  	s31 =	simm.s32 $0x0;
	[sflag:s7] =	ssyncadd.s32 @!p0 $0xFFFFE000  }
0x6a: {  	v1 =	vld [tilespmem:s31+$0x0];
	_ =	sdelay $0x1  }
0x6b: {  	v2 =	vld [tilespmem:s31+$0x1400];
	_ =	sdelay $0x2  }
0x6c: {  	v3 =	vand.u32 $0xFFFF, v1  }
0x6d: {  	v1 =	vshrl.u32 v1, $0x10;
	[tilespmem:$0x2800] =	vst v3  }
0x6e: {  	v3 =	vand.u32 $0xFFFF, v2;
	[tilespmem:$0x2810] =	vst v1  }
0x6f: {  	v1 =	vshrl.u32 v2, $0x10;
	[tilespmem:$0x2A00] =	vst v3  }
0x70: {  	[tilespmem:$0x2A10] =	vst v1  }
0x71: {  	v1 =	vld [tilespmem:s31+$0x10];
	_ =	sdelay $0x1  }
0x72: {  	v2 =	vld [tilespmem:s31+$0x1410];
	_ =	sdelay $0x2  }
0x73: {  	v3 =	vshrl.u32 v1, $0x10  }
0x74: {  	v1 =	vand.u32 $0xFFFF, v1;
	[tilespmem:$0x2830] =	vst v3  }
0x75: {  	v3 =	vand.u32 $0xFFFF, v2;
	[tilespmem:$0x2820] =	vst v1  }
0x76: {  	v2 =	vshrl.u32 v2, $0x10;
	[tilespmem:$0x2A20] =	vst v3  }
0x77: {  	s7 =	simm.s32 @!p0 $0x6;
	[tilespmem:$0x2A30] =	vst v2  }
0x78: {  	[tilespmem:s15], [sflag:$0x1] =	stream.indirect.gather [hbm4b:s1+s13], $0x80, s14, s13, $0xb8;
	[tilespmem:$0x1EC00] =	vst v63  }
0x79: {  	_ =	swait.ge @!p0 [sflag:s7], $0x2000  }
0x7a: {  	[sflag:s7] =	ssyncset.done @!p0 $0x0  }
0x7b: {  	[sflag:s7] =	ssyncadd.s32 @!p0 $0xFFFFE000  }
0x7c: {  	v1 =	vld [tilespmem:s31+$0x20];
	_ =	sdelay $0x1  }
0x7d: {  	v2 =	vld [tilespmem:s31+$0x1420];
	_ =	sdelay $0x2  }
0x7e: {  	v3 =	vshrl.u32 v1, $0x10  }
0x7f: {  	v1 =	vand.u32 $0xFFFF, v1;
	[tilespmem:$0x2890] =	vst v3  }
0x80: {  	v3 =	vand.u32 $0xFFFF, v2;
	[tilespmem:$0x2880] =	vst v1  }
0x81: {  	v1 =	vshrl.u32 v2, $0x10;
	[tilespmem:$0x2A80] =	vst v3  }
0x82: {  	[tilespmem:$0x2A90] =	vst v1  }
0x83: {  	v1 =	vld [tilespmem:s31+$0x30];
	_ =	sdelay $0x1  }
0x84: {  	v2 =	vld [tilespmem:s31+$0x1430];
	_ =	sdelay $0x2  }
0x85: {  	v3 =	vand.u32 $0xFFFF, v1  }
0x86: {  	v1 =	vshrl.u32 v1, $0x10;
	[tilespmem:$0x28A0] =	vst v3  }
0x87: {  	v3 =	vand.u32 $0xFFFF, v2;
	[tilespmem:$0x28B0] =	vst v1  }
0x88: {  	v1 =	vshrl.u32 v2, $0x10;
	[tilespmem:$0x2AA0] =	vst v3  }
0x89: {  	s7 =	simm.s32 @!p0 $0x7;
	[tilespmem:$0x2AB0] =	vst v1  }
0x8a: {  	[tilespmem:s17], [sflag:$0x2] =	stream.indirect.gather [hbm4b:s1+s13], $0x80, s16, s13, $0xb8;
	[tilespmem:$0x1EC00] =	vst v63  }
0x8b: {  	_ =	swait.ge @!p0 [sflag:s7], $0x2000  }
0x8c: {  	[sflag:s7] =	ssyncset.done @!p0 $0x0  }
0x8d: {  	[sflag:s7] =	ssyncadd.s32 @!p0 $0xFFFFE000  }
0x8e: {  	v1 =	vld [tilespmem:s31+$0x40];
	_ =	sdelay $0x1  }
0x8f: {  	v2 =	vld [tilespmem:s31+$0x1440];
	_ =	sdelay $0x2  }
0x90: {  	v3 =	vand.u32 $0xFFFF, v1  }
0x91: {  	v1 =	vshrl.u32 v1, $0x10;
	[tilespmem:$0x2900] =	vst v3  }
0x92: {  	v3 =	vshrl.u32 v2, $0x10;
	[tilespmem:$0x2910] =	vst v1  }
0x93: {  	v1 =	vand.u32 $0xFFFF, v2;
	[tilespmem:$0x2B10] =	vst v3  }
0x94: {  	[tilespmem:$0x2B00] =	vst v1  }
0x95: {  	v1 =	vld [tilespmem:s31+$0x50];
	_ =	sdelay $0x1  }
0x96: {  	v2 =	vld [tilespmem:s31+$0x1450];
	_ =	sdelay $0x2  }
0x97: {  	v3 =	vand.u32 $0xFFFF, v1  }
0x98: {  	v1 =	vshrl.u32 v1, $0x10;
	[tilespmem:$0x2920] =	vst v3  }
0x99: {  	v3 =	vshrl.u32 v2, $0x10;
	[tilespmem:$0x2930] =	vst v1  }
0x9a: {  	v1 =	vand.u32 $0xFFFF, v2;
	[tilespmem:$0x2B30] =	vst v3  }
0x9b: {  	s7 =	simm.s32 @!p0 $0x8;
	[tilespmem:$0x2B20] =	vst v1  }
0x9c: {  	[tilespmem:s19], [sflag:$0x3] =	stream.indirect.gather [hbm4b:s1+s13], $0x80, s18, s13, $0xb8;
	[tilespmem:$0x1EC00] =	vst v63  }
0x9d: {  	_ =	swait.ge @!p0 [sflag:s7], $0x2000  }
0x9e: {  	[sflag:s7] =	ssyncset.done @!p0 $0x0  }
0x9f: {  	[sflag:s7] =	ssyncadd.s32 @!p0 $0xFFFFE000  }
0xa0: {  	v1 =	vld [tilespmem:s31+$0x60];
	_ =	sdelay $0x1  }
0xa1: {  	v2 =	vld [tilespmem:s31+$0x1460];
	_ =	sdelay $0x2  }
0xa2: {  	v3 =	vand.u32 $0xFFFF, v1  }
0xa3: {  	v1 =	vshrl.u32 v1, $0x10;
	[tilespmem:$0x2980] =	vst v3  }
0xa4: {  	v3 =	vshrl.u32 v2, $0x10;
	[tilespmem:$0x2990] =	vst v1  }
0xa5: {  	v2 =	vand.u32 $0xFFFF, v2;
	[tilespmem:$0x2B90] =	vst v3  }
0xa6: {  	[tilespmem:$0x2B80] =	vst v2  }
0xa7: {  	v2 =	vld [tilespmem:s31+$0x70]  }
0xa8: {  	s7 =	simm.s32 $0x200;
	v1 =	vld [tilespmem:s31+$0x1470]  }
.LBB2_4:
0xa9: {  	s8 =	smov.u32 s7;
	s7 =	sadd.s32 $0x200, s7  }
0xaa: {  	p0 =	sne.s32 s7, $0x5000;
	_ =	sdelay $0x1  }
0xab: {  	v3 =	vand.u32 $0xFFFF, v2;
	v2 =	vshrl.u32 v2, $0x10  }
0xac: {  	[tilespmem:$0x29A0] =	vst v3;
	v3 =	vand.u32 $0xFFFF, v1;
	v1 =	vshrl.u32 v1, $0x10  }
0xad: {  	[tilespmem:$0x2BA0] =	vst v3  }
0xae: {  	[tilespmem:$0x29B0] =	vst v2  }
0xaf: {  	[tilespmem:$0x2BB0] =	vst v1  }
0xb0: {  	[tilespmem:s21], [sflag:$0x4] =	stream.indirect.gather [hbm4b:s1+s13], $0x80, s20, s13, $0xb8;
	[tilespmem:$0x1EC00] =	vst v63  }
0xb1: {  	_ =	swait.ge [sflag:s22], $0x2000  }
0xb2: {  	[sflag:s22] =	ssyncset.done $0x0  }
0xb3: {  	[sflag:s22] =	ssyncadd.s32 $0xFFFFE000  }
0xb4: {  	[spmem:s2] =	stream.indirect.scatter.add.f32 [tilespmem:s15], [sflag:$0x5], $0x80, s23, s13, $0xb8;
	[tilespmem:$0x1EC00] =	vst v63  }
0xb5: {  	_ =	swait.ge [sflag:s24], $0x2000  }
0xb6: {  	[sflag:s24] =	ssyncset.done $0x0  }
0xb7: {  	[sflag:s24] =	ssyncadd.s32 $0xFFFFE000  }
0xb8: {  	[spmem:s2] =	stream.indirect.scatter.add.f32 [tilespmem:s17], [sflag:$0x6], $0x80, s25, s13, $0xb8;
	[tilespmem:$0x1EC00] =	vst v63  }
0xb9: {  	_ =	swait.ge [sflag:s26], $0x2000  }
0xba: {  	[sflag:s26] =	ssyncset.done $0x0  }
0xbb: {  	[sflag:s26] =	ssyncadd.s32 $0xFFFFE000  }
0xbc: {  	[spmem:s2] =	stream.indirect.scatter.add.f32 [tilespmem:s19], [sflag:$0x7], $0x80, s28, s13, $0xb8;
	[tilespmem:$0x1EC00] =	vst v63  }
0xbd: {  	_ =	swait.ge [sflag:s29], $0x2000  }
0xbe: {  	[sflag:s29] =	ssyncset.done $0x0  }
0xbf: {  	p1 =	seq.s32 s8, $0x0;
	[sflag:s29] =	ssyncadd.s32 $0xFFFFE000  }
0xc0: {  	[spmem:s2] =	stream.indirect.scatter.add.f32 [tilespmem:s21], [sflag:$0x8], $0x80, s30, s13, $0xb8;
	[tilespmem:$0x1EC00] =	vst v63  }
0xc1: {  	s31 =	simm.s32 @!p1 $0x5  }
0xc2: {  	_ =	swait.ge @!p1 [sflag:s31], $0x2000  }
0xc3: {  	[sflag:s31] =	ssyncset.done @!p1 $0x0  }
0xc4: {  	s8 =	sshra.s32 s8, $0x2;
	[sflag:s31] =	ssyncadd.s32 @!p1 $0xFFFFE000  }
0xc5: {  	v1 =	vld [tilespmem:s8+$0x0]  }
0xc6: {  	v2 =	vld [tilespmem:s8+$0x1400];
	_ =	sdelay $0x3  }
0xc7: {  	v3 =	vand.u32 $0xFFFF, v1;
	v1 =	vshrl.u32 v1, $0x10  }
0xc8: {  	[tilespmem:$0x2800] =	vst v3;
	v3 =	vand.u32 $0xFFFF, v2;
	v2 =	vshrl.u32 v2, $0x10  }
0xc9: {  	[tilespmem:$0x2810] =	vst v1  }
0xca: {  	[tilespmem:$0x2A00] =	vst v3  }
0xcb: {  	[tilespmem:$0x2A10] =	vst v2  }
0xcc: {  	v1 =	vld [tilespmem:s8+$0x10]  }
0xcd: {  	v2 =	vld [tilespmem:s8+$0x1410];
	_ =	sdelay $0x3  }
0xce: {  	v3 =	vand.u32 $0xFFFF, v1;
	v1 =	vshrl.u32 v1, $0x10  }
0xcf: {  	[tilespmem:$0x2830] =	vst v1;
	v1 =	vand.u32 $0xFFFF, v2;
	v2 =	vshrl.u32 v2, $0x10  }
0xd0: {  	[tilespmem:$0x2A20] =	vst v1  }
0xd1: {  	[tilespmem:$0x2A30] =	vst v2  }
0xd2: {  	s31 =	simm.s32 @!p1 $0x6;
	[tilespmem:$0x2820] =	vst v3  }
0xd3: {  	[tilespmem:s15], [sflag:$0x1] =	stream.indirect.gather [hbm4b:s1+s13], $0x80, s14, s13, $0xb8;
	[tilespmem:$0x1EC00] =	vst v63  }
0xd4: {  	_ =	swait.ge @!p1 [sflag:s31], $0x2000  }
0xd5: {  	[sflag:s31] =	ssyncset.done @!p1 $0x0  }
0xd6: {  	[sflag:s31] =	ssyncadd.s32 @!p1 $0xFFFFE000  }
0xd7: {  	v1 =	vld [tilespmem:s8+$0x20]  }
0xd8: {  	v2 =	vld [tilespmem:s8+$0x1420];
	_ =	sdelay $0x3  }
0xd9: {  	v3 =	vand.u32 $0xFFFF, v1;
	v1 =	vshrl.u32 v1, $0x10  }
0xda: {  	[tilespmem:$0x2890] =	vst v1;
	v1 =	vand.u32 $0xFFFF, v2;
	v2 =	vshrl.u32 v2, $0x10  }
0xdb: {  	[tilespmem:$0x2880] =	vst v3  }
0xdc: {  	[tilespmem:$0x2A80] =	vst v1  }
0xdd: {  	[tilespmem:$0x2A90] =	vst v2  }
0xde: {  	v1 =	vld [tilespmem:s8+$0x30]  }
0xdf: {  	v2 =	vld [tilespmem:s8+$0x1430];
	_ =	sdelay $0x3  }
0xe0: {  	v3 =	vand.u32 $0xFFFF, v1;
	v1 =	vshrl.u32 v1, $0x10  }
0xe1: {  	[tilespmem:$0x28A0] =	vst v3;
	v3 =	vand.u32 $0xFFFF, v2;
	v2 =	vshrl.u32 v2, $0x10  }
0xe2: {  	[tilespmem:$0x28B0] =	vst v1  }
0xe3: {  	[tilespmem:$0x2AA0] =	vst v3  }
0xe4: {  	s31 =	simm.s32 @!p1 $0x7;
	[tilespmem:$0x2AB0] =	vst v2  }
0xe5: {  	[tilespmem:s17], [sflag:$0x2] =	stream.indirect.gather [hbm4b:s1+s13], $0x80, s16, s13, $0xb8;
	[tilespmem:$0x1EC00] =	vst v63  }
0xe6: {  	_ =	swait.ge @!p1 [sflag:s31], $0x2000  }
0xe7: {  	[sflag:s31] =	ssyncset.done @!p1 $0x0  }
0xe8: {  	[sflag:s31] =	ssyncadd.s32 @!p1 $0xFFFFE000  }
0xe9: {  	v1 =	vld [tilespmem:s8+$0x40]  }
0xea: {  	v2 =	vld [tilespmem:s8+$0x1440];
	_ =	sdelay $0x3  }
0xeb: {  	v3 =	vand.u32 $0xFFFF, v1;
	v1 =	vshrl.u32 v1, $0x10  }
0xec: {  	[tilespmem:$0x2900] =	vst v3;
	v3 =	vand.u32 $0xFFFF, v2;
	v2 =	vshrl.u32 v2, $0x10  }
0xed: {  	[tilespmem:$0x2910] =	vst v1  }
0xee: {  	[tilespmem:$0x2B10] =	vst v2  }
0xef: {  	[tilespmem:$0x2B00] =	vst v3  }
0xf0: {  	v1 =	vld [tilespmem:s8+$0x50]  }
0xf1: {  	v2 =	vld [tilespmem:s8+$0x1450];
	_ =	sdelay $0x3  }
0xf2: {  	v3 =	vand.u32 $0xFFFF, v1;
	v1 =	vshrl.u32 v1, $0x10  }
0xf3: {  	[tilespmem:$0x2920] =	vst v3;
	v3 =	vand.u32 $0xFFFF, v2;
	v2 =	vshrl.u32 v2, $0x10  }
0xf4: {  	[tilespmem:$0x2930] =	vst v1  }
0xf5: {  	[tilespmem:$0x2B30] =	vst v2  }
0xf6: {  	s31 =	simm.s32 @!p1 $0x8;
	[tilespmem:$0x2B20] =	vst v3  }
0xf7: {  	[tilespmem:s19], [sflag:$0x3] =	stream.indirect.gather [hbm4b:s1+s13], $0x80, s18, s13, $0xb8;
	[tilespmem:$0x1EC00] =	vst v63  }
0xf8: {  	_ =	swait.ge @!p1 [sflag:s31], $0x2000  }
0xf9: {  	[sflag:s31] =	ssyncset.done @!p1 $0x0  }
0xfa: {  	[sflag:s31] =	ssyncadd.s32 @!p1 $0xFFFFE000  }
0xfb: {  	v1 =	vld [tilespmem:s8+$0x60]  }
0xfc: {  	v2 =	vld [tilespmem:s8+$0x1460];
	_ =	sdelay $0x3  }
0xfd: {  	v3 =	vand.u32 $0xFFFF, v1;
	v1 =	vshrl.u32 v1, $0x10  }
0xfe: {  	[tilespmem:$0x2980] =	vst v3;
	v3 =	vand.u32 $0xFFFF, v2;
	v2 =	vshrl.u32 v2, $0x10  }
.Ltmp1:
0xff: {  	[tilespmem:$0x2B90] =	vst v2;
	(pc) =	sbr.rel @p0 .LBB2_4-.Ltmp1, $4  }
0x100: {  	[tilespmem:$0x2B80] =	vst v3  }
0x101: {  	[tilespmem:$0x2990] =	vst v1  }
0x102: {  	v2 =	vld [tilespmem:s8+$0x70]  }
0x103: {  	v1 =	vld [tilespmem:s8+$0x1470]  }
0x104: {  	_ =	sdelay $0x2  }
0x105: {  	v3 =	vand.u32 $0xFFFF, v2  }
0x106: {  	v2 =	vshrl.u32 v2, $0x10;
	[tilespmem:$0x29A0] =	vst v3  }
0x107: {  	v3 =	vand.u32 $0xFFFF, v1;
	[tilespmem:$0x29B0] =	vst v2  }
0x108: {  	v1 =	vshrl.u32 v1, $0x10;
	[tilespmem:$0x2BA0] =	vst v3  }
0x109: {  	[tilespmem:$0x2BB0] =	vst v1  }
0x10a: {  	[tilespmem:s21], [sflag:$0x4] =	stream.indirect.gather [hbm4b:s1+s13], $0x80, s20, s13, $0xb8;
	[tilespmem:$0x1EC00] =	vst v63  }
0x10b: {  	_ =	swait.ge [sflag:s22], $0x2000  }
0x10c: {  	[sflag:s22] =	ssyncset.done $0x0  }
0x10d: {  	[sflag:s22] =	ssyncadd.s32 $0xFFFFE000  }
0x10e: {  	[spmem:s2] =	stream.indirect.scatter.add.f32 [tilespmem:s15], [sflag:$0x5], $0x80, s23, s13, $0xb8;
	[tilespmem:$0x1EC00] =	vst v63  }
0x10f: {  	_ =	swait.ge [sflag:s24], $0x2000  }
0x110: {  	[sflag:s24] =	ssyncset.done $0x0  }
0x111: {  	[sflag:s24] =	ssyncadd.s32 $0xFFFFE000  }
0x112: {  	[spmem:s2] =	stream.indirect.scatter.add.f32 [tilespmem:s17], [sflag:$0x6], $0x80, s25, s13, $0xb8;
	[tilespmem:$0x1EC00] =	vst v63  }
0x113: {  	_ =	swait.ge [sflag:s26], $0x2000  }
0x114: {  	[sflag:s26] =	ssyncset.done $0x0  }
0x115: {  	[sflag:s26] =	ssyncadd.s32 $0xFFFFE000  }
0x116: {  	[spmem:s2] =	stream.indirect.scatter.add.f32 [tilespmem:s19], [sflag:$0x7], $0x80, s28, s13, $0xb8;
	[tilespmem:$0x1EC00] =	vst v63  }
0x117: {  	_ =	swait.ge [sflag:s29], $0x2000  }
0x118: {  	[sflag:s29] =	ssyncset.done $0x0  }
0x119: {  	s7 =	simm.s32 $0x5;
	[sflag:s29] =	ssyncadd.s32 $0xFFFFE000  }
0x11a: {  	[spmem:s2] =	stream.indirect.scatter.add.f32 [tilespmem:s21], [sflag:$0x8], $0x80, s30, s13, $0xb8;
	[tilespmem:$0x1EC00] =	vst v63  }
0x11b: {  	_ =	swait.ge [sflag:s7], $0x2000  }
0x11c: {  	[sflag:s7] =	ssyncset.done $0x0  }
0x11d: {  	[sflag:s7] =	ssyncadd.s32 $0xFFFFE000  }
0x11e: {  	_ =	swait.ge [sflag:s0], $0x2000  }
0x11f: {  	[sflag:s0] =	ssyncset.done $0x0  }
0x120: {  	[sflag:s0] =	ssyncadd.s32 $0xFFFFE000  }
0x121: {  	_ =	swait.ge [sflag:s3], $0x2000  }
0x122: {  	[sflag:s3] =	ssyncset.done $0x0  }
0x123: {  	[sflag:s3] =	ssyncadd.s32 $0xFFFFE000  }
0x124: {  	_ =	swait.ge [sflag:s12], $0x2000  }
0x125: {  	[sflag:s12] =	ssyncset.done $0x0  }
0x126: {  	[sflag:s12] =	ssyncadd.s32 $0xFFFFE000  }
0x127: {  	[bflag:$0x0] =	sbarrier.arrive $0xFFFF  }
0x128: {  	[tilespmem:s10], [sflag:$0x9] =	stream.linear.gather [spmem:s5], $0x400, $0x38;
	[tilespmem:$0x1EC00] =	vst v63  }
0x129: {  	_ =	swait.ge [sflag:s11], $0x400  }
0x12a: {  	[sflag:s11] =	ssyncset.done $0x0  }
0x12b: {  	s31 =	sadd.s32 $0x0, s9;
	[sflag:s11] =	ssyncadd.s32 $0xFFFFFC00  }
0x12c: {  	[hbm4b:s31+s4] =	stream.linear.scatter [tilespmem:s10], [sflag:$0x9], $0x400, $0x38;
	[tilespmem:$0x1EC00] =	vst v63  }
0x12d: {  	_ =	swait.ge [sflag:s11], $0x400  }
0x12e: {  	s8 =	smov.u32 s5;
	s7 =	simm.s32 $0x80;
	[sflag:s11] =	ssyncset.done $0x0  }
.LBB2_6:
0x12f: {  	p0 =	sne.s32 s7, $0x2700;
	[sflag:s11] =	ssyncadd.s32 $0xFFFFFC00;
	s8 =	sadd.s32 $0x400, s8  }
0x130: {  	[tilespmem:s10], [sflag:$0x9] =	stream.linear.gather [spmem:s8], $0x400, $0x38;
	[tilespmem:$0x1EC00] =	vst v63  }
0x131: {  	s31 =	smov.u32 s7;
	s7 =	sadd.s32 $0x80, s7;
	_ =	swait.ge [sflag:s11], $0x400  }
.Ltmp2:
0x132: {  	[sflag:s11] =	ssyncset.done $0x0;
	(pc) =	sbr.rel @p0 .LBB2_6-.Ltmp2, $4  }
0x133: {  	s31 =	sadd.s32 s31, s9;
	[sflag:s11] =	ssyncadd.s32 $0xFFFFFC00  }
0x134: {  	[hbm4b:s31+s4] =	stream.linear.scatter [tilespmem:s10], [sflag:$0x9], $0x400, $0x38;
	[tilespmem:$0x1EC00] =	vst v63  }
0x135: {  	_ =	swait.ge [sflag:s11], $0x400  }
0x136: {  	[sflag:s11] =	ssyncset.done $0x0  }
0x137: {  	s6 =	sadd.s32 $0x1, s6;
	s7 =	rddreg [dreg:$0x6]  }
0x138: {  	p0 =	sne.s32 s6, s7  }
.Ltmp3:
0x139: {  	_ = 	snop;
	(pc) =	sbr.rel @p0 .LBB2_1-.Ltmp3, $2  }
0x13a: {  	_ =	sdelay $0x2  }
0x13b: {  	[sflag:s11] =	ssyncadd.s32 $0xFFFFFC00  }
0x13c: {  	_ =	sfence.sel $0x180000  }
0x13d: {  	[bflag:$0x0] =	sbarrier.arrive $0xFFFF  }
0x13e: {  	_ =	strace $0x9000004A  }
0x13f: {  	s0 =	stileid.u32;
	[bflag:$0x2] =	sbarrier.arrive $0xFFFF  }
0x140: {  	p0 =	sne.s32 s0, $0x0;
	s0 =	rddreg [dreg:$0x3]  }
0x141: {  	s0 =	sadd.s32 @!p0 $0x100000, s0  }
0x142: {  	[sflag:s0] =	ssyncadd.tile.s32 @!p0 $0x1;
	_ =	shalt  }
.Lfunc_end2:
_tile_overlayer_lowered:
.L_overlay_start_2:
0x143: {  	(tag) =	ssettag $0x2  }
0x144: {  	s0 =	rddreg [dreg:$0x0];
	s2 =	stileid.u32  }
0x145: {  	s1 =	rddreg [dreg:$0x1];
	p0 =	sne.s32 s2, $0x0  }
0x146: {  	s3 =	rddreg [dreg:$0x2];
	[bflag:$0x3] =	sbarrier.arrive $0xFFFF;
	s2 =	simm.s32 @!p0 $0x1C09  }
0x147: {  	[timem:s3], [sflag:s2] =	dma.local @!p0 [hbm:s0], s1  }
0x148: {  	s0 =	simm.s32 @!p0 $0x9  }
0x149: {  	_ =	swait.ge @!p0 [sflag:s0], s1  }
0x14a: {  	s1 =	ssub.s32 @!p0 $0x0, s1;
	[sflag:s0] =	ssyncset.done @!p0 $0x0  }
0x14b: {  	[sflag:s0] =	ssyncadd.s32 @!p0 s1  }
0x14c: {  	[bflag:$0x3] =	sbarrier.arrive $0xFFFF  }
0x14d: {  	_ =	shalt  }

// kernel: kernel.9.cloned.1.call-start
scs
__scs_entry_jumppad:
0x0: {  	(pc) =	sbr.rel $0x88, $3  }
0x1: {  	(tag) =	ssettag $0x0;
	lr =	simm.s32 $0x1  }
0x2: {  	[smem:$0x3F99] =	sst lr;
	_ =	strace $0xD0000000  }
0x3: {  	_ = 	snop  }
0x4: {  	_ = 	snop  }
0x5: {  	_ = 	snop  }
0x6: {  	_ = 	snop  }
0x7: {  	_ = 	snop  }
__scs_overlays_trampoline_lowered:
0x8: {  	[smem:$0x3FA8] =	sst s0  }
0x9: {  	[smem:$0x3FA9] =	sst s1  }
0xa: {  	[smem:$0x3FAA] =	sst s2  }
0xb: {  	[smem:$0x3FAB] =	sst s3  }
0xc: {  	[smem:$0x3FAC] =	sst s4  }
0xd: {  	[smem:$0x3FAD] =	sst s5  }
0xe: {  	[smem:$0x3FAE] =	sst s6  }
0xf: {  	[smem:$0x3FAF] =	sst s7  }
0x10: {  	[smem:$0x3FB0] =	sst s8  }
0x11: {  	[smem:$0x3FB1] =	sst s9;
	s0 =	simm.s32 @!p0 $0x0  }
0x12: {  	s1 =	sld [smem:$0x3F97];
	s0 =	simm.s32 @p0 $0x1  }
0x13: {  	[smem:$0x3FB2] =	sst s0;
	s0 =	simm.s32 @!p1 $0x0  }
0x14: {  	s2 =	sld [smem:$0x3F96];
	s0 =	simm.s32 @p1 $0x1  }
0x15: {  	[smem:$0x3FB3] =	sst s0;
	s0 =	simm.s32 @!p2 $0x0  }
0x16: {  	s3 =	sld [smem:$0x3FDB];
	s0 =	simm.s32 @p2 $0x1  }
0x17: {  	s4 =	simm.s32 $0x1BF5;
	[smem:$0x3FB5] =	sst s0  }
0x18: {  	s0 =	sld [smem:$0x3F98];
	_ =	swait.ge [sflag:s4], $0x0  }
0x19: {  	s7 =	sld [smem:$0x3F99]  }
0x1a: {  	s8 =	sadd.s32 $0xFFFFE003, lr  }
0x1b: {  	s9 =	sadd.s32 $0xFFFFFEF7, lr;
	s5 =	simm.s32 $0xFFFFFFFF;
	p2 =	slt.u32 s8, $0xFFFFF086  }
0x1c: {  	p1 =	slt.u32 s9, $0xF7A;
	s5 =	simm.s32 @!p2 $0x0  }
0x1d: {  	s5 =	simm.s32 @p1 $0x1;
	p0 =	seq.s32 s7, s2  }
0x1e: {  	s7 =	smul.u32 @!p0 $0xF7A, s2;
	p2 =	seq.s32 @!p0 s5, $0x0  }
0x1f: {  	s9 =	smul.u32 $0xF7A, s1;
	s8 =	simm.s32 @!p0 $0x1BF5;
	p2 =	por !p2, p0  }
0x20: {  	[sflag:s8] =	ssyncset.s32 @!p0 $0xFFFFF086;
	s6 =	sadd.s32 @!p0 s3, s7;
	s7 =	simm.s32 @!p0 $0x108  }
0x21: {  	s3 =	sadd.s32 s3, s9;
	s6 =	sadd.s32 @!p0 $0x88, s6;
	s7 =	simm.s32 @p2 $0x1082  }
0x22: {  	[simem:s7], [sflag:s8] =	dma.local @!p0 [hbm:s6], $0xF7A  }
0x23: {  	s9 =	sor.u32 $0xD0000000, s2;
	s6 =	simm.s32 $0x108;
	_ =	swait.ge @!p0 [sflag:s8], $0x0  }
0x24: {  	s3 =	sadd.s32 $0x88, s3;
	s6 =	simm.s32 @!p1 $0x1082;
	[sflag:s4] =	ssyncset.s32 $0xFFFFF086  }
0x25: {  	[simem:s6], [sflag:s4] =	dma.local [hbm:s3], $0xF7A  }
0x26: {  	[smem:$0x3F99] =	sst s1;
	(tag) =	ssettag s2;
	_ =	strace s9  }
0x27: {  	s1 =	sld [smem:$0x3FA9]  }
0x28: {  	s2 =	sld [smem:$0x3FAA]  }
0x29: {  	s4 =	sld [smem:$0x3FAC]  }
0x2a: {  	p0 =	seq.s32 s5, $0x0;
	s5 =	sld [smem:$0x3FAD]  }
0x2b: {  	s6 =	sld [smem:$0x3FAE]  }
0x2c: {  	s7 =	sld [smem:$0x3FAF]  }
0x2d: {  	s3 =	simm.s32 $0x108;
	s8 =	sld [smem:$0x3FB0]  }
0x2e: {  	s3 =	simm.s32 @!p0 $0x1082;
	s9 =	sld [smem:$0x3FB1]  }
0x2f: {  	lr =	sadd.s32 s0, s3;
	s0 =	sld [smem:$0x3FA8]  }
0x30: {  	s3 =	sld [smem:$0x3FAB]  }
0x31: {  	[smem:$0x3FB4] =	sst s10  }
0x32: {  	s10 =	sld [smem:$0x3FB2];
	_ =	sdelay $0x3  }
0x33: {  	p0 =	seq.s32 s10, $0x1;
	s10 =	sld [smem:$0x3FB4];
	_ =	sdelay $0x3  }
0x34: {  	[smem:$0x3FB4] =	sst s10  }
0x35: {  	s10 =	sld [smem:$0x3FB3];
	_ =	sdelay $0x3  }
0x36: {  	p1 =	seq.s32 s10, $0x1;
	s10 =	sld [smem:$0x3FB4];
	_ =	sdelay $0x3  }
0x37: {  	[smem:$0x3FB4] =	sst s10  }
0x38: {  	s10 =	sld [smem:$0x3FB5]  }
0x39: {  	_ = 	snop;
	(pc) =	sbr.ind lr, $3  }
0x3a: {  	_ = 	snop  }
0x3b: {  	_ = 	snop  }
0x3c: {  	p2 =	seq.s32 s10, $0x1;
	s10 =	sld [smem:$0x3FB4]  }
0x3d: {  	_ =	shalt  }
0x3e: {  	_ =	shalt  }
0x3f: {  	_ =	shalt  }
0x40: {  	_ =	shalt  }
0x41: {  	_ =	shalt  }
0x42: {  	_ =	shalt  }
0x43: {  	_ =	shalt  }
0x44: {  	_ =	shalt  }
0x45: {  	_ =	shalt  }
0x46: {  	_ =	shalt  }
0x47: {  	_ =	shalt  }
0x48: {  	_ =	shalt  }
0x49: {  	_ =	shalt  }
0x4a: {  	_ =	shalt  }
0x4b: {  	_ =	shalt  }
0x4c: {  	_ =	shalt  }
0x4d: {  	_ =	shalt  }
0x4e: {  	_ =	shalt  }
0x4f: {  	_ =	shalt  }
0x50: {  	_ =	shalt  }
0x51: {  	_ =	shalt  }
0x52: {  	_ =	shalt  }
0x53: {  	_ =	shalt  }
0x54: {  	_ =	shalt  }
0x55: {  	_ =	shalt  }
0x56: {  	_ =	shalt  }
0x57: {  	_ =	shalt  }
0x58: {  	_ =	shalt  }
0x59: {  	_ =	shalt  }
0x5a: {  	_ =	shalt  }
0x5b: {  	_ =	shalt  }
0x5c: {  	_ =	shalt  }
0x5d: {  	_ =	shalt  }
0x5e: {  	_ =	shalt  }
0x5f: {  	_ =	shalt  }
0x60: {  	_ =	shalt  }
0x61: {  	_ =	shalt  }
0x62: {  	_ =	shalt  }
0x63: {  	_ =	shalt  }
0x64: {  	_ =	shalt  }
0x65: {  	_ =	shalt  }
0x66: {  	_ =	shalt  }
0x67: {  	_ =	shalt  }
0x68: {  	_ =	shalt  }
0x69: {  	_ =	shalt  }
0x6a: {  	_ =	shalt  }
0x6b: {  	_ =	shalt  }
0x6c: {  	_ =	shalt  }
0x6d: {  	_ =	shalt  }
0x6e: {  	_ =	shalt  }
0x6f: {  	_ =	shalt  }
0x70: {  	_ =	shalt  }
0x71: {  	_ =	shalt  }
0x72: {  	_ =	shalt  }
0x73: {  	_ =	shalt  }
0x74: {  	_ =	shalt  }
0x75: {  	_ =	shalt  }
0x76: {  	_ =	shalt  }
0x77: {  	_ =	shalt  }
0x78: {  	_ =	shalt  }
0x79: {  	_ =	shalt  }
0x7a: {  	_ =	shalt  }
0x7b: {  	_ =	shalt  }
0x7c: {  	_ =	shalt  }
0x7d: {  	_ =	shalt  }
0x7e: {  	_ =	shalt  }
0x7f: {  	_ =	shalt  }
0x80: {  	_ =	shalt  }
0x81: {  	_ =	shalt  }
0x82: {  	_ =	shalt  }
0x83: {  	_ =	shalt  }
0x84: {  	_ =	shalt  }
0x85: {  	_ =	shalt  }
0x86: {  	_ =	shalt  }
0x87: {  	_ =	shalt  }
.Lfunc_end0:
.L_simem_size_0:
called_computation_lowered:
.L_overlay_start_0:
0x88: {  	s2 =	sld [smem:$0x3FD9]  }
0x89: {  	s3 =	sld [smem:$0x3FFE];
	_ =	sdelay $0x1  }
0x8a: {  	s1 =	srdreg.scid  }
0x8b: {  	s0 =	sand.u32 $0x1, s1  }
0x8c: {  	s17 =	sshll.u32 s0, $0xA;
	s2 =	sadd.s32 s3, s2  }
0x8d: {  	s2 =	sadd.s32 s2, s17  }
0x8e: {  	[smem:$0x3FC0] =	sst s2  }
0x8f: {  	_ = 	snop  }
0x90: {  	s2 =	sld [smem:$0x3FD0];
	(tm) =	ssettm $0x1  }
0x91: {  	s18 =	sld [smem:$0x3FFB];
	_ =	sdelay $0x3  }
0x92: {  	_ =	strace s18  }
0x93: {  	s3 =	sld [smem:$0x3FFC];
	_ =	sdelay $0x3  }
0x94: {  	_ =	strace s3  }
0x95: {  	s3 =	sld [smem:$0x3FFD];
	_ =	sdelay $0x3  }
0x96: {  	_ =	strace s3  }
0x97: {  	_ =	strace $0x8FFFFFFF  }
0x98: {  	s19 =	sld [smem:$0x3FDB];
	_ =	sdelay $0x1  }
0x99: {  	s4 =	simm.s32 $_scs_section_size  }
0x9a: {  	s5 =	simm.s32 $_size__tile_overlayer_lowered;
	s6 =	simm.s32 $_tile_overlayer_lowered  }
0x9b: {  	s22 =	simm.s32 $0x1BFF;
	s21 =	sshll.u32 s6, $0x1;
	s3 =	sadd.s32 s4, s19  }
0x9c: {  	s7 =	simm.s32 $0x0;
	s20 =	sshll.u32 s5, $0x1;
	s5 =	sadd.s32 s21, s3  }
0x9d: {  	[timem:s7], [sflag:s22] =	dma.local [hbm:s5], s20  }
0x9e: {  	_ =	swait.ge [sflag:s22], s20  }
0x9f: {  	s4 =	ssub.s32 $0x0, s20;
	[sflag:s22] =	ssyncset.done $0x0  }
0xa0: {  	[sflag:s22] =	ssyncadd.s32 s4;
	_ =	sdelay $0x1  }
0xa1: {  	s23 =	simm.s32 $0x1B8B  }
0xa2: {  	_ =	swait.ge [sflag:s23], $0x1  }
0xa3: {  	[sflag:s23] =	ssyncset.done $0x0  }
0xa4: {  	s25 =	simm.s32 $0x1B8E;
	s24 =	sld [smem:$0x3FFE];
	[sflag:s23] =	ssyncadd.s32 $0xFFFFFFFF  }
0xa5: {  	s26 =	simm.s32 $execute0_lowered;
	[smem:$0x3FD2] =	sst s25  }
0xa6: {  	s5 =	sshll.u32 s26, $0x1;
	_ =	strace $0x80000046;
	[dreg:$0x1] =	wrdreg $0xFFFFFFFF  }
0xa7: {  	s28 =	simm.s32 $_size_execute0_lowered;
	s3 =	sadd.s32 s3, s5;
	[dreg:$0x0] =	wrdreg $0x0  }
0xa8: {  	s5 =	sshll.u32 s28, $0x1;
	[dreg:$0x2] =	wrdreg s3  }
0xa9: {  	[dreg:$0x3] =	wrdreg s5  }
0xaa: {  	[dreg:$0x4] =	wrdreg $0xC0  }
0xab: {  	_ =	task [dreg:s7], $0x5FFFF  }
0xac: {  	[dreg:$0x1] =	wrdreg $0xFFFFFFFF  }
0xad: {  	[dreg:$0x0] =	wrdreg $0x60  }
0xae: {  	[dreg:$0x2] =	wrdreg s2  }
0xaf: {  	[dreg:$0x3] =	wrdreg s24  }
0xb0: {  	[dreg:$0x4] =	wrdreg $0xB0000  }
0xb1: {  	[dreg:$0x5] =	wrdreg $0x1EF000  }
0xb2: {  	[dreg:$0x6] =	wrdreg $0x9  }
0xb3: {  	_ =	task.clear_ibuf [dreg:s7], $0x7FFFF;
	_ =	strace $0x90000046  }
0xb4: {  	s29 =	simm.s32 $0x9;
	_ =	strace $0x80000048  }
0xb5: {  	_ =	swait.ge [sflag:s29], $0x1  }
0xb6: {  	[sflag:s29] =	ssyncadd.s32 $0xFFFFFFFF  }
0xb7: {  	_ =	strace $0x90000048  }
0xb8: {  	_ =	sfence  }
0xb9: {  	s30 =	sld [smem:$0x0];
	_ =	sdelay $0x2  }
0xba: {  	s31 =	sshll.u32 s1, $0xD;
	s1 =	sshrl.u32 s1, $0x2  }
0xbb: {  	s3 =	sand.u32 $0x4000, s31;
	s1 =	sadd.s32 s1, s30  }
0xbc: {  	s0 =	sor.u32 s3, s0;
	s1 =	sshll.u32 s1, $0x11  }
0xbd: {  	s0 =	sor.u32 s1, s0  }
0xbe: {  	s0 =	sadd.s32 $0x8F2B, s0  }
0xbf: {  	[sflag:s0] =	ssyncadd.remote.s32 $0x1  }
0xc0: {  	_ =	sfence.sel $0xFFFF  }
0xc1: {  	[dreg:$0x0] =	wrdreg $0xFFFFFFFF;
	(pc) =	sbr.abs _section_cstart, $3  }
0xc2: {  	[dreg:$0x1] =	wrdreg $0xFFFFFFFF  }
0xc3: {  	_ =	task.clear_ibuf [dreg:s7], $0x2FFFF;
	_ =	strace $0x9FFFFFFF  }
0xc4: {  	(tm) =	ssettm $0x7FFFFFFF  }
0xc5: {  	_ =	shalt  }
tec
execute0_lowered:
.L_overlay_start_1:
0x0: {  	(tag) =	ssettag $0x1  }
0x1: {  	s1 =	rddreg [dreg:$0x0]  }
0x2: {  	s0 =	srdreg.scid;
	s2 =	rddreg [dreg:$0x1]  }
0x3: {  	s11 =	stileid.u32;
	s3 =	rddreg [dreg:$0x2]  }
0x4: {  	s5 =	simm.s32 $0x0;
	s13 =	simm.s32 $0xAC00;
	s14 =	simm.s32 $0xA  }
0x5: {  	s17 =	simm.s32 $0x40;
	s18 =	simm.s32 $0x2800;
	s19 =	simm.s32 $0x2C00  }
0x6: {  	s20 =	simm.s32 $0x2880;
	s21 =	simm.s32 $0x4C00;
	s22 =	simm.s32 $0x2900  }
0x7: {  	s28 =	simm.s32 $0x2A00;
	s29 =	simm.s32 $0x1EC00;
	s30 =	simm.s32 $0x2  }
0x8: {  	s31 =	simm.s32 $0x2A80;
	s15 =	simm.s32 $0x4;
	s9 =	smul.u32 $0x13C00, s11  }
0x9: {  	s0 =	sand.u32 $0x1, s0;
	[smem:$0x7FF] =	sst s5;
	s23 =	smul.u32 $0x4F000, s11  }
0xa: {  	s4 =	sshll.u32 s0, $0x4;
	s8 =	smul.u32 $0x13C000, s0;
	s0 =	ssub.s32 $0x2, s0  }
0xb: {  	s6 =	sor.u32 s11, s4;
	s4 =	rddreg [dreg:$0x3];
	_ =	strace $0x80000047  }
0xc: {  	s10 =	sshrl.u32 s0, $0x1;
	s11 =	smul.u32 $0xA00, s11;
	s24 =	sshrl.u32 s23, $0x2  }
0xd: {  	s23 =	simm.s32 $0x6C00;
	s7 =	smul.u32 $0x280, s6;
	s8 =	sadd.s32 s9, s8  }
0xe: {  	s6 =	smul.u32 $0x50, s6;
	s0 =	ssub.s32 s0, s10;
	s9 =	simm.s32 $0x0  }
0xf: {  	s8 =	sshrl.u32 s8, $0x3;
	s26 =	sshrl.u32 s11, $0x2;
	s0 =	smax.u32 s0, $0x1  }
0x10: {  	s11 =	simm.s32 $0x1EC80;
	s7 =	sadd.s32 s7, s2;
	s8 =	sadd.s32 s8, s2  }
0x11: {  	s2 =	sadd.s32 s6, s2;
	s10 =	sadd.s32 s26, s4;
	[dreg:$0x9] =	wrdreg s0  }
0x12: {  	s6 =	sadd.s32 s24, s3;
	s25 =	sadd.s32 $0x6C00, s7;
	[dreg:$0x7] =	wrdreg s10  }
0x13: {  	s24 =	simm.s32 $0x2980;
	s7 =	sadd.s32 $0x1C00, s7;
	[dreg:$0x5] =	wrdreg s25  }
0x14: {  	s26 =	simm.s32 $0x1;
	s2 =	sadd.s32 $0xBC00, s2;
	[dreg:$0x6] =	wrdreg s7  }
0x15: {  	s0 =	simm.s32 $0x2B00;
	s12 =	sadd.s32 $0xC600, s8;
	[dreg:$0x8] =	wrdreg s2  }
0x16: {  	v0 =	vimm.f32 $0.0e+00;
	v1 =	vimm.f32 $1.000000000e+00;
	s25 =	simm.s32 $0x8C00;
	s2 =	simm.s32 $0x3;
	s7 =	simm.s32 $0x2B80  }
.LBB2_1:
0x17: {  	[tilespmem:$0xAC00] =	vst v0  }
0x18: {  	[tilespmem:$0xAC10] =	vst v0  }
0x19: {  	[tilespmem:$0xAC20] =	vst v0  }
0x1a: {  	[tilespmem:$0xAC30] =	vst v0  }
0x1b: {  	[tilespmem:$0xAC40] =	vst v0  }
0x1c: {  	[tilespmem:$0xAC50] =	vst v0  }
0x1d: {  	[tilespmem:$0xAC60] =	vst v0  }
0x1e: {  	[tilespmem:$0xAC70] =	vst v0  }
0x1f: {  	[tilespmem:$0xAC80] =	vst v0  }
0x20: {  	[tilespmem:$0xAC90] =	vst v0  }
0x21: {  	[tilespmem:$0xACA0] =	vst v0  }
0x22: {  	[tilespmem:$0xACB0] =	vst v0  }
0x23: {  	[tilespmem:$0xACC0] =	vst v0  }
0x24: {  	[tilespmem:$0xACD0] =	vst v0  }
0x25: {  	[tilespmem:$0xACE0] =	vst v0  }
0x26: {  	[tilespmem:$0xACF0] =	vst v0  }
0x27: {  	[tilespmem:$0xAD00] =	vst v0  }
0x28: {  	[tilespmem:$0xAD10] =	vst v0  }
0x29: {  	[tilespmem:$0xAD20] =	vst v0  }
0x2a: {  	[tilespmem:$0xAD30] =	vst v0  }
0x2b: {  	[tilespmem:$0xAD40] =	vst v0  }
0x2c: {  	[tilespmem:$0xAD50] =	vst v0  }
0x2d: {  	[tilespmem:$0xAD60] =	vst v0  }
0x2e: {  	[tilespmem:$0xAD70] =	vst v0  }
0x2f: {  	[tilespmem:$0xAD80] =	vst v0  }
0x30: {  	[tilespmem:$0xAD90] =	vst v0  }
0x31: {  	[tilespmem:$0xADA0] =	vst v0  }
0x32: {  	[tilespmem:$0xADB0] =	vst v0  }
0x33: {  	[tilespmem:$0xADC0] =	vst v0  }
0x34: {  	[tilespmem:$0xADD0] =	vst v0  }
0x35: {  	[tilespmem:$0xADE0] =	vst v0  }
0x36: {  	[tilespmem:$0xADF0] =	vst v0  }
0x37: {  	[tilespmem:$0xAE00] =	vst v0  }
0x38: {  	[tilespmem:$0xAE10] =	vst v0  }
0x39: {  	[tilespmem:$0xAE20] =	vst v0  }
0x3a: {  	[tilespmem:$0xAE30] =	vst v0  }
0x3b: {  	[tilespmem:$0xAE40] =	vst v0  }
0x3c: {  	[tilespmem:$0xAE50] =	vst v0  }
0x3d: {  	[tilespmem:$0xAE60] =	vst v0  }
0x3e: {  	[tilespmem:$0xAE70] =	vst v0  }
0x3f: {  	[tilespmem:$0xAE80] =	vst v0  }
0x40: {  	[tilespmem:$0xAE90] =	vst v0  }
0x41: {  	[tilespmem:$0xAEA0] =	vst v0  }
0x42: {  	[tilespmem:$0xAEB0] =	vst v0  }
0x43: {  	[tilespmem:$0xAEC0] =	vst v0  }
0x44: {  	[tilespmem:$0xAED0] =	vst v0  }
0x45: {  	[tilespmem:$0xAEE0] =	vst v0  }
0x46: {  	[tilespmem:$0xAEF0] =	vst v0  }
0x47: {  	[tilespmem:$0xAF00] =	vst v0  }
0x48: {  	[tilespmem:$0xAF10] =	vst v0  }
0x49: {  	[tilespmem:$0xAF20] =	vst v0  }
0x4a: {  	[tilespmem:$0xAF30] =	vst v0  }
0x4b: {  	[tilespmem:$0xAF40] =	vst v0  }
0x4c: {  	[tilespmem:$0xAF50] =	vst v0  }
0x4d: {  	[tilespmem:$0xAF60] =	vst v0  }
0x4e: {  	[tilespmem:$0xAF70] =	vst v0  }
0x4f: {  	[tilespmem:$0xAF80] =	vst v0  }
0x50: {  	[tilespmem:$0xAF90] =	vst v0  }
0x51: {  	[tilespmem:$0xAFA0] =	vst v0  }
0x52: {  	[tilespmem:$0xAFB0] =	vst v0  }
0x53: {  	[tilespmem:$0xAFC0] =	vst v0  }
0x54: {  	[tilespmem:$0xAFD0] =	vst v0  }
0x55: {  	[tilespmem:$0xAFE0] =	vst v0  }
0x56: {  	[dreg:$0xa] =	wrdreg s9;
	[tilespmem:$0xAFF0] =	vst v0;
	s8 =	sadd.s32 $0x0, s6  }
0x57: {  	[spmem:s8] =	stream.linear.scatter [tilespmem:s13], [sflag:$0xA], $0x400, $0x38;
	[tilespmem:$0x1F180] =	vst v63  }
0x58: {  	s8 =	simm.s32 $0x1000;
	_ =	swait.ge [sflag:s14], $0x400  }
.LBB2_2:
0x59: {  	s9 =	sshra.s32 s8, $0x2;
	[sflag:s14] =	ssyncset.done $0x0;
	p0 =	sne.s32 s8, $0x4E000  }
.Ltmp0:
0x5a: {  	s9 =	sadd.s32 s9, s6;
	[sflag:s14] =	ssyncadd.s32 $0xFFFFFC00;
	(pc) =	sbr.rel @p0 .LBB2_2-.Ltmp0, $3  }
0x5b: {  	[spmem:s9] =	stream.linear.scatter [tilespmem:s13], [sflag:$0xA], $0x400, $0x38;
	[tilespmem:$0x1F180] =	vst v63  }
0x5c: {  	s8 =	sadd.s32 $0x1000, s8;
	_ =	sdelay $0x1  }
0x5d: {  	_ =	swait.ge [sflag:s14], $0x400  }
0x5e: {  	[sflag:s14] =	ssyncset.done $0x0  }
0x5f: {  	s8 =	simm.s32 $0x0;
	s9 =	rddreg [dreg:$0x5];
	[sflag:s14] =	ssyncadd.s32 $0xFFFFFC00  }
0x60: {  	[tilespmem:s8], [sflag:$0xA] =	stream.linear.gather [hbm4b:s9+s8], $0x1400, $0x38;
	[tilespmem:$0x1F180] =	vst v63  }
0x61: {  	_ =	swait.ge [sflag:s14], $0x1400  }
0x62: {  	[sflag:s14] =	ssyncset.done $0x0  }
0x63: {  	s16 =	simm.s32 $0x1400;
	s9 =	rddreg [dreg:$0x6];
	[sflag:s14] =	ssyncadd.s32 $0xFFFFEC00  }
0x64: {  	[tilespmem:s16], [sflag:$0xA] =	stream.linear.gather [hbm4b:s9+s8], $0x1400, $0x38;
	[tilespmem:$0x1F180] =	vst v63  }
0x65: {  	_ =	swait.ge [sflag:s14], $0x1400  }
0x66: {  	[sflag:s14] =	ssyncset.done $0x0  }
0x67: {  	[sflag:s14] =	ssyncadd.s32 $0xFFFFEC00  }
0x68: {  	[tilespmem:$0x1EC80] =	vst v0  }
0x69: {  	[tilespmem:$0x1EC90] =	vst v0  }
0x6a: {  	[tilespmem:$0x1ECA0] =	vst v0  }
0x6b: {  	[tilespmem:$0x1ECB0] =	vst v0  }
0x6c: {  	[tilespmem:$0x1ECC0] =	vst v0  }
0x6d: {  	[tilespmem:$0x1ECD0] =	vst v0  }
0x6e: {  	[tilespmem:$0x1ECE0] =	vst v0  }
0x6f: {  	[tilespmem:$0x1ECF0] =	vst v0  }
0x70: {  	[tilespmem:$0x1ED00] =	vst v0  }
0x71: {  	[tilespmem:$0x1ED10] =	vst v0  }
0x72: {  	[tilespmem:$0x1ED20] =	vst v0  }
0x73: {  	[tilespmem:$0x1ED30] =	vst v0  }
0x74: {  	[tilespmem:$0x1ED40] =	vst v0  }
0x75: {  	[tilespmem:$0x1ED50] =	vst v0  }
0x76: {  	[tilespmem:$0x1ED60] =	vst v0  }
0x77: {  	[tilespmem:$0x1ED70] =	vst v0  }
0x78: {  	[tilespmem:$0x1ED80] =	vst v0  }
0x79: {  	[tilespmem:$0x1ED90] =	vst v0  }
0x7a: {  	[tilespmem:$0x1EDA0] =	vst v0  }
0x7b: {  	[tilespmem:$0x1EDB0] =	vst v0  }
0x7c: {  	[tilespmem:$0x1EDC0] =	vst v0  }
0x7d: {  	[tilespmem:$0x1EDD0] =	vst v0  }
0x7e: {  	[tilespmem:$0x1EDE0] =	vst v0  }
0x7f: {  	[tilespmem:$0x1EDF0] =	vst v0  }
0x80: {  	[tilespmem:$0x1EE00] =	vst v0  }
0x81: {  	[tilespmem:$0x1EE10] =	vst v0  }
0x82: {  	[tilespmem:$0x1EE20] =	vst v0  }
0x83: {  	[tilespmem:$0x1EE30] =	vst v0  }
0x84: {  	[tilespmem:$0x1EE40] =	vst v0  }
0x85: {  	[tilespmem:$0x1EE50] =	vst v0  }
0x86: {  	[tilespmem:$0x1EE60] =	vst v0  }
0x87: {  	[tilespmem:$0x1EE70] =	vst v0  }
0x88: {  	[tilespmem:$0x1EE80] =	vst v0  }
0x89: {  	[tilespmem:$0x1EE90] =	vst v0  }
0x8a: {  	[tilespmem:$0x1EEA0] =	vst v0  }
0x8b: {  	[tilespmem:$0x1EEB0] =	vst v0  }
0x8c: {  	[tilespmem:$0x1EEC0] =	vst v0  }
0x8d: {  	[tilespmem:$0x1EED0] =	vst v0  }
0x8e: {  	[tilespmem:$0x1EEE0] =	vst v0  }
0x8f: {  	[tilespmem:$0x1EEF0] =	vst v0  }
0x90: {  	[spmem:s10] =	stream.linear.scatter [tilespmem:s11], [sflag:$0xA], $0x280, $0x38;
	[tilespmem:$0x1F180] =	vst v63  }
0x91: {  	_ =	swait.ge [sflag:s14], $0x280  }
0x92: {  	[sflag:s14] =	ssyncset.done $0x0  }
0x93: {  	[sflag:s14] =	ssyncadd.s32 $0xFFFFFD80  }
0x94: {  	[tilespmem:$0x1EC00] =	vst v1  }
0x95: {  	[tilespmem:$0x1EC10] =	vst v1  }
0x96: {  	[tilespmem:$0x1EC20] =	vst v1  }
0x97: {  	p0 =	por $0x1, $0x1;
	[tilespmem:$0x1EC30] =	vst v1  }
0x98: {  	s8 =	simm.s32 @!p0 $0x5;
	[bflag:$0x0] =	sbarrier.arrive $0xFFFF  }
0x99: {  	_ =	swait.ge @!p0 [sflag:s8], $0x2000  }
0x9a: {  	[sflag:s8] =	ssyncset.done @!p0 $0x0  }
0x9b: {  	s9 =	simm.s32 @!p0 $0x9;
	[sflag:s8] =	ssyncadd.s32 @!p0 $0xFFFFE000  }
0x9c: {  	_ =	swait.ge @!p0 [sflag:s9], $0x40  }
0x9d: {  	[sflag:s9] =	ssyncset.done @!p0 $0x0  }
0x9e: {  	s11 =	simm.s32 $0x0;
	[sflag:s9] =	ssyncadd.s32 @!p0 $0xFFFFFFC0  }
0x9f: {  	v2 =	vld [tilespmem:s11+$0x0];
	_ =	sdelay $0x1  }
0xa0: {  	v3 =	vld [tilespmem:s11+$0x1400];
	_ =	sdelay $0x2  }
0xa1: {  	v4 =	vand.u32 $0xFFFF, v2  }
0xa2: {  	v2 =	vshrl.u32 v2, $0x10;
	[tilespmem:$0x2800] =	vst v4  }
0xa3: {  	v49 =	vand.u32 $0xFFFF, v3;
	[tilespmem:$0x2810] =	vst v2  }
0xa4: {  	v2 =	vshrl.u32 v3, $0x10;
	[tilespmem:$0x2A00] =	vst v49  }
0xa5: {  	[tilespmem:$0x2A10] =	vst v2  }
0xa6: {  	v2 =	vld [tilespmem:s11+$0x10]  }
0xa7: {  	v3 =	vld [tilespmem:s11+$0x1410];
	_ =	sdelay $0x3  }
0xa8: {  	v50 =	vand.u32 $0xFFFF, v2  }
0xa9: {  	v51 =	vand.u32 $0xFFFF, v3;
	[tilespmem:$0x2820] =	vst v50  }
0xaa: {  	v2 =	vshrl.u32 v2, $0x10;
	[tilespmem:$0x2A20] =	vst v51  }
0xab: {  	v3 =	vshrl.u32 v3, $0x10;
	[tilespmem:$0x2830] =	vst v2  }
0xac: {  	s16 =	simm.s32 @!p0 $0x6;
	[tilespmem:$0x2A30] =	vst v3  }
0xad: {  	[tilespmem:s19], [sflag:$0x1] =	stream.indirect.gather [hbm4b:s1+s17], $0x80, s18, s17, $0xb8;
	[tilespmem:$0x1F180] =	vst v63  }
0xae: {  	_ =	swait.ge @!p0 [sflag:s16], $0x2000  }
0xaf: {  	[sflag:s16] =	ssyncset.done @!p0 $0x0  }
0xb0: {  	[sflag:s16] =	ssyncadd.s32 @!p0 $0xFFFFE000  }
0xb1: {  	_ =	swait.ge @!p0 [sflag:s9], $0x40  }
0xb2: {  	[sflag:s9] =	ssyncset.done @!p0 $0x0  }
0xb3: {  	[sflag:s9] =	ssyncadd.s32 @!p0 $0xFFFFFFC0  }
0xb4: {  	v2 =	vld [tilespmem:s11+$0x20]  }
0xb5: {  	v3 =	vld [tilespmem:s11+$0x1420];
	_ =	sdelay $0x3  }
0xb6: {  	v52 =	vand.u32 $0xFFFF, v2  }
0xb7: {  	v53 =	vshrl.u32 v3, $0x10;
	[tilespmem:$0x2880] =	vst v52  }
0xb8: {  	v3 =	vand.u32 $0xFFFF, v3;
	[tilespmem:$0x2A90] =	vst v53  }
0xb9: {  	v2 =	vshrl.u32 v2, $0x10;
	[tilespmem:$0x2A80] =	vst v3  }
0xba: {  	[tilespmem:$0x2890] =	vst v2  }
0xbb: {  	v2 =	vld [tilespmem:s11+$0x30];
	_ =	sdelay $0x1  }
0xbc: {  	v3 =	vld [tilespmem:s11+$0x1430];
	_ =	sdelay $0x2  }
0xbd: {  	v54 =	vshrl.u32 v2, $0x10  }
0xbe: {  	v2 =	vand.u32 $0xFFFF, v2;
	[tilespmem:$0x28B0] =	vst v54  }
0xbf: {  	v55 =	vand.u32 $0xFFFF, v3;
	[tilespmem:$0x28A0] =	vst v2  }
0xc0: {  	v2 =	vshrl.u32 v3, $0x10;
	[tilespmem:$0x2AA0] =	vst v55  }
0xc1: {  	s16 =	simm.s32 @!p0 $0x7;
	[tilespmem:$0x2AB0] =	vst v2  }
0xc2: {  	[tilespmem:s21], [sflag:$0x2] =	stream.indirect.gather [hbm4b:s1+s17], $0x80, s20, s17, $0xb8;
	[tilespmem:$0x1F180] =	vst v63  }
0xc3: {  	_ =	swait.ge @!p0 [sflag:s16], $0x2000  }
0xc4: {  	[sflag:s16] =	ssyncset.done @!p0 $0x0  }
0xc5: {  	[sflag:s16] =	ssyncadd.s32 @!p0 $0xFFFFE000  }
0xc6: {  	_ =	swait.ge @!p0 [sflag:s9], $0x40  }
0xc7: {  	[sflag:s9] =	ssyncset.done @!p0 $0x0  }
0xc8: {  	[sflag:s9] =	ssyncadd.s32 @!p0 $0xFFFFFFC0  }
0xc9: {  	v2 =	vld [tilespmem:s11+$0x40]  }
0xca: {  	v3 =	vld [tilespmem:s11+$0x1440];
	_ =	sdelay $0x3  }
0xcb: {  	v56 =	vand.u32 $0xFFFF, v2  }
0xcc: {  	v57 =	vand.u32 $0xFFFF, v3;
	[tilespmem:$0x2900] =	vst v56  }
0xcd: {  	v3 =	vshrl.u32 v3, $0x10;
	[tilespmem:$0x2B00] =	vst v57  }
0xce: {  	v2 =	vshrl.u32 v2, $0x10;
	[tilespmem:$0x2B10] =	vst v3  }
0xcf: {  	[tilespmem:$0x2910] =	vst v2  }
0xd0: {  	v2 =	vld [tilespmem:s11+$0x50];
	_ =	sdelay $0x1  }
0xd1: {  	v3 =	vld [tilespmem:s11+$0x1450];
	_ =	sdelay $0x2  }
0xd2: {  	v58 =	vand.u32 $0xFFFF, v2  }
0xd3: {  	v2 =	vshrl.u32 v2, $0x10;
	[tilespmem:$0x2920] =	vst v58  }
0xd4: {  	v59 =	vand.u32 $0xFFFF, v3;
	[tilespmem:$0x2930] =	vst v2  }
0xd5: {  	v2 =	vshrl.u32 v3, $0x10;
	[tilespmem:$0x2B20] =	vst v59  }
0xd6: {  	s16 =	simm.s32 @!p0 $0x8;
	[tilespmem:$0x2B30] =	vst v2  }
0xd7: {  	[tilespmem:s23], [sflag:$0x3] =	stream.indirect.gather [hbm4b:s1+s17], $0x80, s22, s17, $0xb8;
	[tilespmem:$0x1F180] =	vst v63  }
0xd8: {  	_ =	swait.ge @!p0 [sflag:s16], $0x2000  }
0xd9: {  	[sflag:s16] =	ssyncset.done @!p0 $0x0  }
0xda: {  	[sflag:s16] =	ssyncadd.s32 @!p0 $0xFFFFE000  }
0xdb: {  	_ =	swait.ge @!p0 [sflag:s9], $0x40  }
0xdc: {  	[sflag:s9] =	ssyncset.done @!p0 $0x0  }
0xdd: {  	[sflag:s9] =	ssyncadd.s32 @!p0 $0xFFFFFFC0  }
0xde: {  	v2 =	vld [tilespmem:s11+$0x60]  }
0xdf: {  	v3 =	vld [tilespmem:s11+$0x1460];
	_ =	sdelay $0x3  }
0xe0: {  	v60 =	vand.u32 $0xFFFF, v2  }
0xe1: {  	v61 =	vand.u32 $0xFFFF, v3;
	[tilespmem:$0x2980] =	vst v60  }
0xe2: {  	v2 =	vshrl.u32 v2, $0x10;
	[tilespmem:$0x2B80] =	vst v61  }
0xe3: {  	v3 =	vshrl.u32 v3, $0x10;
	[tilespmem:$0x2990] =	vst v2  }
0xe4: {  	[tilespmem:$0x2B90] =	vst v3  }
0xe5: {  	v2 =	vld [tilespmem:s11+$0x70]  }
0xe6: {  	v3 =	vld [tilespmem:s11+$0x1470];
	_ =	sdelay $0x3  }
0xe7: {  	v62 =	vand.u32 $0xFFFF, v2  }
0xe8: {  	v63 =	vand.u32 $0xFFFF, v3;
	[tilespmem:$0x29A0] =	vst v62  }
0xe9: {  	v2 =	vshrl.u32 v2, $0x10;
	[tilespmem:$0x2BA0] =	vst v63  }
0xea: {  	v3 =	vshrl.u32 v3, $0x10;
	[tilespmem:$0x29B0] =	vst v2  }
0xeb: {  	s16 =	simm.s32 $0x200;
	[tilespmem:$0x2BB0] =	vst v3  }
.LBB2_4:
0xec: {  	[tilespmem:s25], [sflag:$0x4] =	stream.indirect.gather [hbm4b:s1+s17], $0x80, s24, s17, $0xb8;
	[tilespmem:$0x1F180] =	vst v63  }
0xed: {  	s8 =	smov.u32 s16;
	s16 =	sadd.s32 $0x200, s16;
	_ =	swait.ge [sflag:s26], $0x2000  }
0xee: {  	p0 =	sne.s32 s16, $0x5000;
	[sflag:s26] =	ssyncset.done $0x0  }
0xef: {  	[sflag:s26] =	ssyncadd.s32 $0xFFFFE000  }
0xf0: {  	[spmem:s3] =	stream.indirect.scatter.add.f32 [tilespmem:s19], [sflag:$0x5], $0x80, s28, s17, $0xb8;
	[tilespmem:$0x1F180] =	vst v63  }
0xf1: {  	_ = 	snop  }
0xf2: {  	[spmem:s4] =	stream.indirect.scatter.add.f32 [tilespmem:s29], [sflag:$0x9], $0x1, s28, s17, $0xb8;
	[tilespmem:$0x1F180] =	vst v63  }
0xf3: {  	_ =	swait.ge [sflag:s30], $0x2000  }
0xf4: {  	[sflag:s30] =	ssyncset.done $0x0  }
0xf5: {  	[sflag:s30] =	ssyncadd.s32 $0xFFFFE000  }
0xf6: {  	[spmem:s3] =	stream.indirect.scatter.add.f32 [tilespmem:s21], [sflag:$0x6], $0x80, s31, s17, $0xb8;
	[tilespmem:$0x1F180] =	vst v63  }
0xf7: {  	_ = 	snop  }
0xf8: {  	[spmem:s4] =	stream.indirect.scatter.add.f32 [tilespmem:s29], [sflag:$0x9], $0x1, s31, s17, $0xb8;
	[tilespmem:$0x1F180] =	vst v63  }
0xf9: {  	_ =	swait.ge [sflag:s2], $0x2000  }
0xfa: {  	[sflag:s2] =	ssyncset.done $0x0  }
0xfb: {  	[sflag:s2] =	ssyncadd.s32 $0xFFFFE000  }
0xfc: {  	[spmem:s3] =	stream.indirect.scatter.add.f32 [tilespmem:s23], [sflag:$0x7], $0x80, s0, s17, $0xb8;
	[tilespmem:$0x1F180] =	vst v63  }
0xfd: {  	_ = 	snop  }
0xfe: {  	[spmem:s4] =	stream.indirect.scatter.add.f32 [tilespmem:s29], [sflag:$0x9], $0x1, s0, s17, $0xb8;
	[tilespmem:$0x1F180] =	vst v63  }
0xff: {  	_ =	swait.ge [sflag:s15], $0x2000  }
0x100: {  	[sflag:s15] =	ssyncset.done $0x0  }
0x101: {  	[sflag:s15] =	ssyncadd.s32 $0xFFFFE000  }
0x102: {  	[spmem:s3] =	stream.indirect.scatter.add.f32 [tilespmem:s25], [sflag:$0x8], $0x80, s7, s17, $0xb8;
	[tilespmem:$0x1F180] =	vst v63  }
0x103: {  	p1 =	seq.s32 s8, $0x0  }
0x104: {  	[spmem:s4] =	stream.indirect.scatter.add.f32 [tilespmem:s29], [sflag:$0x9], $0x1, s7, s17, $0xb8;
	[tilespmem:$0x1F180] =	vst v63  }
0x105: {  	s9 =	simm.s32 @!p1 $0x5  }
0x106: {  	_ =	swait.ge @!p1 [sflag:s9], $0x2000  }
0x107: {  	[sflag:s9] =	ssyncset.done @!p1 $0x0  }
0x108: {  	[sflag:s9] =	ssyncadd.s32 @!p1 $0xFFFFE000;
	s9 =	simm.s32 @!p1 $0x9  }
0x109: {  	_ =	swait.ge @!p1 [sflag:s9], $0x40  }
0x10a: {  	[sflag:s9] =	ssyncset.done @!p1 $0x0  }
0x10b: {  	s8 =	sshra.s32 s8, $0x2;
	[sflag:s9] =	ssyncadd.s32 @!p1 $0xFFFFFFC0  }
0x10c: {  	v2 =	vld [tilespmem:s8+$0x0]  }
0x10d: {  	v3 =	vld [tilespmem:s8+$0x1400];
	_ =	sdelay $0x3  }
0x10e: {  	v4 =	vand.u32 $0xFFFF, v2;
	v2 =	vshrl.u32 v2, $0x10  }
0x10f: {  	[tilespmem:$0x2800] =	vst v4;
	v4 =	vand.u32 $0xFFFF, v3;
	v3 =	vshrl.u32 v3, $0x10  }
0x110: {  	[tilespmem:$0x2810] =	vst v2  }
0x111: {  	[tilespmem:$0x2A00] =	vst v4  }
0x112: {  	[tilespmem:$0x2A10] =	vst v3  }
0x113: {  	v2 =	vld [tilespmem:s8+$0x10]  }
0x114: {  	v3 =	vld [tilespmem:s8+$0x1410];
	_ =	sdelay $0x3  }
0x115: {  	v4 =	vand.u32 $0xFFFF, v2;
	v2 =	vshrl.u32 v2, $0x10  }
0x116: {  	[tilespmem:$0x2820] =	vst v4;
	v4 =	vand.u32 $0xFFFF, v3;
	v3 =	vshrl.u32 v3, $0x10  }
0x117: {  	[tilespmem:$0x2A20] =	vst v4  }
0x118: {  	[tilespmem:$0x2830] =	vst v2  }
0x119: {  	s10 =	simm.s32 @!p1 $0x6;
	[tilespmem:$0x2A30] =	vst v3  }
0x11a: {  	[tilespmem:s19], [sflag:$0x1] =	stream.indirect.gather [hbm4b:s1+s17], $0x80, s18, s17, $0xb8;
	[tilespmem:$0x1F180] =	vst v63  }
0x11b: {  	_ =	swait.ge @!p1 [sflag:s10], $0x2000  }
0x11c: {  	[sflag:s10] =	ssyncset.done @!p1 $0x0  }
0x11d: {  	[sflag:s10] =	ssyncadd.s32 @!p1 $0xFFFFE000  }
0x11e: {  	_ =	swait.ge @!p1 [sflag:s9], $0x40  }
0x11f: {  	[sflag:s9] =	ssyncset.done @!p1 $0x0  }
0x120: {  	[sflag:s9] =	ssyncadd.s32 @!p1 $0xFFFFFFC0  }
0x121: {  	v2 =	vld [tilespmem:s8+$0x20]  }
0x122: {  	v3 =	vld [tilespmem:s8+$0x1420];
	_ =	sdelay $0x3  }
0x123: {  	v4 =	vand.u32 $0xFFFF, v2;
	v2 =	vshrl.u32 v2, $0x10  }
0x124: {  	[tilespmem:$0x2880] =	vst v4;
	v4 =	vand.u32 $0xFFFF, v3;
	v3 =	vshrl.u32 v3, $0x10  }
0x125: {  	[tilespmem:$0x2A90] =	vst v3  }
0x126: {  	[tilespmem:$0x2A80] =	vst v4  }
0x127: {  	[tilespmem:$0x2890] =	vst v2  }
0x128: {  	v2 =	vld [tilespmem:s8+$0x30]  }
0x129: {  	v3 =	vld [tilespmem:s8+$0x1430];
	_ =	sdelay $0x3  }
0x12a: {  	v4 =	vand.u32 $0xFFFF, v2;
	v2 =	vshrl.u32 v2, $0x10  }
0x12b: {  	[tilespmem:$0x28B0] =	vst v2;
	v2 =	vand.u32 $0xFFFF, v3;
	v3 =	vshrl.u32 v3, $0x10  }
0x12c: {  	[tilespmem:$0x28A0] =	vst v4  }
0x12d: {  	[tilespmem:$0x2AA0] =	vst v2  }
0x12e: {  	s10 =	simm.s32 @!p1 $0x7;
	[tilespmem:$0x2AB0] =	vst v3  }
0x12f: {  	[tilespmem:s21], [sflag:$0x2] =	stream.indirect.gather [hbm4b:s1+s17], $0x80, s20, s17, $0xb8;
	[tilespmem:$0x1F180] =	vst v63  }
0x130: {  	_ =	swait.ge @!p1 [sflag:s10], $0x2000  }
0x131: {  	[sflag:s10] =	ssyncset.done @!p1 $0x0  }
0x132: {  	[sflag:s10] =	ssyncadd.s32 @!p1 $0xFFFFE000  }
0x133: {  	_ =	swait.ge @!p1 [sflag:s9], $0x40  }
0x134: {  	[sflag:s9] =	ssyncset.done @!p1 $0x0  }
0x135: {  	[sflag:s9] =	ssyncadd.s32 @!p1 $0xFFFFFFC0  }
0x136: {  	v2 =	vld [tilespmem:s8+$0x40]  }
0x137: {  	v3 =	vld [tilespmem:s8+$0x1440];
	_ =	sdelay $0x3  }
0x138: {  	v4 =	vand.u32 $0xFFFF, v2;
	v2 =	vshrl.u32 v2, $0x10  }
0x139: {  	[tilespmem:$0x2900] =	vst v4;
	v4 =	vand.u32 $0xFFFF, v3;
	v3 =	vshrl.u32 v3, $0x10  }
0x13a: {  	[tilespmem:$0x2B00] =	vst v4  }
0x13b: {  	[tilespmem:$0x2B10] =	vst v3  }
0x13c: {  	[tilespmem:$0x2910] =	vst v2  }
0x13d: {  	v2 =	vld [tilespmem:s8+$0x50]  }
0x13e: {  	v3 =	vld [tilespmem:s8+$0x1450];
	_ =	sdelay $0x3  }
0x13f: {  	v4 =	vand.u32 $0xFFFF, v2;
	v2 =	vshrl.u32 v2, $0x10  }
0x140: {  	[tilespmem:$0x2920] =	vst v4;
	v4 =	vand.u32 $0xFFFF, v3;
	v3 =	vshrl.u32 v3, $0x10  }
0x141: {  	[tilespmem:$0x2930] =	vst v2  }
0x142: {  	[tilespmem:$0x2B20] =	vst v4  }
0x143: {  	s10 =	simm.s32 @!p1 $0x8;
	[tilespmem:$0x2B30] =	vst v3  }
0x144: {  	[tilespmem:s23], [sflag:$0x3] =	stream.indirect.gather [hbm4b:s1+s17], $0x80, s22, s17, $0xb8;
	[tilespmem:$0x1F180] =	vst v63  }
0x145: {  	_ =	swait.ge @!p1 [sflag:s10], $0x2000  }
0x146: {  	[sflag:s10] =	ssyncset.done @!p1 $0x0  }
0x147: {  	[sflag:s10] =	ssyncadd.s32 @!p1 $0xFFFFE000  }
0x148: {  	_ =	swait.ge @!p1 [sflag:s9], $0x40  }
0x149: {  	[sflag:s9] =	ssyncset.done @!p1 $0x0  }
0x14a: {  	[sflag:s9] =	ssyncadd.s32 @!p1 $0xFFFFFFC0  }
0x14b: {  	v2 =	vld [tilespmem:s8+$0x60]  }
0x14c: {  	v3 =	vld [tilespmem:s8+$0x1460];
	_ =	sdelay $0x3  }
0x14d: {  	v4 =	vand.u32 $0xFFFF, v2;
	v2 =	vshrl.u32 v2, $0x10  }
0x14e: {  	[tilespmem:$0x2980] =	vst v4;
	v4 =	vand.u32 $0xFFFF, v3;
	v3 =	vshrl.u32 v3, $0x10  }
0x14f: {  	[tilespmem:$0x2B80] =	vst v4  }
0x150: {  	[tilespmem:$0x2990] =	vst v2  }
0x151: {  	[tilespmem:$0x2B90] =	vst v3  }
0x152: {  	v2 =	vld [tilespmem:s8+$0x70]  }
0x153: {  	v3 =	vld [tilespmem:s8+$0x1470];
	_ =	sdelay $0x3  }
.Ltmp1:
0x154: {  	v4 =	vand.u32 $0xFFFF, v2;
	v2 =	vshrl.u32 v2, $0x10;
	(pc) =	sbr.rel @p0 .LBB2_4-.Ltmp1, $4  }
0x155: {  	[tilespmem:$0x29A0] =	vst v4;
	v4 =	vand.u32 $0xFFFF, v3;
	v3 =	vshrl.u32 v3, $0x10  }
0x156: {  	[tilespmem:$0x2BA0] =	vst v4  }
0x157: {  	[tilespmem:$0x29B0] =	vst v2  }
0x158: {  	[tilespmem:$0x2BB0] =	vst v3  }
0x159: {  	[tilespmem:s25], [sflag:$0x4] =	stream.indirect.gather [hbm4b:s1+s17], $0x80, s24, s17, $0xb8;
	[tilespmem:$0x1F180] =	vst v63  }
0x15a: {  	_ =	swait.ge [sflag:s26], $0x2000  }
0x15b: {  	[sflag:s26] =	ssyncset.done $0x0  }
0x15c: {  	[sflag:s26] =	ssyncadd.s32 $0xFFFFE000  }
0x15d: {  	[spmem:s3] =	stream.indirect.scatter.add.f32 [tilespmem:s19], [sflag:$0x5], $0x80, s28, s17, $0xb8;
	[tilespmem:$0x1F180] =	vst v63  }
0x15e: {  	_ = 	snop  }
0x15f: {  	[spmem:s4] =	stream.indirect.scatter.add.f32 [tilespmem:s29], [sflag:$0x9], $0x1, s28, s17, $0xb8;
	[tilespmem:$0x1F180] =	vst v63  }
0x160: {  	_ =	swait.ge [sflag:s30], $0x2000  }
0x161: {  	[sflag:s30] =	ssyncset.done $0x0  }
0x162: {  	[sflag:s30] =	ssyncadd.s32 $0xFFFFE000  }
0x163: {  	[spmem:s3] =	stream.indirect.scatter.add.f32 [tilespmem:s21], [sflag:$0x6], $0x80, s31, s17, $0xb8;
	[tilespmem:$0x1F180] =	vst v63  }
0x164: {  	_ = 	snop  }
0x165: {  	[spmem:s4] =	stream.indirect.scatter.add.f32 [tilespmem:s29], [sflag:$0x9], $0x1, s31, s17, $0xb8;
	[tilespmem:$0x1F180] =	vst v63  }
0x166: {  	_ =	swait.ge [sflag:s2], $0x2000  }
0x167: {  	[sflag:s2] =	ssyncset.done $0x0  }
0x168: {  	[sflag:s2] =	ssyncadd.s32 $0xFFFFE000  }
0x169: {  	[spmem:s3] =	stream.indirect.scatter.add.f32 [tilespmem:s23], [sflag:$0x7], $0x80, s0, s17, $0xb8;
	[tilespmem:$0x1F180] =	vst v63  }
0x16a: {  	_ = 	snop  }
0x16b: {  	[spmem:s4] =	stream.indirect.scatter.add.f32 [tilespmem:s29], [sflag:$0x9], $0x1, s0, s17, $0xb8;
	[tilespmem:$0x1F180] =	vst v63  }
0x16c: {  	_ =	swait.ge [sflag:s15], $0x2000  }
0x16d: {  	[sflag:s15] =	ssyncset.done $0x0  }
0x16e: {  	[sflag:s15] =	ssyncadd.s32 $0xFFFFE000  }
0x16f: {  	[spmem:s3] =	stream.indirect.scatter.add.f32 [tilespmem:s25], [sflag:$0x8], $0x80, s7, s17, $0xb8;
	[tilespmem:$0x1F180] =	vst v63  }
0x170: {  	s8 =	simm.s32 $0x5  }
0x171: {  	[spmem:s4] =	stream.indirect.scatter.add.f32 [tilespmem:s29], [sflag:$0x9], $0x1, s7, s17, $0xb8;
	[tilespmem:$0x1F180] =	vst v63  }
0x172: {  	_ =	swait.ge [sflag:s8], $0x2000  }
0x173: {  	[sflag:s8] =	ssyncset.done $0x0  }
0x174: {  	s16 =	simm.s32 $0x9;
	[sflag:s8] =	ssyncadd.s32 $0xFFFFE000  }
0x175: {  	_ =	swait.ge [sflag:s16], $0x40  }
0x176: {  	[sflag:s16] =	ssyncset.done $0x0  }
0x177: {  	s9 =	simm.s32 $0x6;
	[sflag:s16] =	ssyncadd.s32 $0xFFFFFFC0  }
0x178: {  	_ =	swait.ge [sflag:s9], $0x2000  }
0x179: {  	[sflag:s9] =	ssyncset.done $0x0  }
0x17a: {  	[sflag:s9] =	ssyncadd.s32 $0xFFFFE000  }
0x17b: {  	_ =	swait.ge [sflag:s16], $0x40  }
0x17c: {  	[sflag:s16] =	ssyncset.done $0x0  }
0x17d: {  	s10 =	simm.s32 $0x7;
	[sflag:s16] =	ssyncadd.s32 $0xFFFFFFC0  }
0x17e: {  	_ =	swait.ge [sflag:s10], $0x2000  }
0x17f: {  	[sflag:s10] =	ssyncset.done $0x0  }
0x180: {  	[sflag:s10] =	ssyncadd.s32 $0xFFFFE000  }
0x181: {  	_ =	swait.ge [sflag:s16], $0x40  }
0x182: {  	[sflag:s16] =	ssyncset.done $0x0  }
0x183: {  	s11 =	simm.s32 $0x8;
	[sflag:s16] =	ssyncadd.s32 $0xFFFFFFC0  }
0x184: {  	_ =	swait.ge [sflag:s11], $0x2000  }
0x185: {  	[sflag:s11] =	ssyncset.done $0x0  }
0x186: {  	[sflag:s11] =	ssyncadd.s32 $0xFFFFE000  }
0x187: {  	_ =	swait.ge [sflag:s16], $0x40  }
0x188: {  	[sflag:s16] =	ssyncset.done $0x0  }
0x189: {  	[sflag:s16] =	ssyncadd.s32 $0xFFFFFFC0  }
0x18a: {  	[bflag:$0x0] =	sbarrier.arrive $0xFFFF  }
0x18b: {  	[tilespmem:s13], [sflag:$0xA] =	stream.linear.gather [spmem:s6], $0x400, $0x38;
	[tilespmem:$0x1F180] =	vst v63  }
0x18c: {  	_ =	swait.ge [sflag:s14], $0x400  }
0x18d: {  	[sflag:s14] =	ssyncset.done $0x0  }
0x18e: {  	s16 =	sadd.s32 $0x0, s12;
	[sflag:s14] =	ssyncadd.s32 $0xFFFFFC00  }
0x18f: {  	[hbm4b:s16+s5] =	stream.linear.scatter [tilespmem:s13], [sflag:$0xA], $0x400, $0x38;
	[tilespmem:$0x1F180] =	vst v63  }
0x190: {  	_ =	swait.ge [sflag:s14], $0x400  }
0x191: {  	s8 =	simm.s32 $0x80;
	s9 =	smov.u32 s6;
	[sflag:s14] =	ssyncset.done $0x0  }
.LBB2_6:
0x192: {  	p0 =	sne.s32 s8, $0x2700;
	[sflag:s14] =	ssyncadd.s32 $0xFFFFFC00;
	s9 =	sadd.s32 $0x400, s9  }
0x193: {  	[tilespmem:s13], [sflag:$0xA] =	stream.linear.gather [spmem:s9], $0x400, $0x38;
	[tilespmem:$0x1F180] =	vst v63  }
0x194: {  	s10 =	smov.u32 s8;
	s8 =	sadd.s32 $0x80, s8;
	_ =	swait.ge [sflag:s14], $0x400  }
.Ltmp2:
0x195: {  	[sflag:s14] =	ssyncset.done $0x0;
	(pc) =	sbr.rel @p0 .LBB2_6-.Ltmp2, $4  }
0x196: {  	s10 =	sadd.s32 s10, s12;
	[sflag:s14] =	ssyncadd.s32 $0xFFFFFC00  }
0x197: {  	[hbm4b:s10+s5] =	stream.linear.scatter [tilespmem:s13], [sflag:$0xA], $0x400, $0x38;
	[tilespmem:$0x1F180] =	vst v63  }
0x198: {  	_ =	swait.ge [sflag:s14], $0x400  }
0x199: {  	[sflag:s14] =	ssyncset.done $0x0  }
0x19a: {  	[sflag:s14] =	ssyncadd.s32 $0xFFFFFC00;
	s10 =	rddreg [dreg:$0x7];
	s9 =	simm.s32 $0x1EC80  }
0x19b: {  	[tilespmem:s9], [sflag:$0xA] =	stream.linear.gather [spmem:s10], $0x280, $0x38;
	[tilespmem:$0x1F180] =	vst v63  }
0x19c: {  	_ =	swait.ge [sflag:s14], $0x280  }
0x19d: {  	[sflag:s14] =	ssyncset.done $0x0  }
0x19e: {  	s8 =	rddreg [dreg:$0x8];
	[sflag:s14] =	ssyncadd.s32 $0xFFFFFD80  }
0x19f: {  	[hbm4b:s8+s5] =	stream.linear.scatter [tilespmem:s9], [sflag:$0xA], $0x280, $0x38;
	[tilespmem:$0x1F180] =	vst v63  }
0x1a0: {  	_ =	swait.ge [sflag:s14], $0x280  }
0x1a1: {  	s8 =	rddreg [dreg:$0xa]  }
0x1a2: {  	s16 =	rddreg [dreg:$0x9];
	s9 =	sadd.s32 $0x1, s8  }
0x1a3: {  	p0 =	sne.s32 s9, s16  }
.Ltmp3:
0x1a4: {  	_ = 	snop;
	(pc) =	sbr.rel @p0 .LBB2_1-.Ltmp3, $3  }
0x1a5: {  	_ =	sdelay $0x1  }
0x1a6: {  	[sflag:s14] =	ssyncset.done $0x0  }
0x1a7: {  	s11 =	simm.s32 $0x1EC80;
	[sflag:s14] =	ssyncadd.s32 $0xFFFFFD80  }
0x1a8: {  	_ =	sfence.sel $0x180000  }
0x1a9: {  	[bflag:$0x0] =	sbarrier.arrive $0xFFFF  }
0x1aa: {  	_ =	strace $0x90000047  }
0x1ab: {  	s0 =	stileid.u32;
	[bflag:$0x2] =	sbarrier.arrive $0xFFFF  }
0x1ac: {  	p0 =	sne.s32 s0, $0x0;
	s0 =	rddreg [dreg:$0x4]  }
0x1ad: {  	s0 =	sadd.s32 @!p0 $0x100000, s0  }
0x1ae: {  	[sflag:s0] =	ssyncadd.tile.s32 @!p0 $0x1;
	_ =	shalt  }
.Lfunc_end2:
_tile_overlayer_lowered:
.L_overlay_start_2:
0x1af: {  	(tag) =	ssettag $0x2  }
0x1b0: {  	s0 =	rddreg [dreg:$0x0];
	s2 =	stileid.u32  }
0x1b1: {  	s1 =	rddreg [dreg:$0x1];
	p0 =	sne.s32 s2, $0x0  }
0x1b2: {  	s3 =	rddreg [dreg:$0x2];
	[bflag:$0x3] =	sbarrier.arrive $0xFFFF;
	s2 =	simm.s32 @!p0 $0x1C0A  }
0x1b3: {  	[timem:s3], [sflag:s2] =	dma.local @!p0 [hbm:s0], s1  }
0x1b4: {  	s0 =	simm.s32 @!p0 $0xA  }
0x1b5: {  	_ =	swait.ge @!p0 [sflag:s0], s1  }
0x1b6: {  	s1 =	ssub.s32 @!p0 $0x0, s1;
	[sflag:s0] =	ssyncset.done @!p0 $0x0  }
0x1b7: {  	[sflag:s0] =	ssyncadd.s32 @!p0 s1  }
0x1b8: {  	[bflag:$0x3] =	sbarrier.arrive $0xFFFF  }
0x1b9: {  	_ =	shalt  }

</sc_bundles>
